<compile_context>
chip_gen: v7x
topology: tpu7x:2x2x1
jax: 0.10.2.dev20260603
libtpu: 0.0.44.dev20260713+nightly
codegen_flags: <defaults>
</compile_context>

<pallas_src>
import functools

import jax
import jax.numpy as jnp
import numpy as np
from jax import lax
from jax.experimental import pallas as pl
from jax.experimental.pallas import tpu as pltpu
from jax.experimental.pallas import tpu_sc as plsc

_BN = 1.0 / np.sqrt(1.0 + 1e-5)


def _b16(v):
    return v.astype(jnp.bfloat16).astype(jnp.float32)


def _fps_body(npoint, sub, lanes, has_tbl, *refs):
    if has_tbl:
        xs, ys, zs, tbl, inds, fp2, nx, ny, nz, dists = refs
    else:
        xs, ys, zs, inds, nx, ny, nz, dists = refs
        tbl = fp2 = None
    B = xs.shape[0]
    NS = npoint // 128
    iota3 = jnp.broadcast_to(
        (lax.broadcasted_iota(jnp.int32, (sub, lanes), 0) * lanes
         + lax.broadcasted_iota(jnp.int32, (sub, lanes), 1))[None],
        (B, sub, lanes))
    oiota = jnp.broadcast_to(
        (lax.broadcasted_iota(jnp.int32, (NS, 128), 0) * 128
         + lax.broadcasted_iota(jnp.int32, (NS, 128), 1))[None],
        (B, NS, 128))
    NINF = jnp.float32(-np.inf)

    dists[...] = jnp.full((B, sub, lanes), 1e10, jnp.float32)

    def ext(sel, arr, fill):
        return jnp.max(jnp.where(sel, arr, fill), axis=(1, 2),
                       keepdims=True)

    def step(i, carry):
        f, ai, af, ax, ay, az = carry
        sel = iota3 == f
        xb = xs[...]
        yb = ys[...]
        zb = zs[...]
        cx = ext(sel, xb, NINF)
        cy = ext(sel, yb, NINF)
        cz = ext(sel, zb, NINF)
        here = oiota == i
        ai = jnp.where(here, f, ai)
        ax = jnp.where(here, cx, ax)
        ay = jnp.where(here, cy, ay)
        az = jnp.where(here, cz, az)
        if has_tbl:
            af = jnp.where(here, ext(sel, tbl[...], -1), af)
        dx = xb - cx
        dy = yb - cy
        dz = zb - cz
        d = (dx * dx + dy * dy) + dz * dz
        dmin = jnp.minimum(dists[...], d)
        dists[...] = dmin
        m = jnp.max(dmin, axis=(1, 2), keepdims=True)
        nf = jnp.min(jnp.where(dmin == m, iota3, sub * lanes), axis=(1, 2),
                     keepdims=True)
        return nf, ai, af, ax, ay, az

    z = lambda dt: jnp.zeros((B, NS, 128), dt)
    _, ai, af, ax, ay, az = lax.fori_loop(
        0, npoint, step,
        (jnp.zeros((B, 1, 1), jnp.int32), z(jnp.int32), z(jnp.int32),
         z(jnp.float32), z(jnp.float32), z(jnp.float32)),
        unroll=False)
    inds[...] = ai
    nx[...] = ax
    ny[...] = ay
    nz[...] = az
    if has_tbl:
        fp2[...] = af


def _fps(xyz, npoint, tbl=None):
    B, N, _ = xyz.shape
    lanes = 1024
    sub = N // lanes
    NS = npoint // 128
    xs = xyz[:, :, 0].reshape(B, sub, lanes)
    ys = xyz[:, :, 1].reshape(B, sub, lanes)
    zs = xyz[:, :, 2].reshape(B, sub, lanes)
    out_types = [jax.ShapeDtypeStruct((B, NS, 128), jnp.int32)]
    if tbl is not None:
        out_types.append(jax.ShapeDtypeStruct((B, NS, 128), jnp.int32))
        tbl = tbl.reshape(B, N // lanes, lanes)
    out_types += [jax.ShapeDtypeStruct((B, NS, 128), jnp.float32)] * 3
    args = (xs, ys, zs) + (() if tbl is None else (tbl,))
    outs = pl.pallas_call(
        functools.partial(_fps_body, npoint, sub, lanes, tbl is not None),
        out_shape=tuple(out_types),
        scratch_shapes=[pltpu.VMEM((B, sub, lanes), jnp.float32)],
    )(*args)
    outs = tuple(o.reshape(B, npoint) for o in outs)
    if tbl is not None:
        return outs
    inds, nx, ny, nz = outs
    return inds, None, nx, ny, nz


def _bq_body(nsample, r2, N, qx, qy, qz, xs, ys, zs, idx_out, val):
    b = pl.program_id(0)
    BM = qx.shape[-2]
    qxc = qx[0, 0]
    qyc = qy[0, 0]
    qzc = qz[0, 0]
    qsq = qxc * qxc + qyc * qyc + qzc * qzc
    xr = xs[0]
    yr = ys[0]
    zr = zs[0]
    xsq = xr * xr + yr * yr + zr * zr
    dot = (_b16(qxc) * _b16(xr) + _b16(qyc) * _b16(yr)) \
        + _b16(qzc) * _b16(zr)
    D = jnp.maximum((qsq - 2.0 * dot) + xsq, 0.0)
    io = lax.broadcasted_iota(jnp.int32, (BM, N), 1)
    val[...] = jnp.where(D < r2, io, N)

    v = val[...]
    m0 = jnp.min(v, axis=1, keepdims=True)
    val[...] = jnp.where(v == m0, N, v)
    out0 = jnp.broadcast_to(m0, (BM, nsample))

    def cond(carry):
        s, _, active = carry
        return jnp.logical_and(s < nsample, active)

    def body(carry):
        s, out_acc, _ = carry
        v = val[...]
        m = jnp.min(v, axis=1, keepdims=True)
        live = m < N
        rec = jnp.where(live, m, out_acc[:, 0:1])
        kio = lax.broadcasted_iota(jnp.int32, (BM, nsample), 1)
        out_acc = jnp.where(kio == s, jnp.broadcast_to(rec, (BM, nsample)),
                            out_acc)
        val[...] = jnp.where(v == m, N, v)
        return s + 1, out_acc, jnp.any(live)

    _, out_acc, _ = lax.while_loop(
        cond, body, (jnp.int32(1), out0, jnp.bool_(True)))
    idx_out[0] = jnp.minimum(out_acc, N - 1) + b * N


def _ball_query(new_xyz, xyz, radius, nsample, bm):
    B, M, _ = new_xyz.shape
    N = xyz.shape[1]
    qx, qy, qz = (new_xyz[:, :, i].reshape(B, M // bm, bm, 1)
                  for i in range(3))
    xs, ys, zs = (xyz[:, :, i].reshape(B, 1, N) for i in range(3))
    grid = (B, M // bm)
    qspec = pl.BlockSpec((1, 1, bm, 1), lambda b, i: (b, i, 0, 0))
    xspec = pl.BlockSpec((1, 1, N), lambda b, i: (b, 0, 0))
    return pl.pallas_call(
        functools.partial(_bq_body, nsample, radius * radius, N),
        grid=grid,
        in_specs=[qspec] * 3 + [xspec] * 3,
        out_specs=pl.BlockSpec((1, bm, nsample), lambda b, i: (b, i, 0)),
        out_shape=jax.ShapeDtypeStruct((B, M, nsample), jnp.int32),
        scratch_shapes=[pltpu.VMEM((bm, N), jnp.int32)],
    )(qx, qy, qz, xs, ys, zs)


def _tknn_body(K, N, qx, qy, qz, xs, ys, zs, idx_out, val):
    b = pl.program_id(0)
    BM = qx.shape[-2]
    INF = jnp.float32(np.inf)
    qxc = qx[0, 0]
    qyc = qy[0, 0]
    qzc = qz[0, 0]
    qsq = qxc * qxc + qyc * qyc + qzc * qzc
    xr = xs[0]
    yr = ys[0]
    zr = zs[0]
    xsq = xr * xr + yr * yr + zr * zr
    dot = (_b16(qxc) * _b16(xr) + _b16(qyc) * _b16(yr)) \
        + _b16(qzc) * _b16(zr)
    val[...] = jnp.maximum((qsq - 2.0 * dot) + xsq, 0.0)
    io = lax.broadcasted_iota(jnp.int32, (BM, N), 1)

    def step(s, out_acc):
        v = val[...]
        m = jnp.min(v, axis=1, keepdims=True)
        sel = jnp.min(jnp.where(v == m, io, N), axis=1, keepdims=True)
        val[...] = jnp.where(io == sel, INF, v)
        kio = lax.broadcasted_iota(jnp.int32, (BM, K), 1)
        return jnp.where(kio == s, jnp.broadcast_to(sel, (BM, K)), out_acc)

    out_acc = lax.fori_loop(0, K, step, jnp.zeros((BM, K), jnp.int32),
                            unroll=False)
    idx_out[0] = out_acc + b * N


def _tknn(xyz, K, bm):
    B, M, _ = xyz.shape
    qx, qy, qz = (xyz[:, :, i].reshape(B, M // bm, bm, 1) for i in range(3))
    xs, ys, zs = (xyz[:, :, i].reshape(B, 1, M) for i in range(3))
    grid = (B, M // bm)
    qspec = pl.BlockSpec((1, 1, bm, 1), lambda b, i: (b, i, 0, 0))
    xspec = pl.BlockSpec((1, 1, M), lambda b, i: (b, 0, 0))
    return pl.pallas_call(
        functools.partial(_tknn_body, K, M),
        grid=grid,
        in_specs=[qspec] * 3 + [xspec] * 3,
        out_specs=pl.BlockSpec((1, bm, K), lambda b, i: (b, i, 0)),
        out_shape=jax.ShapeDtypeStruct((B, M, K), jnp.int32),
        scratch_shapes=[pltpu.VMEM((bm, M), jnp.float32)],
    )(qx, qy, qz, xs, ys, zs)


def _sc_gather(table, idx):
    D = table.shape[1]
    R = idx.shape[0]
    NW = 32
    CR = 128 if D <= 300 else 64
    idx2d = idx.reshape(R // CR, CR)
    chunks_w = R // NW // CR
    mesh = plsc.VectorSubcoreMesh(core_axis_name="c", subcore_axis_name="s")

    @functools.partial(
        pl.kernel, mesh=mesh,
        compiler_params=pltpu.CompilerParams(use_tc_tiling_on_sc=False),
        out_type=jax.ShapeDtypeStruct((R, D), jnp.float32),
        scratch_types=[
            pltpu.VMEM((chunks_w, CR), jnp.int32),
            pltpu.VMEM((CR, D), jnp.float32),
            pltpu.VMEM((CR, D), jnp.float32),
            pltpu.SemaphoreType.DMA,
            pltpu.SemaphoreType.DMA,
        ],
    )
    def k(table_hbm, idx_hbm, out_hbm, idx_v, rows0, rows1, sem0, sem1):
        wid = lax.axis_index("s") * 2 + lax.axis_index("c")
        cbase = wid * chunks_w
        pltpu.sync_copy(idx_hbm.at[pl.ds(cbase, chunks_w)], idx_v)
        rows = (rows0, rows1)
        sems = (sem0, sem1)
        pltpu.async_copy(table_hbm.at[idx_v.at[0]], rows0, sem0)

        def body(c, _):
            cur = lax.rem(c, 2)
            for par in range(2):
                @pl.when(cur == par)
                def _():
                    @pl.when(c + 1 < chunks_w)
                    def _():
                        pltpu.async_copy(
                            table_hbm.at[idx_v.at[c + 1]], rows[1 - par],
                            sems[1 - par])

                    pltpu.make_async_copy(
                        table_hbm.at[idx_v.at[c]], rows[par],
                        sems[par]).wait()
                    pltpu.sync_copy(
                        rows[par], out_hbm.at[pl.ds((cbase + c) * CR, CR)])
            return 0

        lax.fori_loop(0, chunks_w, body, 0, unroll=False)

    return k(table, idx2d)


def _sa_mlp_body(g, q, srow, w1, w2, w3, out):
    s = pl.program_id(1)
    x = (g[0] - q[...]) * srow[...]
    x = jnp.maximum(jnp.dot(_b16(x), w1[...],
                            preferred_element_type=jnp.float32) * _BN, 0.0)
    x = jnp.maximum(jnp.dot(_b16(x), w2[...],
                            preferred_element_type=jnp.float32) * _BN, 0.0)
    x = jnp.maximum(jnp.dot(_b16(x), w3[...],
                            preferred_element_type=jnp.float32) * _BN, 0.0)

    @pl.when(s == 0)
    def _():
        out[...] = x

    @pl.when(s > 0)
    def _():
        out[...] = jnp.maximum(out[...], x)


def _sa_mlp(gathered, qpad, srow, w1t, w2t, w3t, S, bmm):
    RQ, C = qpad.shape
    Cout = w3t.shape[1]
    grid = (RQ // bmm, S)
    full = lambda shape: pl.BlockSpec(shape, lambda i, s: tuple(
        0 for _ in shape))
    return pl.pallas_call(
        _sa_mlp_body,
        grid=grid,
        in_specs=[
            pl.BlockSpec((1, bmm, C), lambda i, s: (s, i, 0)),
            pl.BlockSpec((bmm, C), lambda i, s: (i, 0)),
            full((1, C)), full(w1t.shape), full(w2t.shape), full(w3t.shape),
        ],
        out_specs=pl.BlockSpec((bmm, Cout), lambda i, s: (i, 0)),
        out_shape=jax.ShapeDtypeStruct((RQ, Cout), jnp.float32),
    )(gathered, qpad, srow, w1t, w2t, w3t)


def _tproj_body(f, qpad, fc1t, b1, wqt, wkt, wvt, qout, tout):
    x = jnp.dot(_b16(f[0]), fc1t[...],
                preferred_element_type=jnp.float32) + b1[...]
    xb = _b16(x)
    qout[0] = jnp.dot(xb, wqt[...], preferred_element_type=jnp.float32)
    kk = jnp.dot(xb, wkt[...], preferred_element_type=jnp.float32)
    vv = jnp.dot(xb, wvt[...], preferred_element_type=jnp.float32)
    tout[0] = jnp.concatenate([kk, vv, qpad[0]], axis=1)


def _tproj(f, qpad, fc1t, b1, wqt, wkt, wvt, bmp):
    B, M, din = f.shape
    d = fc1t.shape[1]
    grid = (B, M // bmp)
    full = lambda shape: pl.BlockSpec(shape, lambda b, i: (0, 0))
    return pl.pallas_call(
        _tproj_body,
        grid=grid,
        in_specs=[
            pl.BlockSpec((1, bmp, din), lambda b, i: (b, i, 0)),
            pl.BlockSpec((1, bmp, 16), lambda b, i: (b, i, 0)),
            full(fc1t.shape), full(b1.shape), full(wqt.shape),
            full(wkt.shape), full(wvt.shape),
        ],
        out_specs=[
            pl.BlockSpec((1, bmp, d), lambda b, i: (b, i, 0)),
            pl.BlockSpec((1, bmp, 2 * d + 16), lambda b, i: (b, i, 0)),
        ],
        out_shape=[
            jax.ShapeDtypeStruct((B, M, d), jnp.float32),
            jax.ShapeDtypeStruct((B, M, 2 * d + 16), jnp.float32),
        ],
    )(f, qpad, fc1t, b1, wqt, wkt, wvt)


def _tattn_body(K, d, g, q, qpad, pre, d1t, bd1, d2t, bd2, g1t, bg1, g2t,
                bg2, fc2t, bfc2, out):
    bma = q.shape[0]
    R = bma * K
    gg = g[...]
    kk = gg[:, :d]
    vv = gg[:, d:2 * d]
    kx = gg[:, 2 * d:]
    qxr = jnp.reshape(
        jnp.broadcast_to(qpad[...][:, None, :], (bma, K, 16)), (R, 16))
    delta = qxr - kx
    pos = jnp.maximum(
        jnp.dot(_b16(delta), d1t[...], preferred_element_type=jnp.float32)
        + bd1[...], 0.0)
    pos = jnp.dot(_b16(pos), d2t[...],
                  preferred_element_type=jnp.float32) + bd2[...]
    qrep = jnp.reshape(
        jnp.broadcast_to(q[...][:, None, :], (bma, K, d)), (R, d))
    gq = qrep - kk + pos
    attn = jnp.maximum(
        jnp.dot(_b16(gq), g1t[...], preferred_element_type=jnp.float32)
        + bg1[...], 0.0)
    attn = (jnp.dot(_b16(attn), g2t[...], preferred_element_type=jnp.float32)
            + bg2[...])
    a3 = jnp.reshape(attn * jnp.float32(1.0 / np.sqrt(d)), (bma, K, d))
    mx = jnp.max(a3, axis=1, keepdims=True)
    e = jnp.exp(a3 - mx)
    w = e / jnp.sum(e, axis=1, keepdims=True)
    contrib = w * jnp.reshape(vv + pos, (bma, K, d))
    res = jnp.sum(contrib, axis=1)
    out[...] = (jnp.dot(_b16(res), fc2t[...],
                        preferred_element_type=jnp.float32)
                + bfc2[...] + pre[...])


def _tattn(gathered, q2, qpad2, pre2, p, K, d, bma):
    RQ = q2.shape[0]
    bt = lambda w: w.T.astype(jnp.bfloat16)
    d1t = jnp.pad(p['d1_w'], ((0, 0), (0, 13))).T.astype(jnp.bfloat16)
    args = [gathered, q2, qpad2, pre2,
            d1t, p['d1_b'][None, :], bt(p['d2_w']), p['d2_b'][None, :],
            bt(p['g1_w']), p['g1_b'][None, :], bt(p['g2_w']),
            p['g2_b'][None, :], bt(p['fc2_w']), p['fc2_b'][None, :]]
    grid = (RQ // bma,)
    full = lambda a: pl.BlockSpec(a.shape, lambda i: (0, 0))
    return pl.pallas_call(
        functools.partial(_tattn_body, K, d),
        grid=grid,
        in_specs=[
            pl.BlockSpec((bma * K, 2 * d + 16), lambda i: (i, 0)),
            pl.BlockSpec((bma, d), lambda i: (i, 0)),
            pl.BlockSpec((bma, 16), lambda i: (i, 0)),
            pl.BlockSpec((bma, d), lambda i: (i, 0)),
        ] + [full(a) for a in args[4:]],
        out_specs=pl.BlockSpec((bma, d), lambda i: (i, 0)),
        out_shape=jax.ShapeDtypeStruct((RQ, d), jnp.float32),
    )(*args)


def _sa_module(xyz, feats, npoint, radius, nsample, weights, bm, bmm,
               tbl=None):
    B, N, _ = xyz.shape
    C = feats.shape[2]
    inds, fp2, nx, ny, nz = _fps(xyz, npoint, tbl)
    new_xyz = jnp.stack([nx, ny, nz], axis=-1)
    idx = _ball_query(new_xyz, xyz, radius, nsample, bm)

    Cp = 16 if C == 3 else ((3 + C + 15) // 16) * 16
    table = jnp.concatenate(
        [xyz, feats, jnp.zeros((B, N, Cp - 3 - C), jnp.float32)],
        axis=2).reshape(B * N, Cp)
    idx_sm = jnp.transpose(idx, (2, 0, 1)).reshape(-1)
    gathered = _sc_gather(table, idx_sm).reshape(nsample, B * npoint, Cp)

    qpad = jnp.pad(new_xyz.reshape(B * npoint, 3), ((0, 0), (0, Cp - 3)))
    srow = jnp.concatenate(
        [jnp.full((1, 3), 1.0 / radius, jnp.float32),
         jnp.ones((1, C), jnp.float32),
         jnp.zeros((1, Cp - 3 - C), jnp.float32)], axis=1)
    w1, w2, w3 = weights
    w1t = jnp.pad(w1, ((0, 0), (0, Cp - 3 - C))).T.astype(jnp.bfloat16)
    nf = _sa_mlp(gathered, qpad, srow, w1t, w2.T.astype(jnp.bfloat16),
                 w3.T.astype(jnp.bfloat16), nsample, bmm)
    return new_xyz, nf.reshape(B, npoint, w3.shape[0]), inds, fp2


def _transformer(xyz, f, p, K, bm, bmp, bma):
    B, M, d = f.shape
    qpad3 = jnp.pad(xyz.reshape(B * M, 3),
                    ((0, 0), (0, 13))).reshape(B, M, 16)
    q, tablef = _tproj(f, qpad3, p['fc1_w'].T.astype(jnp.bfloat16),
                       p['fc1_b'][None, :],
                       p['wq'].T.astype(jnp.bfloat16),
                       p['wk'].T.astype(jnp.bfloat16),
                       p['wv'].T.astype(jnp.bfloat16), bmp)
    knn = _tknn(xyz, K, bm)
    knn_qm = knn.reshape(-1)
    gathered = _sc_gather(tablef.reshape(B * M, 2 * d + 16), knn_qm)
    res = _tattn(gathered, q.reshape(B * M, d), qpad3.reshape(B * M, 16),
                 f.reshape(B * M, d), p, K, d, bma)
    return res.reshape(B, M, d)


def kernel(pointcloud, params):
    xyz = pointcloud[..., :3]
    feats = pointcloud[..., 3:]
    xyz1, f1, inds1, _ = _sa_module(
        xyz, feats, 2048, 0.04, 64, params['sa1'], bm=64, bmm=512)
    f1 = _transformer(xyz1, f1, params['t1'], 16, bm=128, bmp=256, bma=32)
    xyz2, f2, inds2, fp2_inds = _sa_module(
        xyz1, f1, 1024, 0.1, 32, params['sa2'], bm=128, bmm=256, tbl=inds1)
    f2 = _transformer(xyz2, f2, params['t2'], 16, bm=128, bmp=256, bma=16)
    return jnp.transpose(f2, (0, 2, 1)), xyz2, fp2_inds

# --- scband reference (transcript-rebuilt; emitter-appended) ---
"""Pipeline reference for scband-point-transformer-backbone-light-8985071583880 (READ-ONLY COPY).

The authoritative reference and input builder live on the scoring server;
editing this copy changes nothing except your own understanding.
"""

import jax, jax.numpy as jnp
import numpy as np

BN_SCALE = 1.0 / np.sqrt(1.0 + 1e-5)  # fresh-init BatchNorm in eval mode == scale by 1/sqrt(1+eps)


def index_points(points, idx):
    B = points.shape[0]
    batch = jnp.arange(B).reshape((B,) + (1,) * (idx.ndim - 1))
    return points[batch, idx]


def pairwise_sqdist(a, b):
    return jnp.maximum(
        jnp.sum(a ** 2, -1)[:, :, None]
        - 2.0 * jnp.einsum('bnd,bmd->bnm', a, b)
        + jnp.sum(b ** 2, -1)[:, None, :], 0.0)


def fps(xyz, npoint):
    B, N, _ = xyz.shape
    def step(carry, _):
        dists, farthest = carry
        centroid = jnp.take_along_axis(xyz, farthest[:, None, None], axis=1)
        d = jnp.sum((xyz - centroid) ** 2, -1)
        dists = jnp.minimum(dists, d)
        nxt = jnp.argmax(dists, -1).astype(jnp.int32)
        return (dists, nxt), farthest
    (_, _), inds = jax.lax.scan(
        step, (jnp.full((B, N), 1e10, xyz.dtype), jnp.zeros((B,), jnp.int32)),
        None, length=npoint)
    return inds.T  # (B, npoint)


def ball_query(radius, nsample, xyz, new_xyz):
    N = xyz.shape[1]
    sqd = pairwise_sqdist(jax.lax.stop_gradient(new_xyz), jax.lax.stop_gradient(xyz))
    cand = jnp.where(sqd < radius * radius, jnp.arange(N)[None, None, :], N)
    idx = jnp.sort(cand, axis=-1)[..., :nsample]
    idx = jnp.where(idx == N, idx[..., :1], idx)  # pad empty slots with first in-ball idx
    return idx


def sa_module(xyz, features, npoint, radius, nsample, weights):
    # PointnetSAModuleVotes: FPS -> ball query -> group(use_xyz, normalize_xyz) -> shared MLP -> max pool
    inds = fps(jax.lax.stop_gradient(xyz), npoint)
    new_xyz = index_points(xyz, inds)
    idx = ball_query(radius, nsample, xyz, new_xyz)
    grouped_xyz = (index_points(xyz, idx) - new_xyz[:, :, None, :]) / radius
    feats = jnp.transpose(features, (0, 2, 1))
    x = jnp.concatenate([grouped_xyz, index_points(feats, idx)], axis=-1)
    for W in weights:
        x = jax.nn.relu((x @ W.T) * BN_SCALE)
    new_features = jnp.max(x, axis=2)
    return new_xyz, jnp.transpose(new_features, (0, 2, 1)), inds


def transformer_block(xyz, features, p, k):
    f = jnp.transpose(features, (0, 2, 1))
    dists = pairwise_sqdist(xyz, xyz)
    knn_idx = jnp.argsort(jax.lax.stop_gradient(dists), axis=-1)[:, :, :k]
    knn_xyz = index_points(xyz, knn_idx)
    pre = f
    x = f @ p['fc1_w'].T + p['fc1_b']
    q = x @ p['wq'].T
    kk = index_points(x @ p['wk'].T, knn_idx)
    v = index_points(x @ p['wv'].T, knn_idx)
    delta = xyz[:, :, None, :] - knn_xyz
    pos_enc = jax.nn.relu(delta @ p['d1_w'].T + p['d1_b']) @ p['d2_w'].T + p['d2_b']
    g = q[:, :, None, :] - kk + pos_enc
    attn = jax.nn.relu(g @ p['g1_w'].T + p['g1_b']) @ p['g2_w'].T + p['g2_b']
    attn = jax.nn.softmax(attn / jnp.sqrt(kk.shape[-1] * 1.0), axis=-2)
    res = jnp.einsum('bmnf,bmnf->bmf', attn, v + pos_enc)
    res = res @ p['fc2_w'].T + p['fc2_b'] + pre
    return jnp.transpose(res, (0, 2, 1))


def forward(pointcloud, params):
    xyz = pointcloud[..., :3]
    features = jnp.transpose(pointcloud[..., 3:], (0, 2, 1))
    xyz1, f1, inds1 = sa_module(xyz, features, 2048, 0.04, 64, params['sa1'])
    f1 = transformer_block(xyz1, f1, params['t1'], 16)
    xyz2, f2, inds2 = sa_module(xyz1, f1, 1024, 0.1, 32, params['sa2'])
    f2 = transformer_block(xyz2, f2, params['t2'], 16)
    fp2_inds = jnp.take_along_axis(inds1, inds2, axis=1)
    return f2, xyz2, fp2_inds


def _lin(key, out_d, in_d):
    return (jax.random.normal(key, (out_d, in_d), jnp.float32) / np.sqrt(in_d)).astype(jnp.float32)


def _tparams(key, d_points, d_model):
    ks = jax.random.split(key, 9)
    z = lambda d: jnp.zeros((d,), jnp.float32)
    return {'fc1_w': _lin(ks[0], d_model, d_points), 'fc1_b': z(d_model),
            'fc2_w': _lin(ks[1], d_points, d_model), 'fc2_b': z(d_points),
            'd1_w': _lin(ks[2], d_model, 3), 'd1_b': z(d_model),
            'd2_w': _lin(ks[3], d_model, d_model), 'd2_b': z(d_model),
            'g1_w': _lin(ks[4], d_model, d_model), 'g1_b': z(d_model),
            'g2_w': _lin(ks[5], d_model, d_model), 'g2_b': z(d_model),
            'wq': _lin(ks[6], d_model, d_model),
            'wk': _lin(ks[7], d_model, d_model),
            'wv': _lin(ks[8], d_model, d_model)}


def setup_inputs(seed: int = 0):
    key = jax.random.key(seed)
    k1, k2, k3, k4, k5 = jax.random.split(key, 5)
    pointcloud = jax.random.uniform(k1, (4, 8192, 6), jnp.float32)
    sa1_ch = [6, 64, 64, 128]   # (input_feature_dim=3) + xyz(3)
    sa2_ch = [131, 128, 128, 256]  # 128 + xyz(3)
    ks1 = jax.random.split(k2, 3)
    sa1 = [_lin(ks1[i], sa1_ch[i + 1], sa1_ch[i]) for i in range(3)]
    ks2 = jax.random.split(k3, 3)
    sa2 = [_lin(ks2[i], sa2_ch[i + 1], sa2_ch[i]) for i in range(3)]
    params = {'sa1': sa1, 'sa2': sa2,
              't1': _tparams(k4, 128, 128), 't2': _tparams(k5, 256, 256)}
    return {'pointcloud': pointcloud, 'params': params}


def reference(pointcloud, params):
    return forward(pointcloud, params)

if __name__ == "__main__":
    import jax
    _d = setup_inputs()
    print(jax.jit(kernel)(*tuple(_d.values())))

</pallas_src>

<mosaic_0001>
#map = affine_map<(d0, d1) -> (0, 0)>
module attributes {stable_mosaic.version = 14 : i64} {
  func.func @k(%arg0: i32, %arg1: i32, %arg2: memref<32768x16xf32, #tpu.memory_space<hbm>>, %arg3: memref<4096x128xi32, #tpu.memory_space<hbm>>, %arg4: memref<524288x16xf32, #tpu.memory_space<hbm>>, %arg5: memref<128x128xi32, #tpu.memory_space<vmem>>, %arg6: memref<128x16xf32, #tpu.memory_space<vmem>>, %arg7: memref<128x16xf32, #tpu.memory_space<vmem>>, %arg8: memref<!tpu.dma_semaphore, #tpu.memory_space<semaphore_mem>>, %arg9: memref<!tpu.dma_semaphore, #tpu.memory_space<semaphore_mem>>) attributes {dimension_semantics = [#tpu.dimension_semantics<core_parallel>, #tpu.dimension_semantics<subcore_parallel>], iteration_bounds = array<i64: 2, 16>, scalar_prefetch = 0 : i64, scratch_operands = 5 : i64, tpu.core_type = #tpu.core_type<sc_vector_subcore>, window_params = [{transform_indices = #map}, {transform_indices = #map}, {transform_indices = #map}]} {
    %mul3A = arith.constant 2 : i32
    %mul3A_0 = arith.muli %arg1, %mul3A : i32
    %add3A = arith.addi %mul3A_0, %arg0 : i32
    %mul3A_1 = arith.constant 128 : i32
    %mul3A_2 = arith.muli %add3A, %mul3A_1 : i32
    "tpu.region"() ({
      %run_scoped3A = tpu.sem_alloc : memref<!tpu.dma_semaphore, #tpu.memory_space<semaphore_mem>>
      %dma_start3A_15 = arith.constant 0 : i32
      %dma_start3A_16 = tpu.memref_slice %arg3[%mul3A_2, %dma_start3A_15] : memref<4096x128xi32, #tpu.memory_space<hbm>> -> memref<128x128xi32, #tpu.memory_space<hbm>>
      %dma_start3A_17 = arith.constant 0 : i32
      %dma_start3A_18 = tpu.memref_slice %arg3[%mul3A_2, %dma_start3A_17] : memref<4096x128xi32, #tpu.memory_space<hbm>> -> memref<128x128xi32, #tpu.memory_space<hbm>>
      tpu.enqueue_dma source(%dma_start3A_18 : memref<128x128xi32, #tpu.memory_space<hbm>>) target(%arg5 : memref<128x128xi32, #tpu.memory_space<vmem>>) target_semaphore(%run_scoped3A : memref<!tpu.dma_semaphore, #tpu.memory_space<semaphore_mem>>)
      %dma_wait3A = arith.constant 0 : i32
      %dma_wait3A_19 = tpu.memref_slice %arg3[%mul3A_2, %dma_wait3A] : memref<4096x128xi32, #tpu.memory_space<hbm>> -> memref<128x128xi32, #tpu.memory_space<hbm>>
      %dma_wait3A_20 = arith.constant 0 : i32
      %dma_wait3A_21 = tpu.memref_slice %arg3[%mul3A_2, %dma_wait3A_20] : memref<4096x128xi32, #tpu.memory_space<hbm>> -> memref<128x128xi32, #tpu.memory_space<hbm>>
      tpu.wait_dma2 semaphore(%run_scoped3A : memref<!tpu.dma_semaphore, #tpu.memory_space<semaphore_mem>>) src(%dma_wait3A_21 : memref<128x128xi32, #tpu.memory_space<hbm>>) dst(%arg5 : memref<128x128xi32, #tpu.memory_space<vmem>>)
      tpu.yield
    }) : () -> ()
    %dma_start3A = arith.constant 0 : i32
    %dma_start3A_3 = arith.constant 0 : i32
    %dma_start3A_4 = tpu.memref_slice %arg5[%dma_start3A, %dma_start3A_3] : memref<128x128xi32, #tpu.memory_space<vmem>> -> memref<1x128xi32, #tpu.memory_space<vmem>>
    %dma_start3A_5 = tpu.memref_squeeze %dma_start3A_4 : memref<1x128xi32, #tpu.memory_space<vmem>> -> memref<128xi32, #tpu.memory_space<vmem>>
    %dma_start3A_6 = arith.constant 0 : i32
    %dma_start3A_7 = arith.constant 0 : i32
    %dma_start3A_8 = tpu.memref_slice %arg2[%dma_start3A_6, %dma_start3A_7] : memref<32768x16xf32, #tpu.memory_space<hbm>> -> memref<32768x16xf32, #tpu.memory_space<hbm>>
    tpu.enqueue_indirect_dma source(%dma_start3A_8 : memref<32768x16xf32, #tpu.memory_space<hbm>>) target(%arg6 : memref<128x16xf32, #tpu.memory_space<vmem>>) offsets(%dma_start3A_5 : memref<128xi32, #tpu.memory_space<vmem>>) semaphore(%arg8 : memref<!tpu.dma_semaphore, #tpu.memory_space<semaphore_mem>>)
    %scan3A = arith.constant 0 : i32
    %scan3A_9 = arith.constant 0 : i32
    %scan3A_10 = arith.constant 128 : i32
    %scan3A_11 = arith.addi %scan3A_9, %scan3A_10 : i32
    %scan3A_12 = arith.constant 1 : i32
    %scan3A_13 = scf.for %scan3A_15 = %scan3A_9 to %scan3A_11 step %scan3A_12 iter_args(%scan3A_16 = %scan3A) -> (i32)  : i32 {
      %rem3A = arith.constant 2 : i32
      %rem3A_17 = arith.remsi %scan3A_15, %rem3A : i32
      %eq3A = arith.constant 0 : i32
      %eq3A_18 = arith.cmpi eq, %rem3A_17, %eq3A : i32
      %convert_element_type3A = arith.extui %eq3A_18 : i1 to i32
      %cond3A = arith.constant 0 : i32
      %cond3A_19 = arith.cmpi ne, %convert_element_type3A, %cond3A : i32
      scf.if %cond3A_19 {
        %add3A_26 = arith.constant 1 : i32
        %add3A_27 = arith.addi %scan3A_15, %add3A_26 : i32
        %lt3A = arith.constant 128 : i32
        %lt3A_28 = arith.cmpi slt, %add3A_27, %lt3A : i32
        %convert_element_type3A_29 = arith.extui %lt3A_28 : i1 to i32
        %cond3A_30 = arith.constant 0 : i32
        %cond3A_31 = arith.cmpi ne, %convert_element_type3A_29, %cond3A_30 : i32
        scf.if %cond3A_31 {
          %add3A_40 = arith.constant 1 : i32
          %add3A_41 = arith.addi %scan3A_15, %add3A_40 : i32
          %dma_start3A_42 = arith.constant 0 : i32
          %dma_start3A_43 = tpu.memref_slice %arg5[%add3A_41, %dma_start3A_42] : memref<128x128xi32, #tpu.memory_space<vmem>> -> memref<1x128xi32, #tpu.memory_space<vmem>>
          %dma_start3A_44 = tpu.memref_squeeze %dma_start3A_43 : memref<1x128xi32, #tpu.memory_space<vmem>> -> memref<128xi32, #tpu.memory_space<vmem>>
          %dma_start3A_45 = arith.constant 0 : i32
          %dma_start3A_46 = arith.constant 0 : i32
          %dma_start3A_47 = tpu.memref_slice %arg2[%dma_start3A_45, %dma_start3A_46] : memref<32768x16xf32, #tpu.memory_space<hbm>> -> memref<32768x16xf32, #tpu.memory_space<hbm>>
          tpu.enqueue_indirect_dma source(%dma_start3A_47 : memref<32768x16xf32, #tpu.memory_space<hbm>>) target(%arg7 : memref<128x16xf32, #tpu.memory_space<vmem>>) offsets(%dma_start3A_44 : memref<128xi32, #tpu.memory_space<vmem>>) semaphore(%arg9 : memref<!tpu.dma_semaphore, #tpu.memory_space<semaphore_mem>>)
        } else {
        }
        %dma_wait3A = arith.constant 0 : i32
        %dma_wait3A_32 = tpu.memref_slice %arg5[%scan3A_15, %dma_wait3A] : memref<128x128xi32, #tpu.memory_space<vmem>> -> memref<1x128xi32, #tpu.memory_space<vmem>>
        %dma_wait3A_33 = tpu.memref_squeeze %dma_wait3A_32 : memref<1x128xi32, #tpu.memory_space<vmem>> -> memref<128xi32, #tpu.memory_space<vmem>>
        %dma_wait3A_34 = arith.constant 0 : i32
        %dma_wait3A_35 = arith.constant 0 : i32
        %dma_wait3A_36 = tpu.memref_slice %arg2[%dma_wait3A_34, %dma_wait3A_35] : memref<32768x16xf32, #tpu.memory_space<hbm>> -> memref<32768x16xf32, #tpu.memory_space<hbm>>
        tpu.wait_indirect_dma semaphore(%arg8 : memref<!tpu.dma_semaphore, #tpu.memory_space<semaphore_mem>>) src(%dma_wait3A_36 : memref<32768x16xf32, #tpu.memory_space<hbm>>) dst(%arg6 : memref<128x16xf32, #tpu.memory_space<vmem>>)
        %add3A_37 = arith.addi %mul3A_2, %scan3A_15 : i32
        %mul3A_38 = arith.constant 128 : i32
        %mul3A_39 = arith.muli %add3A_37, %mul3A_38 : i32
        "tpu.region"() ({
          %run_scoped3A = tpu.sem_alloc : memref<!tpu.dma_semaphore, #tpu.memory_space<semaphore_mem>>
          %dma_start3A_40 = arith.constant 0 : i32
          %dma_start3A_41 = tpu.memref_slice %arg4[%mul3A_39, %dma_start3A_40] : memref<524288x16xf32, #tpu.memory_space<hbm>> -> memref<128x16xf32, #tpu.memory_space<hbm>>
          %dma_start3A_42 = arith.constant 0 : i32
          %dma_start3A_43 = tpu.memref_slice %arg4[%mul3A_39, %dma_start3A_42] : memref<524288x16xf32, #tpu.memory_space<hbm>> -> memref<128x16xf32, #tpu.memory_space<hbm>>
          tpu.enqueue_dma source(%arg6 : memref<128x16xf32, #tpu.memory_space<vmem>>) target(%dma_start3A_43 : memref<128x16xf32, #tpu.memory_space<hbm>>) target_semaphore(%run_scoped3A : memref<!tpu.dma_semaphore, #tpu.memory_space<semaphore_mem>>)
          %dma_wait3A_44 = arith.constant 0 : i32
          %dma_wait3A_45 = tpu.memref_slice %arg4[%mul3A_39, %dma_wait3A_44] : memref<524288x16xf32, #tpu.memory_space<hbm>> -> memref<128x16xf32, #tpu.memory_space<hbm>>
          %dma_wait3A_46 = arith.constant 0 : i32
          %dma_wait3A_47 = tpu.memref_slice %arg4[%mul3A_39, %dma_wait3A_46] : memref<524288x16xf32, #tpu.memory_space<hbm>> -> memref<128x16xf32, #tpu.memory_space<hbm>>
          tpu.wait_dma2 semaphore(%run_scoped3A : memref<!tpu.dma_semaphore, #tpu.memory_space<semaphore_mem>>) src(%arg6 : memref<128x16xf32, #tpu.memory_space<vmem>>) dst(%dma_wait3A_47 : memref<128x16xf32, #tpu.memory_space<hbm>>)
          tpu.yield
        }) : () -> ()
      } else {
      }
      %eq3A_20 = arith.constant 1 : i32
      %eq3A_21 = arith.cmpi eq, %rem3A_17, %eq3A_20 : i32
      %convert_element_type3A_22 = arith.extui %eq3A_21 : i1 to i32
      %cond3A_23 = arith.constant 0 : i32
      %cond3A_24 = arith.cmpi ne, %convert_element_type3A_22, %cond3A_23 : i32
      scf.if %cond3A_24 {
        %add3A_26 = arith.constant 1 : i32
        %add3A_27 = arith.addi %scan3A_15, %add3A_26 : i32
        %lt3A = arith.constant 128 : i32
        %lt3A_28 = arith.cmpi slt, %add3A_27, %lt3A : i32
        %convert_element_type3A_29 = arith.extui %lt3A_28 : i1 to i32
        %cond3A_30 = arith.constant 0 : i32
        %cond3A_31 = arith.cmpi ne, %convert_element_type3A_29, %cond3A_30 : i32
        scf.if %cond3A_31 {
          %add3A_40 = arith.constant 1 : i32
          %add3A_41 = arith.addi %scan3A_15, %add3A_40 : i32
          %dma_start3A_42 = arith.constant 0 : i32
          %dma_start3A_43 = tpu.memref_slice %arg5[%add3A_41, %dma_start3A_42] : memref<128x128xi32, #tpu.memory_space<vmem>> -> memref<1x128xi32, #tpu.memory_space<vmem>>
          %dma_start3A_44 = tpu.memref_squeeze %dma_start3A_43 : memref<1x128xi32, #tpu.memory_space<vmem>> -> memref<128xi32, #tpu.memory_space<vmem>>
          %dma_start3A_45 = arith.constant 0 : i32
          %dma_start3A_46 = arith.constant 0 : i32
          %dma_start3A_47 = tpu.memref_slice %arg2[%dma_start3A_45, %dma_start3A_46] : memref<32768x16xf32, #tpu.memory_space<hbm>> -> memref<32768x16xf32, #tpu.memory_space<hbm>>
          tpu.enqueue_indirect_dma source(%dma_start3A_47 : memref<32768x16xf32, #tpu.memory_space<hbm>>) target(%arg6 : memref<128x16xf32, #tpu.memory_space<vmem>>) offsets(%dma_start3A_44 : memref<128xi32, #tpu.memory_space<vmem>>) semaphore(%arg8 : memref<!tpu.dma_semaphore, #tpu.memory_space<semaphore_mem>>)
        } else {
        }
        %dma_wait3A = arith.constant 0 : i32
        %dma_wait3A_32 = tpu.memref_slice %arg5[%scan3A_15, %dma_wait3A] : memref<128x128xi32, #tpu.memory_space<vmem>> -> memref<1x128xi32, #tpu.memory_space<vmem>>
        %dma_wait3A_33 = tpu.memref_squeeze %dma_wait3A_32 : memref<1x128xi32, #tpu.memory_space<vmem>> -> memref<128xi32, #tpu.memory_space<vmem>>
        %dma_wait3A_34 = arith.constant 0 : i32
        %dma_wait3A_35 = arith.constant 0 : i32
        %dma_wait3A_36 = tpu.memref_slice %arg2[%dma_wait3A_34, %dma_wait3A_35] : memref<32768x16xf32, #tpu.memory_space<hbm>> -> memref<32768x16xf32, #tpu.memory_space<hbm>>
        tpu.wait_indirect_dma semaphore(%arg9 : memref<!tpu.dma_semaphore, #tpu.memory_space<semaphore_mem>>) src(%dma_wait3A_36 : memref<32768x16xf32, #tpu.memory_space<hbm>>) dst(%arg7 : memref<128x16xf32, #tpu.memory_space<vmem>>)
        %add3A_37 = arith.addi %mul3A_2, %scan3A_15 : i32
        %mul3A_38 = arith.constant 128 : i32
        %mul3A_39 = arith.muli %add3A_37, %mul3A_38 : i32
        "tpu.region"() ({
          %run_scoped3A = tpu.sem_alloc : memref<!tpu.dma_semaphore, #tpu.memory_space<semaphore_mem>>
          %dma_start3A_40 = arith.constant 0 : i32
          %dma_start3A_41 = tpu.memref_slice %arg4[%mul3A_39, %dma_start3A_40] : memref<524288x16xf32, #tpu.memory_space<hbm>> -> memref<128x16xf32, #tpu.memory_space<hbm>>
          %dma_start3A_42 = arith.constant 0 : i32
          %dma_start3A_43 = tpu.memref_slice %arg4[%mul3A_39, %dma_start3A_42] : memref<524288x16xf32, #tpu.memory_space<hbm>> -> memref<128x16xf32, #tpu.memory_space<hbm>>
          tpu.enqueue_dma source(%arg7 : memref<128x16xf32, #tpu.memory_space<vmem>>) target(%dma_start3A_43 : memref<128x16xf32, #tpu.memory_space<hbm>>) target_semaphore(%run_scoped3A : memref<!tpu.dma_semaphore, #tpu.memory_space<semaphore_mem>>)
          %dma_wait3A_44 = arith.constant 0 : i32
          %dma_wait3A_45 = tpu.memref_slice %arg4[%mul3A_39, %dma_wait3A_44] : memref<524288x16xf32, #tpu.memory_space<hbm>> -> memref<128x16xf32, #tpu.memory_space<hbm>>
          %dma_wait3A_46 = arith.constant 0 : i32
          %dma_wait3A_47 = tpu.memref_slice %arg4[%mul3A_39, %dma_wait3A_46] : memref<524288x16xf32, #tpu.memory_space<hbm>> -> memref<128x16xf32, #tpu.memory_space<hbm>>
          tpu.wait_dma2 semaphore(%run_scoped3A : memref<!tpu.dma_semaphore, #tpu.memory_space<semaphore_mem>>) src(%arg7 : memref<128x16xf32, #tpu.memory_space<vmem>>) dst(%dma_wait3A_47 : memref<128x16xf32, #tpu.memory_space<hbm>>)
          tpu.yield
        }) : () -> ()
      } else {
      }
      %scan3A_25 = arith.constant 0 : i32
      scf.yield %scan3A_25 : i32
    }
    %scan3A_14 = arith.constant 128 : i32
    return
  }
}

#map = affine_map<(d0, d1) -> (0, 0)>
module attributes {stable_mosaic.version = 14 : i64} {
  func.func @k(%arg0: i32, %arg1: i32, %arg2: memref<4096x528xf32, #tpu.memory_space<hbm>>, %arg3: memref<1024x64xi32, #tpu.memory_space<hbm>>, %arg4: memref<65536x528xf32, #tpu.memory_space<hbm>>, %arg5: memref<32x64xi32, #tpu.memory_space<vmem>>, %arg6: memref<64x528xf32, #tpu.memory_space<vmem>>, %arg7: memref<64x528xf32, #tpu.memory_space<vmem>>, %arg8: memref<!tpu.dma_semaphore, #tpu.memory_space<semaphore_mem>>, %arg9: memref<!tpu.dma_semaphore, #tpu.memory_space<semaphore_mem>>) attributes {dimension_semantics = [#tpu.dimension_semantics<core_parallel>, #tpu.dimension_semantics<subcore_parallel>], iteration_bounds = array<i64: 2, 16>, scalar_prefetch = 0 : i64, scratch_operands = 5 : i64, tpu.core_type = #tpu.core_type<sc_vector_subcore>, window_params = [{transform_indices = #map}, {transform_indices = #map}, {transform_indices = #map}]} {
    %mul3A = arith.constant 2 : i32
    %mul3A_0 = arith.muli %arg1, %mul3A : i32
    %add3A = arith.addi %mul3A_0, %arg0 : i32
    %mul3A_1 = arith.constant 32 : i32
    %mul3A_2 = arith.muli %add3A, %mul3A_1 : i32
    "tpu.region"() ({
      %run_scoped3A = tpu.sem_alloc : memref<!tpu.dma_semaphore, #tpu.memory_space<semaphore_mem>>
      %dma_start3A_15 = arith.constant 0 : i32
      %dma_start3A_16 = tpu.memref_slice %arg3[%mul3A_2, %dma_start3A_15] : memref<1024x64xi32, #tpu.memory_space<hbm>> -> memref<32x64xi32, #tpu.memory_space<hbm>>
      %dma_start3A_17 = arith.constant 0 : i32
      %dma_start3A_18 = tpu.memref_slice %arg3[%mul3A_2, %dma_start3A_17] : memref<1024x64xi32, #tpu.memory_space<hbm>> -> memref<32x64xi32, #tpu.memory_space<hbm>>
      tpu.enqueue_dma source(%dma_start3A_18 : memref<32x64xi32, #tpu.memory_space<hbm>>) target(%arg5 : memref<32x64xi32, #tpu.memory_space<vmem>>) target_semaphore(%run_scoped3A : memref<!tpu.dma_semaphore, #tpu.memory_space<semaphore_mem>>)
      %dma_wait3A = arith.constant 0 : i32
      %dma_wait3A_19 = tpu.memref_slice %arg3[%mul3A_2, %dma_wait3A] : memref<1024x64xi32, #tpu.memory_space<hbm>> -> memref<32x64xi32, #tpu.memory_space<hbm>>
      %dma_wait3A_20 = arith.constant 0 : i32
      %dma_wait3A_21 = tpu.memref_slice %arg3[%mul3A_2, %dma_wait3A_20] : memref<1024x64xi32, #tpu.memory_space<hbm>> -> memref<32x64xi32, #tpu.memory_space<hbm>>
      tpu.wait_dma2 semaphore(%run_scoped3A : memref<!tpu.dma_semaphore, #tpu.memory_space<semaphore_mem>>) src(%dma_wait3A_21 : memref<32x64xi32, #tpu.memory_space<hbm>>) dst(%arg5 : memref<32x64xi32, #tpu.memory_space<vmem>>)
      tpu.yield
    }) : () -> ()
    %dma_start3A = arith.constant 0 : i32
    %dma_start3A_3 = arith.constant 0 : i32
    %dma_start3A_4 = tpu.memref_slice %arg5[%dma_start3A, %dma_start3A_3] : memref<32x64xi32, #tpu.memory_space<vmem>> -> memref<1x64xi32, #tpu.memory_space<vmem>>
    %dma_start3A_5 = tpu.memref_squeeze %dma_start3A_4 : memref<1x64xi32, #tpu.memory_space<vmem>> -> memref<64xi32, #tpu.memory_space<vmem>>
    %dma_start3A_6 = arith.constant 0 : i32
    %dma_start3A_7 = arith.constant 0 : i32
    %dma_start3A_8 = tpu.memref_slice %arg2[%dma_start3A_6, %dma_start3A_7] : memref<4096x528xf32, #tpu.memory_space<hbm>> -> memref<4096x528xf32, #tpu.memory_space<hbm>>
    tpu.enqueue_indirect_dma source(%dma_start3A_8 : memref<4096x528xf32, #tpu.memory_space<hbm>>) target(%arg6 : memref<64x528xf32, #tpu.memory_space<vmem>>) offsets(%dma_start3A_5 : memref<64xi32, #tpu.memory_space<vmem>>) semaphore(%arg8 : memref<!tpu.dma_semaphore, #tpu.memory_space<semaphore_mem>>)
    %scan3A = arith.constant 0 : i32
    %scan3A_9 = arith.constant 0 : i32
    %scan3A_10 = arith.constant 32 : i32
    %scan3A_11 = arith.addi %scan3A_9, %scan3A_10 : i32
    %scan3A_12 = arith.constant 1 : i32
    %scan3A_13 = scf.for %scan3A_15 = %scan3A_9 to %scan3A_11 step %scan3A_12 iter_args(%scan3A_16 = %scan3A) -> (i32)  : i32 {
      %rem3A = arith.constant 2 : i32
      %rem3A_17 = arith.remsi %scan3A_15, %rem3A : i32
      %eq3A = arith.constant 0 : i32
      %eq3A_18 = arith.cmpi eq, %rem3A_17, %eq3A : i32
      %convert_element_type3A = arith.extui %eq3A_18 : i1 to i32
      %cond3A = arith.constant 0 : i32
      %cond3A_19 = arith.cmpi ne, %convert_element_type3A, %cond3A : i32
      scf.if %cond3A_19 {
        %add3A_26 = arith.constant 1 : i32
        %add3A_27 = arith.addi %scan3A_15, %add3A_26 : i32
        %lt3A = arith.constant 32 : i32
        %lt3A_28 = arith.cmpi slt, %add3A_27, %lt3A : i32
        %convert_element_type3A_29 = arith.extui %lt3A_28 : i1 to i32
        %cond3A_30 = arith.constant 0 : i32
        %cond3A_31 = arith.cmpi ne, %convert_element_type3A_29, %cond3A_30 : i32
        scf.if %cond3A_31 {
          %add3A_40 = arith.constant 1 : i32
          %add3A_41 = arith.addi %scan3A_15, %add3A_40 : i32
          %dma_start3A_42 = arith.constant 0 : i32
          %dma_start3A_43 = tpu.memref_slice %arg5[%add3A_41, %dma_start3A_42] : memref<32x64xi32, #tpu.memory_space<vmem>> -> memref<1x64xi32, #tpu.memory_space<vmem>>
          %dma_start3A_44 = tpu.memref_squeeze %dma_start3A_43 : memref<1x64xi32, #tpu.memory_space<vmem>> -> memref<64xi32, #tpu.memory_space<vmem>>
          %dma_start3A_45 = arith.constant 0 : i32
          %dma_start3A_46 = arith.constant 0 : i32
          %dma_start3A_47 = tpu.memref_slice %arg2[%dma_start3A_45, %dma_start3A_46] : memref<4096x528xf32, #tpu.memory_space<hbm>> -> memref<4096x528xf32, #tpu.memory_space<hbm>>
          tpu.enqueue_indirect_dma source(%dma_start3A_47 : memref<4096x528xf32, #tpu.memory_space<hbm>>) target(%arg7 : memref<64x528xf32, #tpu.memory_space<vmem>>) offsets(%dma_start3A_44 : memref<64xi32, #tpu.memory_space<vmem>>) semaphore(%arg9 : memref<!tpu.dma_semaphore, #tpu.memory_space<semaphore_mem>>)
        } else {
        }
        %dma_wait3A = arith.constant 0 : i32
        %dma_wait3A_32 = tpu.memref_slice %arg5[%scan3A_15, %dma_wait3A] : memref<32x64xi32, #tpu.memory_space<vmem>> -> memref<1x64xi32, #tpu.memory_space<vmem>>
        %dma_wait3A_33 = tpu.memref_squeeze %dma_wait3A_32 : memref<1x64xi32, #tpu.memory_space<vmem>> -> memref<64xi32, #tpu.memory_space<vmem>>
        %dma_wait3A_34 = arith.constant 0 : i32
        %dma_wait3A_35 = arith.constant 0 : i32
        %dma_wait3A_36 = tpu.memref_slice %arg2[%dma_wait3A_34, %dma_wait3A_35] : memref<4096x528xf32, #tpu.memory_space<hbm>> -> memref<4096x528xf32, #tpu.memory_space<hbm>>
        tpu.wait_indirect_dma semaphore(%arg8 : memref<!tpu.dma_semaphore, #tpu.memory_space<semaphore_mem>>) src(%dma_wait3A_36 : memref<4096x528xf32, #tpu.memory_space<hbm>>) dst(%arg6 : memref<64x528xf32, #tpu.memory_space<vmem>>)
        %add3A_37 = arith.addi %mul3A_2, %scan3A_15 : i32
        %mul3A_38 = arith.constant 64 : i32
        %mul3A_39 = arith.muli %add3A_37, %mul3A_38 : i32
        "tpu.region"() ({
          %run_scoped3A = tpu.sem_alloc : memref<!tpu.dma_semaphore, #tpu.memory_space<semaphore_mem>>
          %dma_start3A_40 = arith.constant 0 : i32
          %dma_start3A_41 = tpu.memref_slice %arg4[%mul3A_39, %dma_start3A_40] : memref<65536x528xf32, #tpu.memory_space<hbm>> -> memref<64x528xf32, #tpu.memory_space<hbm>>
          %dma_start3A_42 = arith.constant 0 : i32
          %dma_start3A_43 = tpu.memref_slice %arg4[%mul3A_39, %dma_start3A_42] : memref<65536x528xf32, #tpu.memory_space<hbm>> -> memref<64x528xf32, #tpu.memory_space<hbm>>
          tpu.enqueue_dma source(%arg6 : memref<64x528xf32, #tpu.memory_space<vmem>>) target(%dma_start3A_43 : memref<64x528xf32, #tpu.memory_space<hbm>>) target_semaphore(%run_scoped3A : memref<!tpu.dma_semaphore, #tpu.memory_space<semaphore_mem>>)
          %dma_wait3A_44 = arith.constant 0 : i32
          %dma_wait3A_45 = tpu.memref_slice %arg4[%mul3A_39, %dma_wait3A_44] : memref<65536x528xf32, #tpu.memory_space<hbm>> -> memref<64x528xf32, #tpu.memory_space<hbm>>
          %dma_wait3A_46 = arith.constant 0 : i32
          %dma_wait3A_47 = tpu.memref_slice %arg4[%mul3A_39, %dma_wait3A_46] : memref<65536x528xf32, #tpu.memory_space<hbm>> -> memref<64x528xf32, #tpu.memory_space<hbm>>
          tpu.wait_dma2 semaphore(%run_scoped3A : memref<!tpu.dma_semaphore, #tpu.memory_space<semaphore_mem>>) src(%arg6 : memref<64x528xf32, #tpu.memory_space<vmem>>) dst(%dma_wait3A_47 : memref<64x528xf32, #tpu.memory_space<hbm>>)
          tpu.yield
        }) : () -> ()
      } else {
      }
      %eq3A_20 = arith.constant 1 : i32
      %eq3A_21 = arith.cmpi eq, %rem3A_17, %eq3A_20 : i32
      %convert_element_type3A_22 = arith.extui %eq3A_21 : i1 to i32
      %cond3A_23 = arith.constant 0 : i32
      %cond3A_24 = arith.cmpi ne, %convert_element_type3A_22, %cond3A_23 : i32
      scf.if %cond3A_24 {
        %add3A_26 = arith.constant 1 : i32
        %add3A_27 = arith.addi %scan3A_15, %add3A_26 : i32
        %lt3A = arith.constant 32 : i32
        %lt3A_28 = arith.cmpi slt, %add3A_27, %lt3A : i32
        %convert_element_type3A_29 = arith.extui %lt3A_28 : i1 to i32
        %cond3A_30 = arith.constant 0 : i32
        %cond3A_31 = arith.cmpi ne, %convert_element_type3A_29, %cond3A_30 : i32
        scf.if %cond3A_31 {
          %add3A_40 = arith.constant 1 : i32
          %add3A_41 = arith.addi %scan3A_15, %add3A_40 : i32
          %dma_start3A_42 = arith.constant 0 : i32
          %dma_start3A_43 = tpu.memref_slice %arg5[%add3A_41, %dma_start3A_42] : memref<32x64xi32, #tpu.memory_space<vmem>> -> memref<1x64xi32, #tpu.memory_space<vmem>>
          %dma_start3A_44 = tpu.memref_squeeze %dma_start3A_43 : memref<1x64xi32, #tpu.memory_space<vmem>> -> memref<64xi32, #tpu.memory_space<vmem>>
          %dma_start3A_45 = arith.constant 0 : i32
          %dma_start3A_46 = arith.constant 0 : i32
          %dma_start3A_47 = tpu.memref_slice %arg2[%dma_start3A_45, %dma_start3A_46] : memref<4096x528xf32, #tpu.memory_space<hbm>> -> memref<4096x528xf32, #tpu.memory_space<hbm>>
          tpu.enqueue_indirect_dma source(%dma_start3A_47 : memref<4096x528xf32, #tpu.memory_space<hbm>>) target(%arg6 : memref<64x528xf32, #tpu.memory_space<vmem>>) offsets(%dma_start3A_44 : memref<64xi32, #tpu.memory_space<vmem>>) semaphore(%arg8 : memref<!tpu.dma_semaphore, #tpu.memory_space<semaphore_mem>>)
        } else {
        }
        %dma_wait3A = arith.constant 0 : i32
        %dma_wait3A_32 = tpu.memref_slice %arg5[%scan3A_15, %dma_wait3A] : memref<32x64xi32, #tpu.memory_space<vmem>> -> memref<1x64xi32, #tpu.memory_space<vmem>>
        %dma_wait3A_33 = tpu.memref_squeeze %dma_wait3A_32 : memref<1x64xi32, #tpu.memory_space<vmem>> -> memref<64xi32, #tpu.memory_space<vmem>>
        %dma_wait3A_34 = arith.constant 0 : i32
        %dma_wait3A_35 = arith.constant 0 : i32
        %dma_wait3A_36 = tpu.memref_slice %arg2[%dma_wait3A_34, %dma_wait3A_35] : memref<4096x528xf32, #tpu.memory_space<hbm>> -> memref<4096x528xf32, #tpu.memory_space<hbm>>
        tpu.wait_indirect_dma semaphore(%arg9 : memref<!tpu.dma_semaphore, #tpu.memory_space<semaphore_mem>>) src(%dma_wait3A_36 : memref<4096x528xf32, #tpu.memory_space<hbm>>) dst(%arg7 : memref<64x528xf32, #tpu.memory_space<vmem>>)
        %add3A_37 = arith.addi %mul3A_2, %scan3A_15 : i32
        %mul3A_38 = arith.constant 64 : i32
        %mul3A_39 = arith.muli %add3A_37, %mul3A_38 : i32
        "tpu.region"() ({
          %run_scoped3A = tpu.sem_alloc : memref<!tpu.dma_semaphore, #tpu.memory_space<semaphore_mem>>
          %dma_start3A_40 = arith.constant 0 : i32
          %dma_start3A_41 = tpu.memref_slice %arg4[%mul3A_39, %dma_start3A_40] : memref<65536x528xf32, #tpu.memory_space<hbm>> -> memref<64x528xf32, #tpu.memory_space<hbm>>
          %dma_start3A_42 = arith.constant 0 : i32
          %dma_start3A_43 = tpu.memref_slice %arg4[%mul3A_39, %dma_start3A_42] : memref<65536x528xf32, #tpu.memory_space<hbm>> -> memref<64x528xf32, #tpu.memory_space<hbm>>
          tpu.enqueue_dma source(%arg7 : memref<64x528xf32, #tpu.memory_space<vmem>>) target(%dma_start3A_43 : memref<64x528xf32, #tpu.memory_space<hbm>>) target_semaphore(%run_scoped3A : memref<!tpu.dma_semaphore, #tpu.memory_space<semaphore_mem>>)
          %dma_wait3A_44 = arith.constant 0 : i32
          %dma_wait3A_45 = tpu.memref_slice %arg4[%mul3A_39, %dma_wait3A_44] : memref<65536x528xf32, #tpu.memory_space<hbm>> -> memref<64x528xf32, #tpu.memory_space<hbm>>
          %dma_wait3A_46 = arith.constant 0 : i32
          %dma_wait3A_47 = tpu.memref_slice %arg4[%mul3A_39, %dma_wait3A_46] : memref<65536x528xf32, #tpu.memory_space<hbm>> -> memref<64x528xf32, #tpu.memory_space<hbm>>
          tpu.wait_dma2 semaphore(%run_scoped3A : memref<!tpu.dma_semaphore, #tpu.memory_space<semaphore_mem>>) src(%arg7 : memref<64x528xf32, #tpu.memory_space<vmem>>) dst(%dma_wait3A_47 : memref<64x528xf32, #tpu.memory_space<hbm>>)
          tpu.yield
        }) : () -> ()
      } else {
      }
      %scan3A_25 = arith.constant 0 : i32
      scf.yield %scan3A_25 : i32
    }
    %scan3A_14 = arith.constant 32 : i32
    return
  }
}

#map = affine_map<(d0, d1) -> (0, 0)>
module attributes {stable_mosaic.version = 14 : i64} {
  func.func @k(%arg0: i32, %arg1: i32, %arg2: memref<8192x272xf32, #tpu.memory_space<hbm>>, %arg3: memref<1024x128xi32, #tpu.memory_space<hbm>>, %arg4: memref<131072x272xf32, #tpu.memory_space<hbm>>, %arg5: memref<32x128xi32, #tpu.memory_space<vmem>>, %arg6: memref<128x272xf32, #tpu.memory_space<vmem>>, %arg7: memref<128x272xf32, #tpu.memory_space<vmem>>, %arg8: memref<!tpu.dma_semaphore, #tpu.memory_space<semaphore_mem>>, %arg9: memref<!tpu.dma_semaphore, #tpu.memory_space<semaphore_mem>>) attributes {dimension_semantics = [#tpu.dimension_semantics<core_parallel>, #tpu.dimension_semantics<subcore_parallel>], iteration_bounds = array<i64: 2, 16>, scalar_prefetch = 0 : i64, scratch_operands = 5 : i64, tpu.core_type = #tpu.core_type<sc_vector_subcore>, window_params = [{transform_indices = #map}, {transform_indices = #map}, {transform_indices = #map}]} {
    %mul3A = arith.constant 2 : i32
    %mul3A_0 = arith.muli %arg1, %mul3A : i32
    %add3A = arith.addi %mul3A_0, %arg0 : i32
    %mul3A_1 = arith.constant 32 : i32
    %mul3A_2 = arith.muli %add3A, %mul3A_1 : i32
    "tpu.region"() ({
      %run_scoped3A = tpu.sem_alloc : memref<!tpu.dma_semaphore, #tpu.memory_space<semaphore_mem>>
      %dma_start3A_15 = arith.constant 0 : i32
      %dma_start3A_16 = tpu.memref_slice %arg3[%mul3A_2, %dma_start3A_15] : memref<1024x128xi32, #tpu.memory_space<hbm>> -> memref<32x128xi32, #tpu.memory_space<hbm>>
      %dma_start3A_17 = arith.constant 0 : i32
      %dma_start3A_18 = tpu.memref_slice %arg3[%mul3A_2, %dma_start3A_17] : memref<1024x128xi32, #tpu.memory_space<hbm>> -> memref<32x128xi32, #tpu.memory_space<hbm>>
      tpu.enqueue_dma source(%dma_start3A_18 : memref<32x128xi32, #tpu.memory_space<hbm>>) target(%arg5 : memref<32x128xi32, #tpu.memory_space<vmem>>) target_semaphore(%run_scoped3A : memref<!tpu.dma_semaphore, #tpu.memory_space<semaphore_mem>>)
      %dma_wait3A = arith.constant 0 : i32
      %dma_wait3A_19 = tpu.memref_slice %arg3[%mul3A_2, %dma_wait3A] : memref<1024x128xi32, #tpu.memory_space<hbm>> -> memref<32x128xi32, #tpu.memory_space<hbm>>
      %dma_wait3A_20 = arith.constant 0 : i32
      %dma_wait3A_21 = tpu.memref_slice %arg3[%mul3A_2, %dma_wait3A_20] : memref<1024x128xi32, #tpu.memory_space<hbm>> -> memref<32x128xi32, #tpu.memory_space<hbm>>
      tpu.wait_dma2 semaphore(%run_scoped3A : memref<!tpu.dma_semaphore, #tpu.memory_space<semaphore_mem>>) src(%dma_wait3A_21 : memref<32x128xi32, #tpu.memory_space<hbm>>) dst(%arg5 : memref<32x128xi32, #tpu.memory_space<vmem>>)
      tpu.yield
    }) : () -> ()
    %dma_start3A = arith.constant 0 : i32
    %dma_start3A_3 = arith.constant 0 : i32
    %dma_start3A_4 = tpu.memref_slice %arg5[%dma_start3A, %dma_start3A_3] : memref<32x128xi32, #tpu.memory_space<vmem>> -> memref<1x128xi32, #tpu.memory_space<vmem>>
    %dma_start3A_5 = tpu.memref_squeeze %dma_start3A_4 : memref<1x128xi32, #tpu.memory_space<vmem>> -> memref<128xi32, #tpu.memory_space<vmem>>
    %dma_start3A_6 = arith.constant 0 : i32
    %dma_start3A_7 = arith.constant 0 : i32
    %dma_start3A_8 = tpu.memref_slice %arg2[%dma_start3A_6, %dma_start3A_7] : memref<8192x272xf32, #tpu.memory_space<hbm>> -> memref<8192x272xf32, #tpu.memory_space<hbm>>
    tpu.enqueue_indirect_dma source(%dma_start3A_8 : memref<8192x272xf32, #tpu.memory_space<hbm>>) target(%arg6 : memref<128x272xf32, #tpu.memory_space<vmem>>) offsets(%dma_start3A_5 : memref<128xi32, #tpu.memory_space<vmem>>) semaphore(%arg8 : memref<!tpu.dma_semaphore, #tpu.memory_space<semaphore_mem>>)
    %scan3A = arith.constant 0 : i32
    %scan3A_9 = arith.constant 0 : i32
    %scan3A_10 = arith.constant 32 : i32
    %scan3A_11 = arith.addi %scan3A_9, %scan3A_10 : i32
    %scan3A_12 = arith.constant 1 : i32
    %scan3A_13 = scf.for %scan3A_15 = %scan3A_9 to %scan3A_11 step %scan3A_12 iter_args(%scan3A_16 = %scan3A) -> (i32)  : i32 {
      %rem3A = arith.constant 2 : i32
      %rem3A_17 = arith.remsi %scan3A_15, %rem3A : i32
      %eq3A = arith.constant 0 : i32
      %eq3A_18 = arith.cmpi eq, %rem3A_17, %eq3A : i32
      %convert_element_type3A = arith.extui %eq3A_18 : i1 to i32
      %cond3A = arith.constant 0 : i32
      %cond3A_19 = arith.cmpi ne, %convert_element_type3A, %cond3A : i32
      scf.if %cond3A_19 {
        %add3A_26 = arith.constant 1 : i32
        %add3A_27 = arith.addi %scan3A_15, %add3A_26 : i32
        %lt3A = arith.constant 32 : i32
        %lt3A_28 = arith.cmpi slt, %add3A_27, %lt3A : i32
        %convert_element_type3A_29 = arith.extui %lt3A_28 : i1 to i32
        %cond3A_30 = arith.constant 0 : i32
        %cond3A_31 = arith.cmpi ne, %convert_element_type3A_29, %cond3A_30 : i32
        scf.if %cond3A_31 {
          %add3A_40 = arith.constant 1 : i32
          %add3A_41 = arith.addi %scan3A_15, %add3A_40 : i32
          %dma_start3A_42 = arith.constant 0 : i32
          %dma_start3A_43 = tpu.memref_slice %arg5[%add3A_41, %dma_start3A_42] : memref<32x128xi32, #tpu.memory_space<vmem>> -> memref<1x128xi32, #tpu.memory_space<vmem>>
          %dma_start3A_44 = tpu.memref_squeeze %dma_start3A_43 : memref<1x128xi32, #tpu.memory_space<vmem>> -> memref<128xi32, #tpu.memory_space<vmem>>
          %dma_start3A_45 = arith.constant 0 : i32
          %dma_start3A_46 = arith.constant 0 : i32
          %dma_start3A_47 = tpu.memref_slice %arg2[%dma_start3A_45, %dma_start3A_46] : memref<8192x272xf32, #tpu.memory_space<hbm>> -> memref<8192x272xf32, #tpu.memory_space<hbm>>
          tpu.enqueue_indirect_dma source(%dma_start3A_47 : memref<8192x272xf32, #tpu.memory_space<hbm>>) target(%arg7 : memref<128x272xf32, #tpu.memory_space<vmem>>) offsets(%dma_start3A_44 : memref<128xi32, #tpu.memory_space<vmem>>) semaphore(%arg9 : memref<!tpu.dma_semaphore, #tpu.memory_space<semaphore_mem>>)
        } else {
        }
        %dma_wait3A = arith.constant 0 : i32
        %dma_wait3A_32 = tpu.memref_slice %arg5[%scan3A_15, %dma_wait3A] : memref<32x128xi32, #tpu.memory_space<vmem>> -> memref<1x128xi32, #tpu.memory_space<vmem>>
        %dma_wait3A_33 = tpu.memref_squeeze %dma_wait3A_32 : memref<1x128xi32, #tpu.memory_space<vmem>> -> memref<128xi32, #tpu.memory_space<vmem>>
        %dma_wait3A_34 = arith.constant 0 : i32
        %dma_wait3A_35 = arith.constant 0 : i32
        %dma_wait3A_36 = tpu.memref_slice %arg2[%dma_wait3A_34, %dma_wait3A_35] : memref<8192x272xf32, #tpu.memory_space<hbm>> -> memref<8192x272xf32, #tpu.memory_space<hbm>>
        tpu.wait_indirect_dma semaphore(%arg8 : memref<!tpu.dma_semaphore, #tpu.memory_space<semaphore_mem>>) src(%dma_wait3A_36 : memref<8192x272xf32, #tpu.memory_space<hbm>>) dst(%arg6 : memref<128x272xf32, #tpu.memory_space<vmem>>)
        %add3A_37 = arith.addi %mul3A_2, %scan3A_15 : i32
        %mul3A_38 = arith.constant 128 : i32
        %mul3A_39 = arith.muli %add3A_37, %mul3A_38 : i32
        "tpu.region"() ({
          %run_scoped3A = tpu.sem_alloc : memref<!tpu.dma_semaphore, #tpu.memory_space<semaphore_mem>>
          %dma_start3A_40 = arith.constant 0 : i32
          %dma_start3A_41 = tpu.memref_slice %arg4[%mul3A_39, %dma_start3A_40] : memref<131072x272xf32, #tpu.memory_space<hbm>> -> memref<128x272xf32, #tpu.memory_space<hbm>>
          %dma_start3A_42 = arith.constant 0 : i32
          %dma_start3A_43 = tpu.memref_slice %arg4[%mul3A_39, %dma_start3A_42] : memref<131072x272xf32, #tpu.memory_space<hbm>> -> memref<128x272xf32, #tpu.memory_space<hbm>>
          tpu.enqueue_dma source(%arg6 : memref<128x272xf32, #tpu.memory_space<vmem>>) target(%dma_start3A_43 : memref<128x272xf32, #tpu.memory_space<hbm>>) target_semaphore(%run_scoped3A : memref<!tpu.dma_semaphore, #tpu.memory_space<semaphore_mem>>)
          %dma_wait3A_44 = arith.constant 0 : i32
          %dma_wait3A_45 = tpu.memref_slice %arg4[%mul3A_39, %dma_wait3A_44] : memref<131072x272xf32, #tpu.memory_space<hbm>> -> memref<128x272xf32, #tpu.memory_space<hbm>>
          %dma_wait3A_46 = arith.constant 0 : i32
          %dma_wait3A_47 = tpu.memref_slice %arg4[%mul3A_39, %dma_wait3A_46] : memref<131072x272xf32, #tpu.memory_space<hbm>> -> memref<128x272xf32, #tpu.memory_space<hbm>>
          tpu.wait_dma2 semaphore(%run_scoped3A : memref<!tpu.dma_semaphore, #tpu.memory_space<semaphore_mem>>) src(%arg6 : memref<128x272xf32, #tpu.memory_space<vmem>>) dst(%dma_wait3A_47 : memref<128x272xf32, #tpu.memory_space<hbm>>)
          tpu.yield
        }) : () -> ()
      } else {
      }
      %eq3A_20 = arith.constant 1 : i32
      %eq3A_21 = arith.cmpi eq, %rem3A_17, %eq3A_20 : i32
      %convert_element_type3A_22 = arith.extui %eq3A_21 : i1 to i32
      %cond3A_23 = arith.constant 0 : i32
      %cond3A_24 = arith.cmpi ne, %convert_element_type3A_22, %cond3A_23 : i32
      scf.if %cond3A_24 {
        %add3A_26 = arith.constant 1 : i32
        %add3A_27 = arith.addi %scan3A_15, %add3A_26 : i32
        %lt3A = arith.constant 32 : i32
        %lt3A_28 = arith.cmpi slt, %add3A_27, %lt3A : i32
        %convert_element_type3A_29 = arith.extui %lt3A_28 : i1 to i32
        %cond3A_30 = arith.constant 0 : i32
        %cond3A_31 = arith.cmpi ne, %convert_element_type3A_29, %cond3A_30 : i32
        scf.if %cond3A_31 {
          %add3A_40 = arith.constant 1 : i32
          %add3A_41 = arith.addi %scan3A_15, %add3A_40 : i32
          %dma_start3A_42 = arith.constant 0 : i32
          %dma_start3A_43 = tpu.memref_slice %arg5[%add3A_41, %dma_start3A_42] : memref<32x128xi32, #tpu.memory_space<vmem>> -> memref<1x128xi32, #tpu.memory_space<vmem>>
          %dma_start3A_44 = tpu.memref_squeeze %dma_start3A_43 : memref<1x128xi32, #tpu.memory_space<vmem>> -> memref<128xi32, #tpu.memory_space<vmem>>
          %dma_start3A_45 = arith.constant 0 : i32
          %dma_start3A_46 = arith.constant 0 : i32
          %dma_start3A_47 = tpu.memref_slice %arg2[%dma_start3A_45, %dma_start3A_46] : memref<8192x272xf32, #tpu.memory_space<hbm>> -> memref<8192x272xf32, #tpu.memory_space<hbm>>
          tpu.enqueue_indirect_dma source(%dma_start3A_47 : memref<8192x272xf32, #tpu.memory_space<hbm>>) target(%arg6 : memref<128x272xf32, #tpu.memory_space<vmem>>) offsets(%dma_start3A_44 : memref<128xi32, #tpu.memory_space<vmem>>) semaphore(%arg8 : memref<!tpu.dma_semaphore, #tpu.memory_space<semaphore_mem>>)
        } else {
        }
        %dma_wait3A = arith.constant 0 : i32
        %dma_wait3A_32 = tpu.memref_slice %arg5[%scan3A_15, %dma_wait3A] : memref<32x128xi32, #tpu.memory_space<vmem>> -> memref<1x128xi32, #tpu.memory_space<vmem>>
        %dma_wait3A_33 = tpu.memref_squeeze %dma_wait3A_32 : memref<1x128xi32, #tpu.memory_space<vmem>> -> memref<128xi32, #tpu.memory_space<vmem>>
        %dma_wait3A_34 = arith.constant 0 : i32
        %dma_wait3A_35 = arith.constant 0 : i32
        %dma_wait3A_36 = tpu.memref_slice %arg2[%dma_wait3A_34, %dma_wait3A_35] : memref<8192x272xf32, #tpu.memory_space<hbm>> -> memref<8192x272xf32, #tpu.memory_space<hbm>>
        tpu.wait_indirect_dma semaphore(%arg9 : memref<!tpu.dma_semaphore, #tpu.memory_space<semaphore_mem>>) src(%dma_wait3A_36 : memref<8192x272xf32, #tpu.memory_space<hbm>>) dst(%arg7 : memref<128x272xf32, #tpu.memory_space<vmem>>)
        %add3A_37 = arith.addi %mul3A_2, %scan3A_15 : i32
        %mul3A_38 = arith.constant 128 : i32
        %mul3A_39 = arith.muli %add3A_37, %mul3A_38 : i32
        "tpu.region"() ({
          %run_scoped3A = tpu.sem_alloc : memref<!tpu.dma_semaphore, #tpu.memory_space<semaphore_mem>>
          %dma_start3A_40 = arith.constant 0 : i32
          %dma_start3A_41 = tpu.memref_slice %arg4[%mul3A_39, %dma_start3A_40] : memref<131072x272xf32, #tpu.memory_space<hbm>> -> memref<128x272xf32, #tpu.memory_space<hbm>>
          %dma_start3A_42 = arith.constant 0 : i32
          %dma_start3A_43 = tpu.memref_slice %arg4[%mul3A_39, %dma_start3A_42] : memref<131072x272xf32, #tpu.memory_space<hbm>> -> memref<128x272xf32, #tpu.memory_space<hbm>>
          tpu.enqueue_dma source(%arg7 : memref<128x272xf32, #tpu.memory_space<vmem>>) target(%dma_start3A_43 : memref<128x272xf32, #tpu.memory_space<hbm>>) target_semaphore(%run_scoped3A : memref<!tpu.dma_semaphore, #tpu.memory_space<semaphore_mem>>)
          %dma_wait3A_44 = arith.constant 0 : i32
          %dma_wait3A_45 = tpu.memref_slice %arg4[%mul3A_39, %dma_wait3A_44] : memref<131072x272xf32, #tpu.memory_space<hbm>> -> memref<128x272xf32, #tpu.memory_space<hbm>>
          %dma_wait3A_46 = arith.constant 0 : i32
          %dma_wait3A_47 = tpu.memref_slice %arg4[%mul3A_39, %dma_wait3A_46] : memref<131072x272xf32, #tpu.memory_space<hbm>> -> memref<128x272xf32, #tpu.memory_space<hbm>>
          tpu.wait_dma2 semaphore(%run_scoped3A : memref<!tpu.dma_semaphore, #tpu.memory_space<semaphore_mem>>) src(%arg7 : memref<128x272xf32, #tpu.memory_space<vmem>>) dst(%dma_wait3A_47 : memref<128x272xf32, #tpu.memory_space<hbm>>)
          tpu.yield
        }) : () -> ()
      } else {
      }
      %scan3A_25 = arith.constant 0 : i32
      scf.yield %scan3A_25 : i32
    }
    %scan3A_14 = arith.constant 32 : i32
    return
  }
}

#map = affine_map<(d0, d1) -> (0, 0)>
module attributes {stable_mosaic.version = 14 : i64} {
  func.func @k(%arg0: i32, %arg1: i32, %arg2: memref<8192x144xf32, #tpu.memory_space<hbm>>, %arg3: memref<1024x128xi32, #tpu.memory_space<hbm>>, %arg4: memref<131072x144xf32, #tpu.memory_space<hbm>>, %arg5: memref<32x128xi32, #tpu.memory_space<vmem>>, %arg6: memref<128x144xf32, #tpu.memory_space<vmem>>, %arg7: memref<128x144xf32, #tpu.memory_space<vmem>>, %arg8: memref<!tpu.dma_semaphore, #tpu.memory_space<semaphore_mem>>, %arg9: memref<!tpu.dma_semaphore, #tpu.memory_space<semaphore_mem>>) attributes {dimension_semantics = [#tpu.dimension_semantics<core_parallel>, #tpu.dimension_semantics<subcore_parallel>], iteration_bounds = array<i64: 2, 16>, scalar_prefetch = 0 : i64, scratch_operands = 5 : i64, tpu.core_type = #tpu.core_type<sc_vector_subcore>, window_params = [{transform_indices = #map}, {transform_indices = #map}, {transform_indices = #map}]} {
    %mul3A = arith.constant 2 : i32
    %mul3A_0 = arith.muli %arg1, %mul3A : i32
    %add3A = arith.addi %mul3A_0, %arg0 : i32
    %mul3A_1 = arith.constant 32 : i32
    %mul3A_2 = arith.muli %add3A, %mul3A_1 : i32
    "tpu.region"() ({
      %run_scoped3A = tpu.sem_alloc : memref<!tpu.dma_semaphore, #tpu.memory_space<semaphore_mem>>
      %dma_start3A_15 = arith.constant 0 : i32
      %dma_start3A_16 = tpu.memref_slice %arg3[%mul3A_2, %dma_start3A_15] : memref<1024x128xi32, #tpu.memory_space<hbm>> -> memref<32x128xi32, #tpu.memory_space<hbm>>
      %dma_start3A_17 = arith.constant 0 : i32
      %dma_start3A_18 = tpu.memref_slice %arg3[%mul3A_2, %dma_start3A_17] : memref<1024x128xi32, #tpu.memory_space<hbm>> -> memref<32x128xi32, #tpu.memory_space<hbm>>
      tpu.enqueue_dma source(%dma_start3A_18 : memref<32x128xi32, #tpu.memory_space<hbm>>) target(%arg5 : memref<32x128xi32, #tpu.memory_space<vmem>>) target_semaphore(%run_scoped3A : memref<!tpu.dma_semaphore, #tpu.memory_space<semaphore_mem>>)
      %dma_wait3A = arith.constant 0 : i32
      %dma_wait3A_19 = tpu.memref_slice %arg3[%mul3A_2, %dma_wait3A] : memref<1024x128xi32, #tpu.memory_space<hbm>> -> memref<32x128xi32, #tpu.memory_space<hbm>>
      %dma_wait3A_20 = arith.constant 0 : i32
      %dma_wait3A_21 = tpu.memref_slice %arg3[%mul3A_2, %dma_wait3A_20] : memref<1024x128xi32, #tpu.memory_space<hbm>> -> memref<32x128xi32, #tpu.memory_space<hbm>>
      tpu.wait_dma2 semaphore(%run_scoped3A : memref<!tpu.dma_semaphore, #tpu.memory_space<semaphore_mem>>) src(%dma_wait3A_21 : memref<32x128xi32, #tpu.memory_space<hbm>>) dst(%arg5 : memref<32x128xi32, #tpu.memory_space<vmem>>)
      tpu.yield
    }) : () -> ()
    %dma_start3A = arith.constant 0 : i32
    %dma_start3A_3 = arith.constant 0 : i32
    %dma_start3A_4 = tpu.memref_slice %arg5[%dma_start3A, %dma_start3A_3] : memref<32x128xi32, #tpu.memory_space<vmem>> -> memref<1x128xi32, #tpu.memory_space<vmem>>
    %dma_start3A_5 = tpu.memref_squeeze %dma_start3A_4 : memref<1x128xi32, #tpu.memory_space<vmem>> -> memref<128xi32, #tpu.memory_space<vmem>>
    %dma_start3A_6 = arith.constant 0 : i32
    %dma_start3A_7 = arith.constant 0 : i32
    %dma_start3A_8 = tpu.memref_slice %arg2[%dma_start3A_6, %dma_start3A_7] : memref<8192x144xf32, #tpu.memory_space<hbm>> -> memref<8192x144xf32, #tpu.memory_space<hbm>>
    tpu.enqueue_indirect_dma source(%dma_start3A_8 : memref<8192x144xf32, #tpu.memory_space<hbm>>) target(%arg6 : memref<128x144xf32, #tpu.memory_space<vmem>>) offsets(%dma_start3A_5 : memref<128xi32, #tpu.memory_space<vmem>>) semaphore(%arg8 : memref<!tpu.dma_semaphore, #tpu.memory_space<semaphore_mem>>)
    %scan3A = arith.constant 0 : i32
    %scan3A_9 = arith.constant 0 : i32
    %scan3A_10 = arith.constant 32 : i32
    %scan3A_11 = arith.addi %scan3A_9, %scan3A_10 : i32
    %scan3A_12 = arith.constant 1 : i32
    %scan3A_13 = scf.for %scan3A_15 = %scan3A_9 to %scan3A_11 step %scan3A_12 iter_args(%scan3A_16 = %scan3A) -> (i32)  : i32 {
      %rem3A = arith.constant 2 : i32
      %rem3A_17 = arith.remsi %scan3A_15, %rem3A : i32
      %eq3A = arith.constant 0 : i32
      %eq3A_18 = arith.cmpi eq, %rem3A_17, %eq3A : i32
      %convert_element_type3A = arith.extui %eq3A_18 : i1 to i32
      %cond3A = arith.constant 0 : i32
      %cond3A_19 = arith.cmpi ne, %convert_element_type3A, %cond3A : i32
      scf.if %cond3A_19 {
        %add3A_26 = arith.constant 1 : i32
        %add3A_27 = arith.addi %scan3A_15, %add3A_26 : i32
        %lt3A = arith.constant 32 : i32
        %lt3A_28 = arith.cmpi slt, %add3A_27, %lt3A : i32
        %convert_element_type3A_29 = arith.extui %lt3A_28 : i1 to i32
        %cond3A_30 = arith.constant 0 : i32
        %cond3A_31 = arith.cmpi ne, %convert_element_type3A_29, %cond3A_30 : i32
        scf.if %cond3A_31 {
          %add3A_40 = arith.constant 1 : i32
          %add3A_41 = arith.addi %scan3A_15, %add3A_40 : i32
          %dma_start3A_42 = arith.constant 0 : i32
          %dma_start3A_43 = tpu.memref_slice %arg5[%add3A_41, %dma_start3A_42] : memref<32x128xi32, #tpu.memory_space<vmem>> -> memref<1x128xi32, #tpu.memory_space<vmem>>
          %dma_start3A_44 = tpu.memref_squeeze %dma_start3A_43 : memref<1x128xi32, #tpu.memory_space<vmem>> -> memref<128xi32, #tpu.memory_space<vmem>>
          %dma_start3A_45 = arith.constant 0 : i32
          %dma_start3A_46 = arith.constant 0 : i32
          %dma_start3A_47 = tpu.memref_slice %arg2[%dma_start3A_45, %dma_start3A_46] : memref<8192x144xf32, #tpu.memory_space<hbm>> -> memref<8192x144xf32, #tpu.memory_space<hbm>>
          tpu.enqueue_indirect_dma source(%dma_start3A_47 : memref<8192x144xf32, #tpu.memory_space<hbm>>) target(%arg7 : memref<128x144xf32, #tpu.memory_space<vmem>>) offsets(%dma_start3A_44 : memref<128xi32, #tpu.memory_space<vmem>>) semaphore(%arg9 : memref<!tpu.dma_semaphore, #tpu.memory_space<semaphore_mem>>)
        } else {
        }
        %dma_wait3A = arith.constant 0 : i32
        %dma_wait3A_32 = tpu.memref_slice %arg5[%scan3A_15, %dma_wait3A] : memref<32x128xi32, #tpu.memory_space<vmem>> -> memref<1x128xi32, #tpu.memory_space<vmem>>
        %dma_wait3A_33 = tpu.memref_squeeze %dma_wait3A_32 : memref<1x128xi32, #tpu.memory_space<vmem>> -> memref<128xi32, #tpu.memory_space<vmem>>
        %dma_wait3A_34 = arith.constant 0 : i32
        %dma_wait3A_35 = arith.constant 0 : i32
        %dma_wait3A_36 = tpu.memref_slice %arg2[%dma_wait3A_34, %dma_wait3A_35] : memref<8192x144xf32, #tpu.memory_space<hbm>> -> memref<8192x144xf32, #tpu.memory_space<hbm>>
        tpu.wait_indirect_dma semaphore(%arg8 : memref<!tpu.dma_semaphore, #tpu.memory_space<semaphore_mem>>) src(%dma_wait3A_36 : memref<8192x144xf32, #tpu.memory_space<hbm>>) dst(%arg6 : memref<128x144xf32, #tpu.memory_space<vmem>>)
        %add3A_37 = arith.addi %mul3A_2, %scan3A_15 : i32
        %mul3A_38 = arith.constant 128 : i32
        %mul3A_39 = arith.muli %add3A_37, %mul3A_38 : i32
        "tpu.region"() ({
          %run_scoped3A = tpu.sem_alloc : memref<!tpu.dma_semaphore, #tpu.memory_space<semaphore_mem>>
          %dma_start3A_40 = arith.constant 0 : i32
          %dma_start3A_41 = tpu.memref_slice %arg4[%mul3A_39, %dma_start3A_40] : memref<131072x144xf32, #tpu.memory_space<hbm>> -> memref<128x144xf32, #tpu.memory_space<hbm>>
          %dma_start3A_42 = arith.constant 0 : i32
          %dma_start3A_43 = tpu.memref_slice %arg4[%mul3A_39, %dma_start3A_42] : memref<131072x144xf32, #tpu.memory_space<hbm>> -> memref<128x144xf32, #tpu.memory_space<hbm>>
          tpu.enqueue_dma source(%arg6 : memref<128x144xf32, #tpu.memory_space<vmem>>) target(%dma_start3A_43 : memref<128x144xf32, #tpu.memory_space<hbm>>) target_semaphore(%run_scoped3A : memref<!tpu.dma_semaphore, #tpu.memory_space<semaphore_mem>>)
          %dma_wait3A_44 = arith.constant 0 : i32
          %dma_wait3A_45 = tpu.memref_slice %arg4[%mul3A_39, %dma_wait3A_44] : memref<131072x144xf32, #tpu.memory_space<hbm>> -> memref<128x144xf32, #tpu.memory_space<hbm>>
          %dma_wait3A_46 = arith.constant 0 : i32
          %dma_wait3A_47 = tpu.memref_slice %arg4[%mul3A_39, %dma_wait3A_46] : memref<131072x144xf32, #tpu.memory_space<hbm>> -> memref<128x144xf32, #tpu.memory_space<hbm>>
          tpu.wait_dma2 semaphore(%run_scoped3A : memref<!tpu.dma_semaphore, #tpu.memory_space<semaphore_mem>>) src(%arg6 : memref<128x144xf32, #tpu.memory_space<vmem>>) dst(%dma_wait3A_47 : memref<128x144xf32, #tpu.memory_space<hbm>>)
          tpu.yield
        }) : () -> ()
      } else {
      }
      %eq3A_20 = arith.constant 1 : i32
      %eq3A_21 = arith.cmpi eq, %rem3A_17, %eq3A_20 : i32
      %convert_element_type3A_22 = arith.extui %eq3A_21 : i1 to i32
      %cond3A_23 = arith.constant 0 : i32
      %cond3A_24 = arith.cmpi ne, %convert_element_type3A_22, %cond3A_23 : i32
      scf.if %cond3A_24 {
        %add3A_26 = arith.constant 1 : i32
        %add3A_27 = arith.addi %scan3A_15, %add3A_26 : i32
        %lt3A = arith.constant 32 : i32
        %lt3A_28 = arith.cmpi slt, %add3A_27, %lt3A : i32
        %convert_element_type3A_29 = arith.extui %lt3A_28 : i1 to i32
        %cond3A_30 = arith.constant 0 : i32
        %cond3A_31 = arith.cmpi ne, %convert_element_type3A_29, %cond3A_30 : i32
        scf.if %cond3A_31 {
          %add3A_40 = arith.constant 1 : i32
          %add3A_41 = arith.addi %scan3A_15, %add3A_40 : i32
          %dma_start3A_42 = arith.constant 0 : i32
          %dma_start3A_43 = tpu.memref_slice %arg5[%add3A_41, %dma_start3A_42] : memref<32x128xi32, #tpu.memory_space<vmem>> -> memref<1x128xi32, #tpu.memory_space<vmem>>
          %dma_start3A_44 = tpu.memref_squeeze %dma_start3A_43 : memref<1x128xi32, #tpu.memory_space<vmem>> -> memref<128xi32, #tpu.memory_space<vmem>>
          %dma_start3A_45 = arith.constant 0 : i32
          %dma_start3A_46 = arith.constant 0 : i32
          %dma_start3A_47 = tpu.memref_slice %arg2[%dma_start3A_45, %dma_start3A_46] : memref<8192x144xf32, #tpu.memory_space<hbm>> -> memref<8192x144xf32, #tpu.memory_space<hbm>>
          tpu.enqueue_indirect_dma source(%dma_start3A_47 : memref<8192x144xf32, #tpu.memory_space<hbm>>) target(%arg6 : memref<128x144xf32, #tpu.memory_space<vmem>>) offsets(%dma_start3A_44 : memref<128xi32, #tpu.memory_space<vmem>>) semaphore(%arg8 : memref<!tpu.dma_semaphore, #tpu.memory_space<semaphore_mem>>)
        } else {
        }
        %dma_wait3A = arith.constant 0 : i32
        %dma_wait3A_32 = tpu.memref_slice %arg5[%scan3A_15, %dma_wait3A] : memref<32x128xi32, #tpu.memory_space<vmem>> -> memref<1x128xi32, #tpu.memory_space<vmem>>
        %dma_wait3A_33 = tpu.memref_squeeze %dma_wait3A_32 : memref<1x128xi32, #tpu.memory_space<vmem>> -> memref<128xi32, #tpu.memory_space<vmem>>
        %dma_wait3A_34 = arith.constant 0 : i32
        %dma_wait3A_35 = arith.constant 0 : i32
        %dma_wait3A_36 = tpu.memref_slice %arg2[%dma_wait3A_34, %dma_wait3A_35] : memref<8192x144xf32, #tpu.memory_space<hbm>> -> memref<8192x144xf32, #tpu.memory_space<hbm>>
        tpu.wait_indirect_dma semaphore(%arg9 : memref<!tpu.dma_semaphore, #tpu.memory_space<semaphore_mem>>) src(%dma_wait3A_36 : memref<8192x144xf32, #tpu.memory_space<hbm>>) dst(%arg7 : memref<128x144xf32, #tpu.memory_space<vmem>>)
        %add3A_37 = arith.addi %mul3A_2, %scan3A_15 : i32
        %mul3A_38 = arith.constant 128 : i32
        %mul3A_39 = arith.muli %add3A_37, %mul3A_38 : i32
        "tpu.region"() ({
          %run_scoped3A = tpu.sem_alloc : memref<!tpu.dma_semaphore, #tpu.memory_space<semaphore_mem>>
          %dma_start3A_40 = arith.constant 0 : i32
          %dma_start3A_41 = tpu.memref_slice %arg4[%mul3A_39, %dma_start3A_40] : memref<131072x144xf32, #tpu.memory_space<hbm>> -> memref<128x144xf32, #tpu.memory_space<hbm>>
          %dma_start3A_42 = arith.constant 0 : i32
          %dma_start3A_43 = tpu.memref_slice %arg4[%mul3A_39, %dma_start3A_42] : memref<131072x144xf32, #tpu.memory_space<hbm>> -> memref<128x144xf32, #tpu.memory_space<hbm>>
          tpu.enqueue_dma source(%arg7 : memref<128x144xf32, #tpu.memory_space<vmem>>) target(%dma_start3A_43 : memref<128x144xf32, #tpu.memory_space<hbm>>) target_semaphore(%run_scoped3A : memref<!tpu.dma_semaphore, #tpu.memory_space<semaphore_mem>>)
          %dma_wait3A_44 = arith.constant 0 : i32
          %dma_wait3A_45 = tpu.memref_slice %arg4[%mul3A_39, %dma_wait3A_44] : memref<131072x144xf32, #tpu.memory_space<hbm>> -> memref<128x144xf32, #tpu.memory_space<hbm>>
          %dma_wait3A_46 = arith.constant 0 : i32
          %dma_wait3A_47 = tpu.memref_slice %arg4[%mul3A_39, %dma_wait3A_46] : memref<131072x144xf32, #tpu.memory_space<hbm>> -> memref<128x144xf32, #tpu.memory_space<hbm>>
          tpu.wait_dma2 semaphore(%run_scoped3A : memref<!tpu.dma_semaphore, #tpu.memory_space<semaphore_mem>>) src(%arg7 : memref<128x144xf32, #tpu.memory_space<vmem>>) dst(%dma_wait3A_47 : memref<128x144xf32, #tpu.memory_space<hbm>>)
          tpu.yield
        }) : () -> ()
      } else {
      }
      %scan3A_25 = arith.constant 0 : i32
      scf.yield %scan3A_25 : i32
    }
    %scan3A_14 = arith.constant 32 : i32
    return
  }
}

module attributes {stable_mosaic.version = 14 : i64} {
  func.func @_fps_body(%arg0: memref<4x8x1024xf32, #tpu.memory_space<vmem>>, %arg1: memref<4x8x1024xf32, #tpu.memory_space<vmem>>, %arg2: memref<4x8x1024xf32, #tpu.memory_space<vmem>>, %arg3: memref<4x16x128xi32, #tpu.memory_space<vmem>>, %arg4: memref<4x16x128xf32, #tpu.memory_space<vmem>>, %arg5: memref<4x16x128xf32, #tpu.memory_space<vmem>>, %arg6: memref<4x16x128xf32, #tpu.memory_space<vmem>>, %arg7: memref<4x8x1024xf32, #tpu.memory_space<vmem>>) attributes {dimension_semantics = [], scalar_prefetch = 0 : i64, scratch_operands = 1 : i64, tpu.core_type = #tpu.core_type<tc>} {
    %iota3A = tpu.iota {dimensions = array<i32: 0>} : vector<8x1024xi32>
    %mul3A = arith.constant 1024 : i32
    %mul3A_0 = vector.broadcast %mul3A : i32 to vector<8x1024xi32>
    %mul3A_1 = arith.muli %iota3A, %mul3A_0 : vector<8x1024xi32>
    %iota3A_2 = tpu.iota {dimensions = array<i32: 1>} : vector<8x1024xi32>
    %add3A = arith.addi %mul3A_1, %iota3A_2 : vector<8x1024xi32>
    %broadcast_in_dim3A = vector.shape_cast %add3A : vector<8x1024xi32> to vector<1x8x1024xi32>
    %broadcast_in_dim3A_3 = vector.shape_cast %broadcast_in_dim3A : vector<1x8x1024xi32> to vector<1x8x1024xi32>
    %broadcast_in_dim3A_4 = vector.broadcast %broadcast_in_dim3A_3 : vector<1x8x1024xi32> to vector<4x8x1024xi32>
    %iota3A_5 = tpu.iota {dimensions = array<i32: 0>} : vector<16x128xi32>
    %mul3A_6 = arith.constant 128 : i32
    %mul3A_7 = vector.broadcast %mul3A_6 : i32 to vector<16x128xi32>
    %mul3A_8 = arith.muli %iota3A_5, %mul3A_7 : vector<16x128xi32>
    %iota3A_9 = tpu.iota {dimensions = array<i32: 1>} : vector<16x128xi32>
    %add3A_10 = arith.addi %mul3A_8, %iota3A_9 : vector<16x128xi32>
    %broadcast_in_dim3A_11 = vector.shape_cast %add3A_10 : vector<16x128xi32> to vector<1x16x128xi32>
    %broadcast_in_dim3A_12 = vector.shape_cast %broadcast_in_dim3A_11 : vector<1x16x128xi32> to vector<1x16x128xi32>
    %broadcast_in_dim3A_13 = vector.broadcast %broadcast_in_dim3A_12 : vector<1x16x128xi32> to vector<4x16x128xi32>
    %broadcast_in_dim3A_14 = arith.constant 1.000000e+10 : f32
    %broadcast_in_dim3A_15 = vector.broadcast %broadcast_in_dim3A_14 : f32 to vector<4x8x1024xf32>
    %swap3A = arith.constant 0 : index
    %swap3A_16 = arith.constant 0 : index
    %swap3A_17 = arith.constant 0 : index
    %swap3A_18 = vector.load %arg7[%swap3A, %swap3A_16, %swap3A_17] : memref<4x8x1024xf32, #tpu.memory_space<vmem>>, vector<4x8x1024xf32>
    tpu.vector_store %arg7[%swap3A, %swap3A_16, %swap3A_17], %broadcast_in_dim3A_15 {strides = array<i32>} : memref<4x8x1024xf32, #tpu.memory_space<vmem>>, vector<4x8x1024xf32>,
    %broadcast_in_dim3A_19 = arith.constant 0 : i32
    %broadcast_in_dim3A_20 = vector.broadcast %broadcast_in_dim3A_19 : i32 to vector<4x1x1xi32>
    %broadcast_in_dim3A_21 = arith.constant 0 : i32
    %broadcast_in_dim3A_22 = vector.broadcast %broadcast_in_dim3A_21 : i32 to vector<4x16x128xi32>
    %broadcast_in_dim3A_23 = arith.constant 0.000000e+00 : f32
    %broadcast_in_dim3A_24 = vector.broadcast %broadcast_in_dim3A_23 : f32 to vector<4x16x128xf32>
    %broadcast_in_dim3A_25 = arith.constant 0.000000e+00 : f32
    %broadcast_in_dim3A_26 = vector.broadcast %broadcast_in_dim3A_25 : f32 to vector<4x16x128xf32>
    %broadcast_in_dim3A_27 = arith.constant 0.000000e+00 : f32
    %broadcast_in_dim3A_28 = vector.broadcast %broadcast_in_dim3A_27 : f32 to vector<4x16x128xf32>
    %scan3A = arith.constant 0xFF800000 : f32
    %scan3A_29 = arith.constant 0 : i32
    %scan3A_30 = arith.constant 2048 : i32
    %scan3A_31 = arith.addi %scan3A_29, %scan3A_30 : i32
    %scan3A_32 = arith.constant 1 : i32
    %scan3A_33:5 = scf.for %scan3A_51 = %scan3A_29 to %scan3A_31 step %scan3A_32 iter_args(%scan3A_52 = %broadcast_in_dim3A_20, %scan3A_53 = %broadcast_in_dim3A_22, %scan3A_54 = %broadcast_in_dim3A_24, %scan3A_55 = %broadcast_in_dim3A_26, %scan3A_56 = %broadcast_in_dim3A_28) -> (vector<4x1x1xi32>, vector<4x16x128xi32>, vector<4x16x128xf32>, vector<4x16x128xf32>, vector<4x16x128xf32>)  : i32 {
      %eq3A = vector.broadcast %scan3A_52 : vector<4x1x1xi32> to vector<4x8x1024xi32>
      %eq3A_57 = arith.cmpi eq, %broadcast_in_dim3A_4, %eq3A : vector<4x8x1024xi32>
      %get3A = arith.constant 0 : index
      %get3A_58 = arith.constant 0 : index
      %get3A_59 = arith.constant 0 : index
      %get3A_60 = vector.load %arg0[%get3A, %get3A_58, %get3A_59] : memref<4x8x1024xf32, #tpu.memory_space<vmem>>, vector<4x8x1024xf32>
      %get3A_61 = arith.constant 0 : index
      %get3A_62 = arith.constant 0 : index
      %get3A_63 = arith.constant 0 : index
      %get3A_64 = vector.load %arg1[%get3A_61, %get3A_62, %get3A_63] : memref<4x8x1024xf32, #tpu.memory_space<vmem>>, vector<4x8x1024xf32>
      %get3A_65 = arith.constant 0 : index
      %get3A_66 = arith.constant 0 : index
      %get3A_67 = arith.constant 0 : index
      %get3A_68 = vector.load %arg2[%get3A_65, %get3A_66, %get3A_67] : memref<4x8x1024xf32, #tpu.memory_space<vmem>>, vector<4x8x1024xf32>
      %broadcast_in_dim3A_69 = vector.broadcast %scan3A : f32 to vector<4x8x1024xf32>
      %select_n3A = arith.select %eq3A_57, %get3A_60, %broadcast_in_dim3A_69 : vector<4x8x1024xi1>, vector<4x8x1024xf32>
      %reduce_max3A = arith.constant dense<0xFF800000> : vector<4xf32>
      %reduce_max3A_70 = vector.multi_reduction <maximumf>, %select_n3A, %reduce_max3A [1, 2] : vector<4x8x1024xf32> to vector<4xf32>
      %broadcast_in_dim3A_71 = vector.shape_cast %reduce_max3A_70 : vector<4xf32> to vector<4x1x1xf32>
      %broadcast_in_dim3A_72 = vector.broadcast %scan3A : f32 to vector<4x8x1024xf32>
      %select_n3A_73 = arith.select %eq3A_57, %get3A_64, %broadcast_in_dim3A_72 : vector<4x8x1024xi1>, vector<4x8x1024xf32>
      %reduce_max3A_74 = arith.constant dense<0xFF800000> : vector<4xf32>
      %reduce_max3A_75 = vector.multi_reduction <maximumf>, %select_n3A_73, %reduce_max3A_74 [1, 2] : vector<4x8x1024xf32> to vector<4xf32>
      %broadcast_in_dim3A_76 = vector.shape_cast %reduce_max3A_75 : vector<4xf32> to vector<4x1x1xf32>
      %broadcast_in_dim3A_77 = vector.broadcast %scan3A : f32 to vector<4x8x1024xf32>
      %select_n3A_78 = arith.select %eq3A_57, %get3A_68, %broadcast_in_dim3A_77 : vector<4x8x1024xi1>, vector<4x8x1024xf32>
      %reduce_max3A_79 = arith.constant dense<0xFF800000> : vector<4xf32>
      %reduce_max3A_80 = vector.multi_reduction <maximumf>, %select_n3A_78, %reduce_max3A_79 [1, 2] : vector<4x8x1024xf32> to vector<4xf32>
      %broadcast_in_dim3A_81 = vector.shape_cast %reduce_max3A_80 : vector<4xf32> to vector<4x1x1xf32>
      %eq3A_82 = vector.broadcast %scan3A_51 : i32 to vector<4x16x128xi32>
      %eq3A_83 = arith.cmpi eq, %broadcast_in_dim3A_13, %eq3A_82 : vector<4x16x128xi32>
      %broadcast_in_dim3A_84 = vector.shape_cast %scan3A_52 : vector<4x1x1xi32> to vector<4x1x1xi32>
      %broadcast_in_dim3A_85 = vector.broadcast %broadcast_in_dim3A_84 : vector<4x1x1xi32> to vector<4x16x128xi32>
      %select_n3A_86 = arith.select %eq3A_83, %broadcast_in_dim3A_85, %scan3A_53 : vector<4x16x128xi1>, vector<4x16x128xi32>
      %broadcast_in_dim3A_87 = vector.shape_cast %broadcast_in_dim3A_71 : vector<4x1x1xf32> to vector<4x1x1xf32>
      %broadcast_in_dim3A_88 = vector.broadcast %broadcast_in_dim3A_87 : vector<4x1x1xf32> to vector<4x16x128xf32>
      %select_n3A_89 = arith.select %eq3A_83, %broadcast_in_dim3A_88, %scan3A_54 : vector<4x16x128xi1>, vector<4x16x128xf32>
      %broadcast_in_dim3A_90 = vector.shape_cast %broadcast_in_dim3A_76 : vector<4x1x1xf32> to vector<4x1x1xf32>
      %broadcast_in_dim3A_91 = vector.broadcast %broadcast_in_dim3A_90 : vector<4x1x1xf32> to vector<4x16x128xf32>
      %select_n3A_92 = arith.select %eq3A_83, %broadcast_in_dim3A_91, %scan3A_55 : vector<4x16x128xi1>, vector<4x16x128xf32>
      %broadcast_in_dim3A_93 = vector.shape_cast %broadcast_in_dim3A_81 : vector<4x1x1xf32> to vector<4x1x1xf32>
      %broadcast_in_dim3A_94 = vector.broadcast %broadcast_in_dim3A_93 : vector<4x1x1xf32> to vector<4x16x128xf32>
      %select_n3A_95 = arith.select %eq3A_83, %broadcast_in_dim3A_94, %scan3A_56 : vector<4x16x128xi1>, vector<4x16x128xf32>
      %sub3A = vector.broadcast %broadcast_in_dim3A_71 : vector<4x1x1xf32> to vector<4x8x1024xf32>
      %sub3A_96 = arith.subf %get3A_60, %sub3A : vector<4x8x1024xf32>
      %sub3A_97 = vector.broadcast %broadcast_in_dim3A_76 : vector<4x1x1xf32> to vector<4x8x1024xf32>
      %sub3A_98 = arith.subf %get3A_64, %sub3A_97 : vector<4x8x1024xf32>
      %sub3A_99 = vector.broadcast %broadcast_in_dim3A_81 : vector<4x1x1xf32> to vector<4x8x1024xf32>
      %sub3A_100 = arith.subf %get3A_68, %sub3A_99 : vector<4x8x1024xf32>
      %mul3A_101 = arith.mulf %sub3A_96, %sub3A_96 : vector<4x8x1024xf32>
      %mul3A_102 = arith.mulf %sub3A_98, %sub3A_98 : vector<4x8x1024xf32>
      %add3A_103 = arith.addf %mul3A_101, %mul3A_102 : vector<4x8x1024xf32>
      %mul3A_104 = arith.mulf %sub3A_100, %sub3A_100 : vector<4x8x1024xf32>
      %add3A_105 = arith.addf %add3A_103, %mul3A_104 : vector<4x8x1024xf32>
      %get3A_106 = arith.constant 0 : index
      %get3A_107 = arith.constant 0 : index
      %get3A_108 = arith.constant 0 : index
      %get3A_109 = vector.load %arg7[%get3A_106, %get3A_107, %get3A_108] : memref<4x8x1024xf32, #tpu.memory_space<vmem>>, vector<4x8x1024xf32>
      %min3A = arith.minimumf %get3A_109, %add3A_105 : vector<4x8x1024xf32>
      %swap3A_110 = arith.constant 0 : index
      %swap3A_111 = arith.constant 0 : index
      %swap3A_112 = arith.constant 0 : index
      %swap3A_113 = vector.load %arg7[%swap3A_110, %swap3A_111, %swap3A_112] : memref<4x8x1024xf32, #tpu.memory_space<vmem>>, vector<4x8x1024xf32>
      tpu.vector_store %arg7[%swap3A_110, %swap3A_111, %swap3A_112], %min3A {strides = array<i32>} : memref<4x8x1024xf32, #tpu.memory_space<vmem>>, vector<4x8x1024xf32>,
      %reduce_max3A_114 = arith.constant dense<0xFF800000> : vector<4xf32>
      %reduce_max3A_115 = vector.multi_reduction <maximumf>, %min3A, %reduce_max3A_114 [1, 2] : vector<4x8x1024xf32> to vector<4xf32>
      %broadcast_in_dim3A_116 = vector.shape_cast %reduce_max3A_115 : vector<4xf32> to vector<4x1x1xf32>
      %eq3A_117 = vector.broadcast %broadcast_in_dim3A_116 : vector<4x1x1xf32> to vector<4x8x1024xf32>
      %eq3A_118 = arith.cmpf oeq, %min3A, %eq3A_117 : vector<4x8x1024xf32>
      %jit3A = arith.constant 8192 : i32
      %broadcast_in_dim3A_119 = vector.broadcast %jit3A : i32 to vector<4x8x1024xi32>
      %select_n3A_120 = arith.select %eq3A_118, %broadcast_in_dim3A_4, %broadcast_in_dim3A_119 : vector<4x8x1024xi1>, vector<4x8x1024xi32>
      %reduce_min3A = arith.constant dense<2147483647> : vector<4xi32>
      %reduce_min3A_121 = vector.multi_reduction <minsi>, %select_n3A_120, %reduce_min3A [1, 2] : vector<4x8x1024xi32> to vector<4xi32>
      %broadcast_in_dim3A_122 = vector.shape_cast %reduce_min3A_121 : vector<4xi32> to vector<4x1x1xi32>
      scf.yield %broadcast_in_dim3A_122, %select_n3A_86, %select_n3A_89, %select_n3A_92, %select_n3A_95 : vector<4x1x1xi32>, vector<4x16x128xi32>, vector<4x16x128xf32>, vector<4x16x128xf32>, vector<4x16x128xf32>
    }
    %scan3A_34 = arith.constant 2048 : i32
    %swap3A_35 = arith.constant 0 : index
    %swap3A_36 = arith.constant 0 : index
    %swap3A_37 = arith.constant 0 : index
    %swap3A_38 = vector.load %arg3[%swap3A_35, %swap3A_36, %swap3A_37] : memref<4x16x128xi32, #tpu.memory_space<vmem>>, vector<4x16x128xi32>
    tpu.vector_store %arg3[%swap3A_35, %swap3A_36, %swap3A_37], %scan3A_33#1 {strides = array<i32>} : memref<4x16x128xi32, #tpu.memory_space<vmem>>, vector<4x16x128xi32>,
    %swap3A_39 = arith.constant 0 : index
    %swap3A_40 = arith.constant 0 : index
    %swap3A_41 = arith.constant 0 : index
    %swap3A_42 = vector.load %arg4[%swap3A_39, %swap3A_40, %swap3A_41] : memref<4x16x128xf32, #tpu.memory_space<vmem>>, vector<4x16x128xf32>
    tpu.vector_store %arg4[%swap3A_39, %swap3A_40, %swap3A_41], %scan3A_33#2 {strides = array<i32>} : memref<4x16x128xf32, #tpu.memory_space<vmem>>, vector<4x16x128xf32>,
    %swap3A_43 = arith.constant 0 : index
    %swap3A_44 = arith.constant 0 : index
    %swap3A_45 = arith.constant 0 : index
    %swap3A_46 = vector.load %arg5[%swap3A_43, %swap3A_44, %swap3A_45] : memref<4x16x128xf32, #tpu.memory_space<vmem>>, vector<4x16x128xf32>
    tpu.vector_store %arg5[%swap3A_43, %swap3A_44, %swap3A_45], %scan3A_33#3 {strides = array<i32>} : memref<4x16x128xf32, #tpu.memory_space<vmem>>, vector<4x16x128xf32>,
    %swap3A_47 = arith.constant 0 : index
    %swap3A_48 = arith.constant 0 : index
    %swap3A_49 = arith.constant 0 : index
    %swap3A_50 = vector.load %arg6[%swap3A_47, %swap3A_48, %swap3A_49] : memref<4x16x128xf32, #tpu.memory_space<vmem>>, vector<4x16x128xf32>
    tpu.vector_store %arg6[%swap3A_47, %swap3A_48, %swap3A_49], %scan3A_33#4 {strides = array<i32>} : memref<4x16x128xf32, #tpu.memory_space<vmem>>, vector<4x16x128xf32>,
    return
  }
}

module attributes {stable_mosaic.version = 14 : i64} {
  func.func @_bq_body(%arg0: i32, %arg1: i32, %arg2: memref<1x1x64x1xf32, #tpu.memory_space<vmem>>, %arg3: memref<1x1x64x1xf32, #tpu.memory_space<vmem>>, %arg4: memref<1x1x64x1xf32, #tpu.memory_space<vmem>>, %arg5: memref<1x1x8192xf32, #tpu.memory_space<vmem>>, %arg6: memref<1x1x8192xf32, #tpu.memory_space<vmem>>, %arg7: memref<1x1x8192xf32, #tpu.memory_space<vmem>>, %arg8: memref<1x64x64xi32, #tpu.memory_space<vmem>>, %arg9: memref<64x8192xi32, #tpu.memory_space<vmem>>) attributes {dimension_semantics = [#tpu.dimension_semantics<arbitrary>, #tpu.dimension_semantics<arbitrary>], iteration_bounds = array<i64: 4, 32>, scalar_prefetch = 0 : i64, scratch_operands = 1 : i64, tpu.core_type = #tpu.core_type<tc>, window_params = [{transform_indices = @transform_0, window_bounds = array<i64: 1, 1, 64, 1>}, {transform_indices = @transform_1, window_bounds = array<i64: 1, 1, 64, 1>}, {transform_indices = @transform_2, window_bounds = array<i64: 1, 1, 64, 1>}, {transform_indices = @transform_3, window_bounds = array<i64: 1, 1, 8192>}, {transform_indices = @transform_4, window_bounds = array<i64: 1, 1, 8192>}, {transform_indices = @transform_5, window_bounds = array<i64: 1, 1, 8192>}, {transform_indices = @transform_6, window_bounds = array<i64: 1, 64, 64>}]} {
    %get3A = arith.constant 0 : index
    %get3A_0 = arith.constant 0 : index
    %get3A_1 = arith.constant 0 : index
    %get3A_2 = arith.constant 0 : index
    %get3A_3 = vector.load %arg2[%get3A, %get3A_0, %get3A_1, %get3A_2] : memref<1x1x64x1xf32, #tpu.memory_space<vmem>>, vector<1x1x64x1xf32>
    %get3A_4 = vector.shape_cast %get3A_3 : vector<1x1x64x1xf32> to vector<64x1xf32>
    %get3A_5 = arith.constant 0 : index
    %get3A_6 = arith.constant 0 : index
    %get3A_7 = arith.constant 0 : index
    %get3A_8 = arith.constant 0 : index
    %get3A_9 = vector.load %arg3[%get3A_5, %get3A_6, %get3A_7, %get3A_8] : memref<1x1x64x1xf32, #tpu.memory_space<vmem>>, vector<1x1x64x1xf32>
    %get3A_10 = vector.shape_cast %get3A_9 : vector<1x1x64x1xf32> to vector<64x1xf32>
    %get3A_11 = arith.constant 0 : index
    %get3A_12 = arith.constant 0 : index
    %get3A_13 = arith.constant 0 : index
    %get3A_14 = arith.constant 0 : index
    %get3A_15 = vector.load %arg4[%get3A_11, %get3A_12, %get3A_13, %get3A_14] : memref<1x1x64x1xf32, #tpu.memory_space<vmem>>, vector<1x1x64x1xf32>
    %get3A_16 = vector.shape_cast %get3A_15 : vector<1x1x64x1xf32> to vector<64x1xf32>
    %mul3A = arith.mulf %get3A_4, %get3A_4 : vector<64x1xf32>
    %mul3A_17 = arith.mulf %get3A_10, %get3A_10 : vector<64x1xf32>
    %add3A = arith.addf %mul3A, %mul3A_17 : vector<64x1xf32>
    %mul3A_18 = arith.mulf %get3A_16, %get3A_16 : vector<64x1xf32>
    %add3A_19 = arith.addf %add3A, %mul3A_18 : vector<64x1xf32>
    %get3A_20 = arith.constant 0 : index
    %get3A_21 = arith.constant 0 : index
    %get3A_22 = arith.constant 0 : index
    %get3A_23 = vector.load %arg5[%get3A_20, %get3A_21, %get3A_22] : memref<1x1x8192xf32, #tpu.memory_space<vmem>>, vector<1x1x8192xf32>
    %get3A_24 = vector.shape_cast %get3A_23 : vector<1x1x8192xf32> to vector<1x8192xf32>
    %get3A_25 = arith.constant 0 : index
    %get3A_26 = arith.constant 0 : index
    %get3A_27 = arith.constant 0 : index
    %get3A_28 = vector.load %arg6[%get3A_25, %get3A_26, %get3A_27] : memref<1x1x8192xf32, #tpu.memory_space<vmem>>, vector<1x1x8192xf32>
    %get3A_29 = vector.shape_cast %get3A_28 : vector<1x1x8192xf32> to vector<1x8192xf32>
    %get3A_30 = arith.constant 0 : index
    %get3A_31 = arith.constant 0 : index
    %get3A_32 = arith.constant 0 : index
    %get3A_33 = vector.load %arg7[%get3A_30, %get3A_31, %get3A_32] : memref<1x1x8192xf32, #tpu.memory_space<vmem>>, vector<1x1x8192xf32>
    %get3A_34 = vector.shape_cast %get3A_33 : vector<1x1x8192xf32> to vector<1x8192xf32>
    %mul3A_35 = arith.mulf %get3A_24, %get3A_24 : vector<1x8192xf32>
    %mul3A_36 = arith.mulf %get3A_29, %get3A_29 : vector<1x8192xf32>
    %add3A_37 = arith.addf %mul3A_35, %mul3A_36 : vector<1x8192xf32>
    %mul3A_38 = arith.mulf %get3A_34, %get3A_34 : vector<1x8192xf32>
    %add3A_39 = arith.addf %add3A_37, %mul3A_38 : vector<1x8192xf32>
    %convert_element_type3A = arith.truncf %get3A_4 : vector<64x1xf32> to vector<64x1xbf16>
    %convert_element_type3A_40 = arith.extf %convert_element_type3A : vector<64x1xbf16> to vector<64x1xf32>
    %convert_element_type3A_41 = arith.truncf %get3A_24 : vector<1x8192xf32> to vector<1x8192xbf16>
    %convert_element_type3A_42 = arith.extf %convert_element_type3A_41 : vector<1x8192xbf16> to vector<1x8192xf32>
    %mul3A_43 = vector.broadcast %convert_element_type3A_40 : vector<64x1xf32> to vector<64x8192xf32>
    %mul3A_44 = vector.broadcast %convert_element_type3A_42 : vector<1x8192xf32> to vector<64x8192xf32>
    %mul3A_45 = arith.mulf %mul3A_43, %mul3A_44 : vector<64x8192xf32>
    %convert_element_type3A_46 = arith.truncf %get3A_10 : vector<64x1xf32> to vector<64x1xbf16>
    %convert_element_type3A_47 = arith.extf %convert_element_type3A_46 : vector<64x1xbf16> to vector<64x1xf32>
    %convert_element_type3A_48 = arith.truncf %get3A_29 : vector<1x8192xf32> to vector<1x8192xbf16>
    %convert_element_type3A_49 = arith.extf %convert_element_type3A_48 : vector<1x8192xbf16> to vector<1x8192xf32>
    %mul3A_50 = vector.broadcast %convert_element_type3A_47 : vector<64x1xf32> to vector<64x8192xf32>
    %mul3A_51 = vector.broadcast %convert_element_type3A_49 : vector<1x8192xf32> to vector<64x8192xf32>
    %mul3A_52 = arith.mulf %mul3A_50, %mul3A_51 : vector<64x8192xf32>
    %add3A_53 = arith.addf %mul3A_45, %mul3A_52 : vector<64x8192xf32>
    %convert_element_type3A_54 = arith.truncf %get3A_16 : vector<64x1xf32> to vector<64x1xbf16>
    %convert_element_type3A_55 = arith.extf %convert_element_type3A_54 : vector<64x1xbf16> to vector<64x1xf32>
    %convert_element_type3A_56 = arith.truncf %get3A_34 : vector<1x8192xf32> to vector<1x8192xbf16>
    %convert_element_type3A_57 = arith.extf %convert_element_type3A_56 : vector<1x8192xbf16> to vector<1x8192xf32>
    %mul3A_58 = vector.broadcast %convert_element_type3A_55 : vector<64x1xf32> to vector<64x8192xf32>
    %mul3A_59 = vector.broadcast %convert_element_type3A_57 : vector<1x8192xf32> to vector<64x8192xf32>
    %mul3A_60 = arith.mulf %mul3A_58, %mul3A_59 : vector<64x8192xf32>
    %add3A_61 = arith.addf %add3A_53, %mul3A_60 : vector<64x8192xf32>
    %mul3A_62 = arith.constant 2.000000e+00 : f32
    %mul3A_63 = vector.broadcast %mul3A_62 : f32 to vector<64x8192xf32>
    %mul3A_64 = arith.mulf %mul3A_63, %add3A_61 : vector<64x8192xf32>
    %sub3A = vector.broadcast %add3A_19 : vector<64x1xf32> to vector<64x8192xf32>
    %sub3A_65 = arith.subf %sub3A, %mul3A_64 : vector<64x8192xf32>
    %add3A_66 = vector.broadcast %add3A_39 : vector<1x8192xf32> to vector<64x8192xf32>
    %add3A_67 = arith.addf %sub3A_65, %add3A_66 : vector<64x8192xf32>
    %max3A = arith.constant 0.000000e+00 : f32
    %max3A_68 = vector.broadcast %max3A : f32 to vector<64x8192xf32>
    %max3A_69 = arith.maximumf %add3A_67, %max3A_68 : vector<64x8192xf32>
    %iota3A = tpu.iota {dimensions = array<i32: 1>} : vector<64x8192xi32>
    %lt3A = arith.constant 1.600000e-03 : f32
    %lt3A_70 = vector.broadcast %lt3A : f32 to vector<64x8192xf32>
    %lt3A_71 = arith.cmpf olt, %max3A_69, %lt3A_70 : vector<64x8192xf32>
    %jit3A = arith.constant 8192 : i32
    %broadcast_in_dim3A = vector.broadcast %jit3A : i32 to vector<64x8192xi32>
    %select_n3A = arith.select %lt3A_71, %iota3A, %broadcast_in_dim3A : vector<64x8192xi1>, vector<64x8192xi32>
    %swap3A = arith.constant 0 : index
    %swap3A_72 = arith.constant 0 : index
    %swap3A_73 = vector.load %arg9[%swap3A, %swap3A_72] : memref<64x8192xi32, #tpu.memory_space<vmem>>, vector<64x8192xi32>
    tpu.vector_store %arg9[%swap3A, %swap3A_72], %select_n3A {strides = array<i32>} : memref<64x8192xi32, #tpu.memory_space<vmem>>, vector<64x8192xi32>,
    %get3A_74 = arith.constant 0 : index
    %get3A_75 = arith.constant 0 : index
    %get3A_76 = vector.load %arg9[%get3A_74, %get3A_75] : memref<64x8192xi32, #tpu.memory_space<vmem>>, vector<64x8192xi32>
    %reduce_min3A = arith.constant dense<2147483647> : vector<64xi32>
    %reduce_min3A_77 = vector.multi_reduction <minsi>, %get3A_76, %reduce_min3A [1] : vector<64x8192xi32> to vector<64xi32>
    %broadcast_in_dim3A_78 = vector.shape_cast %reduce_min3A_77 : vector<64xi32> to vector<64x1xi32>
    %eq3A = vector.broadcast %broadcast_in_dim3A_78 : vector<64x1xi32> to vector<64x8192xi32>
    %eq3A_79 = arith.cmpi eq, %get3A_76, %eq3A : vector<64x8192xi32>
    %jit3A_80 = arith.constant 8192 : i32
    %broadcast_in_dim3A_81 = vector.broadcast %jit3A_80 : i32 to vector<64x8192xi32>
    %select_n3A_82 = arith.select %eq3A_79, %broadcast_in_dim3A_81, %get3A_76 : vector<64x8192xi1>, vector<64x8192xi32>
    %swap3A_83 = arith.constant 0 : index
    %swap3A_84 = arith.constant 0 : index
    %swap3A_85 = vector.load %arg9[%swap3A_83, %swap3A_84] : memref<64x8192xi32, #tpu.memory_space<vmem>>, vector<64x8192xi32>
    tpu.vector_store %arg9[%swap3A_83, %swap3A_84], %select_n3A_82 {strides = array<i32>} : memref<64x8192xi32, #tpu.memory_space<vmem>>, vector<64x8192xi32>,
    %broadcast_in_dim3A_86 = vector.shape_cast %broadcast_in_dim3A_78 : vector<64x1xi32> to vector<64x1xi32>
    %broadcast_in_dim3A_87 = vector.broadcast %broadcast_in_dim3A_86 : vector<64x1xi32> to vector<64x64xi32>
    %while3A = arith.constant 1 : i32
    %while3A_88 = arith.constant true
    %while3A_89:3 = scf.while (%while3A_102 = %while3A, %while3A_103 = %broadcast_in_dim3A_87, %while3A_104 = %while3A_88) : (i32, vector<64x64xi32>, i1) -> (i32, vector<64x64xi32>, i1) {
      %lt3A_105 = arith.constant 64 : i32
      %lt3A_106 = arith.cmpi slt, %while3A_102, %lt3A_105 : i32
      %and3A = arith.andi %lt3A_106, %while3A_104 : i1
      scf.condition(%and3A) %while3A_102, %while3A_103, %while3A_104 : i32, vector<64x64xi32>, i1
    } do {
    ^bb0(%while3A_102: i32, %while3A_103: vector<64x64xi32>, %while3A_104: i1):
      %get3A_105 = arith.constant 0 : index
      %get3A_106 = arith.constant 0 : index
      %get3A_107 = vector.load %arg9[%get3A_105, %get3A_106] : memref<64x8192xi32, #tpu.memory_space<vmem>>, vector<64x8192xi32>
      %reduce_min3A_108 = arith.constant dense<2147483647> : vector<64xi32>
      %reduce_min3A_109 = vector.multi_reduction <minsi>, %get3A_107, %reduce_min3A_108 [1] : vector<64x8192xi32> to vector<64xi32>
      %broadcast_in_dim3A_110 = vector.shape_cast %reduce_min3A_109 : vector<64xi32> to vector<64x1xi32>
      %lt3A_111 = arith.constant 8192 : i32
      %lt3A_112 = vector.broadcast %lt3A_111 : i32 to vector<64x1xi32>
      %lt3A_113 = arith.cmpi slt, %broadcast_in_dim3A_110, %lt3A_112 : vector<64x1xi32>
      %slice3A = vector.extract_strided_slice %while3A_103 {offsets = [0, 0], sizes = [64, 1], strides = [1, 1]} : vector<64x64xi32> to vector<64x1xi32>
      %select_n3A_114 = arith.select %lt3A_113, %broadcast_in_dim3A_110, %slice3A : vector<64x1xi1>, vector<64x1xi32>
      %iota3A_115 = tpu.iota {dimensions = array<i32: 1>} : vector<64x64xi32>
      %eq3A_116 = vector.broadcast %while3A_102 : i32 to vector<64x64xi32>
      %eq3A_117 = arith.cmpi eq, %iota3A_115, %eq3A_116 : vector<64x64xi32>
      %broadcast_in_dim3A_118 = vector.shape_cast %select_n3A_114 : vector<64x1xi32> to vector<64x1xi32>
      %broadcast_in_dim3A_119 = vector.broadcast %broadcast_in_dim3A_118 : vector<64x1xi32> to vector<64x64xi32>
      %select_n3A_120 = arith.select %eq3A_117, %broadcast_in_dim3A_119, %while3A_103 : vector<64x64xi1>, vector<64x64xi32>
      %eq3A_121 = vector.broadcast %broadcast_in_dim3A_110 : vector<64x1xi32> to vector<64x8192xi32>
      %eq3A_122 = arith.cmpi eq, %get3A_107, %eq3A_121 : vector<64x8192xi32>
      %jit3A_123 = arith.constant 8192 : i32
      %broadcast_in_dim3A_124 = vector.broadcast %jit3A_123 : i32 to vector<64x8192xi32>
      %select_n3A_125 = arith.select %eq3A_122, %broadcast_in_dim3A_124, %get3A_107 : vector<64x8192xi1>, vector<64x8192xi32>
      %swap3A_126 = arith.constant 0 : index
      %swap3A_127 = arith.constant 0 : index
      %swap3A_128 = vector.load %arg9[%swap3A_126, %swap3A_127] : memref<64x8192xi32, #tpu.memory_space<vmem>>, vector<64x8192xi32>
      tpu.vector_store %arg9[%swap3A_126, %swap3A_127], %select_n3A_125 {strides = array<i32>} : memref<64x8192xi32, #tpu.memory_space<vmem>>, vector<64x8192xi32>,
      %add3A_129 = arith.constant 1 : i32
      %add3A_130 = arith.addi %while3A_102, %add3A_129 : i32
      %reduce_or3A = arith.constant 1.000000e+00 : f32
      %reduce_or3A_131 = arith.constant 0.000000e+00 : f32
      %reduce_or3A_132 = vector.broadcast %reduce_or3A : f32 to vector<64x1xf32>
      %reduce_or3A_133 = vector.broadcast %reduce_or3A_131 : f32 to vector<64x1xf32>
      %reduce_or3A_134 = arith.select %lt3A_113, %reduce_or3A_132, %reduce_or3A_133 : vector<64x1xi1>, vector<64x1xf32>
      %reduce_or3A_135 = vector.shape_cast %reduce_or3A_134 : vector<64x1xf32> to vector<1x64x1xf32>
      %reduce_or3A_136 = arith.constant dense<0xFF800000> : vector<1xf32>
      %reduce_or3A_137 = vector.multi_reduction <maximumf>, %reduce_or3A_135, %reduce_or3A_136 [1, 2] : vector<1x64x1xf32> to vector<1xf32>
      %reduce_or3A_138 = vector.shape_cast %reduce_or3A_137 : vector<1xf32> to vector<1x1x1xf32>
      %reduce_or3A_139 = vector.extract %reduce_or3A_138[0, 0, 0] : f32 from vector<1x1x1xf32>
      %reduce_or3A_140 = arith.constant 0.000000e+00 : f32
      %reduce_or3A_141 = arith.cmpf ogt, %reduce_or3A_139, %reduce_or3A_140 : f32
      scf.yield %add3A_130, %select_n3A_120, %reduce_or3A_141 : i32, vector<64x64xi32>, i1
    }
    %min3A = arith.constant 8191 : i32
    %min3A_90 = vector.broadcast %min3A : i32 to vector<64x64xi32>
    %min3A_91 = arith.minsi %while3A_89#1, %min3A_90 : vector<64x64xi32>
    %mul3A_92 = arith.constant 8192 : i32
    %mul3A_93 = arith.muli %arg0, %mul3A_92 : i32
    %add3A_94 = vector.broadcast %mul3A_93 : i32 to vector<64x64xi32>
    %add3A_95 = arith.addi %min3A_91, %add3A_94 : vector<64x64xi32>
    %swap3A_96 = arith.constant 0 : index
    %swap3A_97 = arith.constant 0 : index
    %swap3A_98 = arith.constant 0 : index
    %swap3A_99 = vector.load %arg8[%swap3A_96, %swap3A_97, %swap3A_98] : memref<1x64x64xi32, #tpu.memory_space<vmem>>, vector<1x64x64xi32>
    %swap3A_100 = vector.shape_cast %swap3A_99 : vector<1x64x64xi32> to vector<64x64xi32>
    %swap3A_101 = vector.shape_cast %add3A_95 : vector<64x64xi32> to vector<1x64x64xi32>
    tpu.vector_store %arg8[%swap3A_96, %swap3A_97, %swap3A_98], %swap3A_101 {strides = array<i32>} : memref<1x64x64xi32, #tpu.memory_space<vmem>>, vector<1x64x64xi32>,
    return
  }
  func.func @transform_0(%arg0: i32, %arg1: i32) -> (i32, i32, i32, i32) {
    %c0_i32 = arith.constant 0 : i32
    %c0_i32_0 = arith.constant 0 : i32
    %c0_i32_1 = arith.constant 0 : i32
    return %arg0, %arg1, %c0_i32, %c0_i32_0 : i32, i32, i32, i32
  }
  func.func @transform_1(%arg0: i32, %arg1: i32) -> (i32, i32, i32, i32) {
    %c0_i32 = arith.constant 0 : i32
    %c0_i32_0 = arith.constant 0 : i32
    %c0_i32_1 = arith.constant 0 : i32
    return %arg0, %arg1, %c0_i32, %c0_i32_0 : i32, i32, i32, i32
  }
  func.func @transform_2(%arg0: i32, %arg1: i32) -> (i32, i32, i32, i32) {
    %c0_i32 = arith.constant 0 : i32
    %c0_i32_0 = arith.constant 0 : i32
    %c0_i32_1 = arith.constant 0 : i32
    return %arg0, %arg1, %c0_i32, %c0_i32_0 : i32, i32, i32, i32
  }
  func.func @transform_3(%arg0: i32, %arg1: i32) -> (i32, i32, i32) {
    %c0_i32 = arith.constant 0 : i32
    %c0_i32_0 = arith.constant 0 : i32
    %c0_i32_1 = arith.constant 0 : i32
    return %arg0, %c0_i32, %c0_i32_0 : i32, i32, i32
  }
  func.func @transform_4(%arg0: i32, %arg1: i32) -> (i32, i32, i32) {
    %c0_i32 = arith.constant 0 : i32
    %c0_i32_0 = arith.constant 0 : i32
    %c0_i32_1 = arith.constant 0 : i32
    return %arg0, %c0_i32, %c0_i32_0 : i32, i32, i32
  }
  func.func @transform_5(%arg0: i32, %arg1: i32) -> (i32, i32, i32) {
    %c0_i32 = arith.constant 0 : i32
    %c0_i32_0 = arith.constant 0 : i32
    %c0_i32_1 = arith.constant 0 : i32
    return %arg0, %c0_i32, %c0_i32_0 : i32, i32, i32
  }
  func.func @transform_6(%arg0: i32, %arg1: i32) -> (i32, i32, i32) {
    %c0_i32 = arith.constant 0 : i32
    %c0_i32_0 = arith.constant 0 : i32
    return %arg0, %arg1, %c0_i32 : i32, i32, i32
  }
}

module attributes {stable_mosaic.version = 14 : i64} {
  func.func @_tknn_body(%arg0: i32, %arg1: i32, %arg2: memref<1x1x128x1xf32, #tpu.memory_space<vmem>>, %arg3: memref<1x1x128x1xf32, #tpu.memory_space<vmem>>, %arg4: memref<1x1x128x1xf32, #tpu.memory_space<vmem>>, %arg5: memref<1x1x2048xf32, #tpu.memory_space<vmem>>, %arg6: memref<1x1x2048xf32, #tpu.memory_space<vmem>>, %arg7: memref<1x1x2048xf32, #tpu.memory_space<vmem>>, %arg8: memref<1x128x16xi32, #tpu.memory_space<vmem>>, %arg9: memref<128x2048xf32, #tpu.memory_space<vmem>>) attributes {dimension_semantics = [#tpu.dimension_semantics<arbitrary>, #tpu.dimension_semantics<arbitrary>], iteration_bounds = array<i64: 4, 16>, scalar_prefetch = 0 : i64, scratch_operands = 1 : i64, tpu.core_type = #tpu.core_type<tc>, window_params = [{transform_indices = @transform_0, window_bounds = array<i64: 1, 1, 128, 1>}, {transform_indices = @transform_1, window_bounds = array<i64: 1, 1, 128, 1>}, {transform_indices = @transform_2, window_bounds = array<i64: 1, 1, 128, 1>}, {transform_indices = @transform_3, window_bounds = array<i64: 1, 1, 2048>}, {transform_indices = @transform_4, window_bounds = array<i64: 1, 1, 2048>}, {transform_indices = @transform_5, window_bounds = array<i64: 1, 1, 2048>}, {transform_indices = @transform_6, window_bounds = array<i64: 1, 128, 16>}]} {
    %get3A = arith.constant 0 : index
    %get3A_0 = arith.constant 0 : index
    %get3A_1 = arith.constant 0 : index
    %get3A_2 = arith.constant 0 : index
    %get3A_3 = vector.load %arg2[%get3A, %get3A_0, %get3A_1, %get3A_2] : memref<1x1x128x1xf32, #tpu.memory_space<vmem>>, vector<1x1x128x1xf32>
    %get3A_4 = vector.shape_cast %get3A_3 : vector<1x1x128x1xf32> to vector<128x1xf32>
    %get3A_5 = arith.constant 0 : index
    %get3A_6 = arith.constant 0 : index
    %get3A_7 = arith.constant 0 : index
    %get3A_8 = arith.constant 0 : index
    %get3A_9 = vector.load %arg3[%get3A_5, %get3A_6, %get3A_7, %get3A_8] : memref<1x1x128x1xf32, #tpu.memory_space<vmem>>, vector<1x1x128x1xf32>
    %get3A_10 = vector.shape_cast %get3A_9 : vector<1x1x128x1xf32> to vector<128x1xf32>
    %get3A_11 = arith.constant 0 : index
    %get3A_12 = arith.constant 0 : index
    %get3A_13 = arith.constant 0 : index
    %get3A_14 = arith.constant 0 : index
    %get3A_15 = vector.load %arg4[%get3A_11, %get3A_12, %get3A_13, %get3A_14] : memref<1x1x128x1xf32, #tpu.memory_space<vmem>>, vector<1x1x128x1xf32>
    %get3A_16 = vector.shape_cast %get3A_15 : vector<1x1x128x1xf32> to vector<128x1xf32>
    %mul3A = arith.mulf %get3A_4, %get3A_4 : vector<128x1xf32>
    %mul3A_17 = arith.mulf %get3A_10, %get3A_10 : vector<128x1xf32>
    %add3A = arith.addf %mul3A, %mul3A_17 : vector<128x1xf32>
    %mul3A_18 = arith.mulf %get3A_16, %get3A_16 : vector<128x1xf32>
    %add3A_19 = arith.addf %add3A, %mul3A_18 : vector<128x1xf32>
    %get3A_20 = arith.constant 0 : index
    %get3A_21 = arith.constant 0 : index
    %get3A_22 = arith.constant 0 : index
    %get3A_23 = vector.load %arg5[%get3A_20, %get3A_21, %get3A_22] : memref<1x1x2048xf32, #tpu.memory_space<vmem>>, vector<1x1x2048xf32>
    %get3A_24 = vector.shape_cast %get3A_23 : vector<1x1x2048xf32> to vector<1x2048xf32>
    %get3A_25 = arith.constant 0 : index
    %get3A_26 = arith.constant 0 : index
    %get3A_27 = arith.constant 0 : index
    %get3A_28 = vector.load %arg6[%get3A_25, %get3A_26, %get3A_27] : memref<1x1x2048xf32, #tpu.memory_space<vmem>>, vector<1x1x2048xf32>
    %get3A_29 = vector.shape_cast %get3A_28 : vector<1x1x2048xf32> to vector<1x2048xf32>
    %get3A_30 = arith.constant 0 : index
    %get3A_31 = arith.constant 0 : index
    %get3A_32 = arith.constant 0 : index
    %get3A_33 = vector.load %arg7[%get3A_30, %get3A_31, %get3A_32] : memref<1x1x2048xf32, #tpu.memory_space<vmem>>, vector<1x1x2048xf32>
    %get3A_34 = vector.shape_cast %get3A_33 : vector<1x1x2048xf32> to vector<1x2048xf32>
    %mul3A_35 = arith.mulf %get3A_24, %get3A_24 : vector<1x2048xf32>
    %mul3A_36 = arith.mulf %get3A_29, %get3A_29 : vector<1x2048xf32>
    %add3A_37 = arith.addf %mul3A_35, %mul3A_36 : vector<1x2048xf32>
    %mul3A_38 = arith.mulf %get3A_34, %get3A_34 : vector<1x2048xf32>
    %add3A_39 = arith.addf %add3A_37, %mul3A_38 : vector<1x2048xf32>
    %convert_element_type3A = arith.truncf %get3A_4 : vector<128x1xf32> to vector<128x1xbf16>
    %convert_element_type3A_40 = arith.extf %convert_element_type3A : vector<128x1xbf16> to vector<128x1xf32>
    %convert_element_type3A_41 = arith.truncf %get3A_24 : vector<1x2048xf32> to vector<1x2048xbf16>
    %convert_element_type3A_42 = arith.extf %convert_element_type3A_41 : vector<1x2048xbf16> to vector<1x2048xf32>
    %mul3A_43 = vector.broadcast %convert_element_type3A_40 : vector<128x1xf32> to vector<128x2048xf32>
    %mul3A_44 = vector.broadcast %convert_element_type3A_42 : vector<1x2048xf32> to vector<128x2048xf32>
    %mul3A_45 = arith.mulf %mul3A_43, %mul3A_44 : vector<128x2048xf32>
    %convert_element_type3A_46 = arith.truncf %get3A_10 : vector<128x1xf32> to vector<128x1xbf16>
    %convert_element_type3A_47 = arith.extf %convert_element_type3A_46 : vector<128x1xbf16> to vector<128x1xf32>
    %convert_element_type3A_48 = arith.truncf %get3A_29 : vector<1x2048xf32> to vector<1x2048xbf16>
    %convert_element_type3A_49 = arith.extf %convert_element_type3A_48 : vector<1x2048xbf16> to vector<1x2048xf32>
    %mul3A_50 = vector.broadcast %convert_element_type3A_47 : vector<128x1xf32> to vector<128x2048xf32>
    %mul3A_51 = vector.broadcast %convert_element_type3A_49 : vector<1x2048xf32> to vector<128x2048xf32>
    %mul3A_52 = arith.mulf %mul3A_50, %mul3A_51 : vector<128x2048xf32>
    %add3A_53 = arith.addf %mul3A_45, %mul3A_52 : vector<128x2048xf32>
    %convert_element_type3A_54 = arith.truncf %get3A_16 : vector<128x1xf32> to vector<128x1xbf16>
    %convert_element_type3A_55 = arith.extf %convert_element_type3A_54 : vector<128x1xbf16> to vector<128x1xf32>
    %convert_element_type3A_56 = arith.truncf %get3A_34 : vector<1x2048xf32> to vector<1x2048xbf16>
    %convert_element_type3A_57 = arith.extf %convert_element_type3A_56 : vector<1x2048xbf16> to vector<1x2048xf32>
    %mul3A_58 = vector.broadcast %convert_element_type3A_55 : vector<128x1xf32> to vector<128x2048xf32>
    %mul3A_59 = vector.broadcast %convert_element_type3A_57 : vector<1x2048xf32> to vector<128x2048xf32>
    %mul3A_60 = arith.mulf %mul3A_58, %mul3A_59 : vector<128x2048xf32>
    %add3A_61 = arith.addf %add3A_53, %mul3A_60 : vector<128x2048xf32>
    %mul3A_62 = arith.constant 2.000000e+00 : f32
    %mul3A_63 = vector.broadcast %mul3A_62 : f32 to vector<128x2048xf32>
    %mul3A_64 = arith.mulf %mul3A_63, %add3A_61 : vector<128x2048xf32>
    %sub3A = vector.broadcast %add3A_19 : vector<128x1xf32> to vector<128x2048xf32>
    %sub3A_65 = arith.subf %sub3A, %mul3A_64 : vector<128x2048xf32>
    %add3A_66 = vector.broadcast %add3A_39 : vector<1x2048xf32> to vector<128x2048xf32>
    %add3A_67 = arith.addf %sub3A_65, %add3A_66 : vector<128x2048xf32>
    %max3A = arith.constant 0.000000e+00 : f32
    %max3A_68 = vector.broadcast %max3A : f32 to vector<128x2048xf32>
    %max3A_69 = arith.maximumf %add3A_67, %max3A_68 : vector<128x2048xf32>
    %swap3A = arith.constant 0 : index
    %swap3A_70 = arith.constant 0 : index
    %swap3A_71 = vector.load %arg9[%swap3A, %swap3A_70] : memref<128x2048xf32, #tpu.memory_space<vmem>>, vector<128x2048xf32>
    tpu.vector_store %arg9[%swap3A, %swap3A_70], %max3A_69 {strides = array<i32>} : memref<128x2048xf32, #tpu.memory_space<vmem>>, vector<128x2048xf32>,
    %iota3A = tpu.iota {dimensions = array<i32: 1>} : vector<128x2048xi32>
    %broadcast_in_dim3A = arith.constant 0 : i32
    %broadcast_in_dim3A_72 = vector.broadcast %broadcast_in_dim3A : i32 to vector<128x16xi32>
    %scan3A = arith.constant 0x7F800000 : f32
    %scan3A_73 = arith.constant 0 : i32
    %scan3A_74 = arith.constant 16 : i32
    %scan3A_75 = arith.addi %scan3A_73, %scan3A_74 : i32
    %scan3A_76 = arith.constant 1 : i32
    %scan3A_77 = scf.for %scan3A_89 = %scan3A_73 to %scan3A_75 step %scan3A_76 iter_args(%scan3A_90 = %broadcast_in_dim3A_72) -> (vector<128x16xi32>)  : i32 {
      %get3A_91 = arith.constant 0 : index
      %get3A_92 = arith.constant 0 : index
      %get3A_93 = vector.load %arg9[%get3A_91, %get3A_92] : memref<128x2048xf32, #tpu.memory_space<vmem>>, vector<128x2048xf32>
      %reduce_min3A = arith.constant dense<0x7F800000> : vector<128xf32>
      %reduce_min3A_94 = vector.multi_reduction <minimumf>, %get3A_93, %reduce_min3A [1] : vector<128x2048xf32> to vector<128xf32>
      %broadcast_in_dim3A_95 = vector.shape_cast %reduce_min3A_94 : vector<128xf32> to vector<128x1xf32>
      %eq3A = vector.broadcast %broadcast_in_dim3A_95 : vector<128x1xf32> to vector<128x2048xf32>
      %eq3A_96 = arith.cmpf oeq, %get3A_93, %eq3A : vector<128x2048xf32>
      %jit3A = arith.constant 2048 : i32
      %broadcast_in_dim3A_97 = vector.broadcast %jit3A : i32 to vector<128x2048xi32>
      %select_n3A = arith.select %eq3A_96, %iota3A, %broadcast_in_dim3A_97 : vector<128x2048xi1>, vector<128x2048xi32>
      %reduce_min3A_98 = arith.constant dense<2147483647> : vector<128xi32>
      %reduce_min3A_99 = vector.multi_reduction <minsi>, %select_n3A, %reduce_min3A_98 [1] : vector<128x2048xi32> to vector<128xi32>
      %broadcast_in_dim3A_100 = vector.shape_cast %reduce_min3A_99 : vector<128xi32> to vector<128x1xi32>
      %eq3A_101 = vector.broadcast %broadcast_in_dim3A_100 : vector<128x1xi32> to vector<128x2048xi32>
      %eq3A_102 = arith.cmpi eq, %iota3A, %eq3A_101 : vector<128x2048xi32>
      %broadcast_in_dim3A_103 = vector.broadcast %scan3A : f32 to vector<128x2048xf32>
      %select_n3A_104 = arith.select %eq3A_102, %broadcast_in_dim3A_103, %get3A_93 : vector<128x2048xi1>, vector<128x2048xf32>
      %swap3A_105 = arith.constant 0 : index
      %swap3A_106 = arith.constant 0 : index
      %swap3A_107 = vector.load %arg9[%swap3A_105, %swap3A_106] : memref<128x2048xf32, #tpu.memory_space<vmem>>, vector<128x2048xf32>
      tpu.vector_store %arg9[%swap3A_105, %swap3A_106], %select_n3A_104 {strides = array<i32>} : memref<128x2048xf32, #tpu.memory_space<vmem>>, vector<128x2048xf32>,
      %iota3A_108 = tpu.iota {dimensions = array<i32: 1>} : vector<128x16xi32>
      %eq3A_109 = vector.broadcast %scan3A_89 : i32 to vector<128x16xi32>
      %eq3A_110 = arith.cmpi eq, %iota3A_108, %eq3A_109 : vector<128x16xi32>
      %broadcast_in_dim3A_111 = vector.shape_cast %broadcast_in_dim3A_100 : vector<128x1xi32> to vector<128x1xi32>
      %broadcast_in_dim3A_112 = vector.broadcast %broadcast_in_dim3A_111 : vector<128x1xi32> to vector<128x16xi32>
      %select_n3A_113 = arith.select %eq3A_110, %broadcast_in_dim3A_112, %scan3A_90 : vector<128x16xi1>, vector<128x16xi32>
      scf.yield %select_n3A_113 : vector<128x16xi32>
    }
    %scan3A_78 = arith.constant 16 : i32
    %mul3A_79 = arith.constant 2048 : i32
    %mul3A_80 = arith.muli %arg0, %mul3A_79 : i32
    %add3A_81 = vector.broadcast %mul3A_80 : i32 to vector<128x16xi32>
    %add3A_82 = arith.addi %scan3A_77, %add3A_81 : vector<128x16xi32>
    %swap3A_83 = arith.constant 0 : index
    %swap3A_84 = arith.constant 0 : index
    %swap3A_85 = arith.constant 0 : index
    %swap3A_86 = vector.load %arg8[%swap3A_83, %swap3A_84, %swap3A_85] : memref<1x128x16xi32, #tpu.memory_space<vmem>>, vector<1x128x16xi32>
    %swap3A_87 = vector.shape_cast %swap3A_86 : vector<1x128x16xi32> to vector<128x16xi32>
    %swap3A_88 = vector.shape_cast %add3A_82 : vector<128x16xi32> to vector<1x128x16xi32>
    tpu.vector_store %arg8[%swap3A_83, %swap3A_84, %swap3A_85], %swap3A_88 {strides = array<i32>} : memref<1x128x16xi32, #tpu.memory_space<vmem>>, vector<1x128x16xi32>,
    return
  }
  func.func @transform_0(%arg0: i32, %arg1: i32) -> (i32, i32, i32, i32) {
    %c0_i32 = arith.constant 0 : i32
    %c0_i32_0 = arith.constant 0 : i32
    %c0_i32_1 = arith.constant 0 : i32
    return %arg0, %arg1, %c0_i32, %c0_i32_0 : i32, i32, i32, i32
  }
  func.func @transform_1(%arg0: i32, %arg1: i32) -> (i32, i32, i32, i32) {
    %c0_i32 = arith.constant 0 : i32
    %c0_i32_0 = arith.constant 0 : i32
    %c0_i32_1 = arith.constant 0 : i32
    return %arg0, %arg1, %c0_i32, %c0_i32_0 : i32, i32, i32, i32
  }
  func.func @transform_2(%arg0: i32, %arg1: i32) -> (i32, i32, i32, i32) {
    %c0_i32 = arith.constant 0 : i32
    %c0_i32_0 = arith.constant 0 : i32
    %c0_i32_1 = arith.constant 0 : i32
    return %arg0, %arg1, %c0_i32, %c0_i32_0 : i32, i32, i32, i32
  }
  func.func @transform_3(%arg0: i32, %arg1: i32) -> (i32, i32, i32) {
    %c0_i32 = arith.constant 0 : i32
    %c0_i32_0 = arith.constant 0 : i32
    %c0_i32_1 = arith.constant 0 : i32
    return %arg0, %c0_i32, %c0_i32_0 : i32, i32, i32
  }
  func.func @transform_4(%arg0: i32, %arg1: i32) -> (i32, i32, i32) {
    %c0_i32 = arith.constant 0 : i32
    %c0_i32_0 = arith.constant 0 : i32
    %c0_i32_1 = arith.constant 0 : i32
    return %arg0, %c0_i32, %c0_i32_0 : i32, i32, i32
  }
  func.func @transform_5(%arg0: i32, %arg1: i32) -> (i32, i32, i32) {
    %c0_i32 = arith.constant 0 : i32
    %c0_i32_0 = arith.constant 0 : i32
    %c0_i32_1 = arith.constant 0 : i32
    return %arg0, %c0_i32, %c0_i32_0 : i32, i32, i32
  }
  func.func @transform_6(%arg0: i32, %arg1: i32) -> (i32, i32, i32) {
    %c0_i32 = arith.constant 0 : i32
    %c0_i32_0 = arith.constant 0 : i32
    return %arg0, %arg1, %c0_i32 : i32, i32, i32
  }
}

module attributes {stable_mosaic.version = 14 : i64} {
  func.func @_sa_mlp_body(%arg0: i32, %arg1: i32, %arg2: memref<1x512x16xf32, #tpu.memory_space<vmem>>, %arg3: memref<512x16xf32, #tpu.memory_space<vmem>>, %arg4: memref<1x16xf32, #tpu.memory_space<vmem>>, %arg5: memref<16x64xbf16, #tpu.memory_space<vmem>>, %arg6: memref<64x64xbf16, #tpu.memory_space<vmem>>, %arg7: memref<64x128xbf16, #tpu.memory_space<vmem>>, %arg8: memref<512x128xf32, #tpu.memory_space<vmem>>) attributes {dimension_semantics = [#tpu.dimension_semantics<arbitrary>, #tpu.dimension_semantics<arbitrary>], iteration_bounds = array<i64: 16, 64>, scalar_prefetch = 0 : i64, scratch_operands = 0 : i64, tpu.core_type = #tpu.core_type<tc>, window_params = [{transform_indices = @transform_0, window_bounds = array<i64: 1, 512, 16>}, {transform_indices = @transform_1, window_bounds = array<i64: 512, 16>}, {pipeline_mode = #tpu.pipeline_mode<synchronous>, transform_indices = @transform_2, window_bounds = array<i64: 1, 16>}, {pipeline_mode = #tpu.pipeline_mode<synchronous>, transform_indices = @transform_3, window_bounds = array<i64: 16, 64>}, {pipeline_mode = #tpu.pipeline_mode<synchronous>, transform_indices = @transform_4, window_bounds = array<i64: 64, 64>}, {pipeline_mode = #tpu.pipeline_mode<synchronous>, transform_indices = @transform_5, window_bounds = array<i64: 64, 128>}, {transform_indices = @transform_6, window_bounds = array<i64: 512, 128>}]} {
    %get3A = arith.constant 0 : index
    %get3A_0 = arith.constant 0 : index
    %get3A_1 = arith.constant 0 : index
    %get3A_2 = vector.load %arg2[%get3A, %get3A_0, %get3A_1] : memref<1x512x16xf32, #tpu.memory_space<vmem>>, vector<1x512x16xf32>
    %get3A_3 = vector.shape_cast %get3A_2 : vector<1x512x16xf32> to vector<512x16xf32>
    %get3A_4 = arith.constant 0 : index
    %get3A_5 = arith.constant 0 : index
    %get3A_6 = vector.load %arg3[%get3A_4, %get3A_5] : memref<512x16xf32, #tpu.memory_space<vmem>>, vector<512x16xf32>
    %sub3A = arith.subf %get3A_3, %get3A_6 : vector<512x16xf32>
    %get3A_7 = arith.constant 0 : index
    %get3A_8 = arith.constant 0 : index
    %get3A_9 = vector.load %arg4[%get3A_7, %get3A_8] : memref<1x16xf32, #tpu.memory_space<vmem>>, vector<1x16xf32>
    %mul3A = vector.broadcast %get3A_9 : vector<1x16xf32> to vector<512x16xf32>
    %mul3A_10 = arith.mulf %sub3A, %mul3A : vector<512x16xf32>
    %convert_element_type3A = arith.truncf %mul3A_10 : vector<512x16xf32> to vector<512x16xbf16>
    %convert_element_type3A_11 = arith.extf %convert_element_type3A : vector<512x16xbf16> to vector<512x16xf32>
    %get3A_12 = arith.constant 0 : index
    %get3A_13 = arith.constant 0 : index
    %get3A_14 = vector.load %arg5[%get3A_12, %get3A_13] : memref<16x64xbf16, #tpu.memory_space<vmem>>, vector<16x64xbf16>
    %dot_general3A = arith.constant dense<0.000000e+00> : vector<512x64xf32>
    %dot_general3A_15 = tpu.matmul %convert_element_type3A_11, %get3A_14, %dot_general3A {dimension_numbers = #tpu.dot_dimension_numbers<[1], [0], [0], [1], [0, 0, 1, 1], [], []>, transpose_lhs_hint = false} : vector<512x16xf32>, vector<16x64xbf16>, vector<512x64xf32> -> vector<512x64xf32>
    %mul3A_16 = arith.constant 0.999994993 : f32
    %mul3A_17 = vector.broadcast %mul3A_16 : f32 to vector<512x64xf32>
    %mul3A_18 = arith.mulf %dot_general3A_15, %mul3A_17 : vector<512x64xf32>
    %max3A = arith.constant 0.000000e+00 : f32
    %max3A_19 = vector.broadcast %max3A : f32 to vector<512x64xf32>
    %max3A_20 = arith.maximumf %mul3A_18, %max3A_19 : vector<512x64xf32>
    %convert_element_type3A_21 = arith.truncf %max3A_20 : vector<512x64xf32> to vector<512x64xbf16>
    %convert_element_type3A_22 = arith.extf %convert_element_type3A_21 : vector<512x64xbf16> to vector<512x64xf32>
    %get3A_23 = arith.constant 0 : index
    %get3A_24 = arith.constant 0 : index
    %get3A_25 = vector.load %arg6[%get3A_23, %get3A_24] : memref<64x64xbf16, #tpu.memory_space<vmem>>, vector<64x64xbf16>
    %dot_general3A_26 = arith.constant dense<0.000000e+00> : vector<512x64xf32>
    %dot_general3A_27 = tpu.matmul %convert_element_type3A_22, %get3A_25, %dot_general3A_26 {dimension_numbers = #tpu.dot_dimension_numbers<[1], [0], [0], [1], [0, 0, 1, 1], [], []>, transpose_lhs_hint = false} : vector<512x64xf32>, vector<64x64xbf16>, vector<512x64xf32> -> vector<512x64xf32>
    %mul3A_28 = arith.constant 0.999994993 : f32
    %mul3A_29 = vector.broadcast %mul3A_28 : f32 to vector<512x64xf32>
    %mul3A_30 = arith.mulf %dot_general3A_27, %mul3A_29 : vector<512x64xf32>
    %max3A_31 = arith.constant 0.000000e+00 : f32
    %max3A_32 = vector.broadcast %max3A_31 : f32 to vector<512x64xf32>
    %max3A_33 = arith.maximumf %mul3A_30, %max3A_32 : vector<512x64xf32>
    %convert_element_type3A_34 = arith.truncf %max3A_33 : vector<512x64xf32> to vector<512x64xbf16>
    %convert_element_type3A_35 = arith.extf %convert_element_type3A_34 : vector<512x64xbf16> to vector<512x64xf32>
    %get3A_36 = arith.constant 0 : index
    %get3A_37 = arith.constant 0 : index
    %get3A_38 = vector.load %arg7[%get3A_36, %get3A_37] : memref<64x128xbf16, #tpu.memory_space<vmem>>, vector<64x128xbf16>
    %dot_general3A_39 = arith.constant dense<0.000000e+00> : vector<512x128xf32>
    %dot_general3A_40 = tpu.matmul %convert_element_type3A_35, %get3A_38, %dot_general3A_39 {dimension_numbers = #tpu.dot_dimension_numbers<[1], [0], [0], [1], [0, 0, 1, 1], [], []>, transpose_lhs_hint = false} : vector<512x64xf32>, vector<64x128xbf16>, vector<512x128xf32> -> vector<512x128xf32>
    %mul3A_41 = arith.constant 0.999994993 : f32
    %mul3A_42 = vector.broadcast %mul3A_41 : f32 to vector<512x128xf32>
    %mul3A_43 = arith.mulf %dot_general3A_40, %mul3A_42 : vector<512x128xf32>
    %max3A_44 = arith.constant 0.000000e+00 : f32
    %max3A_45 = vector.broadcast %max3A_44 : f32 to vector<512x128xf32>
    %max3A_46 = arith.maximumf %mul3A_43, %max3A_45 : vector<512x128xf32>
    %eq3A = arith.constant 0 : i32
    %eq3A_47 = arith.cmpi eq, %arg1, %eq3A : i32
    %convert_element_type3A_48 = arith.extui %eq3A_47 : i1 to i32
    %cond3A = arith.constant 0 : i32
    %cond3A_49 = arith.cmpi ne, %convert_element_type3A_48, %cond3A : i32
    scf.if %cond3A_49 {
      %swap3A = arith.constant 0 : index
      %swap3A_54 = arith.constant 0 : index
      %swap3A_55 = vector.load %arg8[%swap3A, %swap3A_54] : memref<512x128xf32, #tpu.memory_space<vmem>>, vector<512x128xf32>
      tpu.vector_store %arg8[%swap3A, %swap3A_54], %max3A_46 {strides = array<i32>} : memref<512x128xf32, #tpu.memory_space<vmem>>, vector<512x128xf32>,
    } else {
    }
    %gt3A = arith.constant 0 : i32
    %gt3A_50 = arith.cmpi sgt, %arg1, %gt3A : i32
    %convert_element_type3A_51 = arith.extui %gt3A_50 : i1 to i32
    %cond3A_52 = arith.constant 0 : i32
    %cond3A_53 = arith.cmpi ne, %convert_element_type3A_51, %cond3A_52 : i32
    scf.if %cond3A_53 {
      %get3A_54 = arith.constant 0 : index
      %get3A_55 = arith.constant 0 : index
      %get3A_56 = vector.load %arg8[%get3A_54, %get3A_55] : memref<512x128xf32, #tpu.memory_space<vmem>>, vector<512x128xf32>
      %max3A_57 = arith.maximumf %get3A_56, %max3A_46 : vector<512x128xf32>
      %swap3A = arith.constant 0 : index
      %swap3A_58 = arith.constant 0 : index
      %swap3A_59 = vector.load %arg8[%swap3A, %swap3A_58] : memref<512x128xf32, #tpu.memory_space<vmem>>, vector<512x128xf32>
      tpu.vector_store %arg8[%swap3A, %swap3A_58], %max3A_57 {strides = array<i32>} : memref<512x128xf32, #tpu.memory_space<vmem>>, vector<512x128xf32>,
    } else {
    }
    return
  }
  func.func @transform_0(%arg0: i32, %arg1: i32) -> (i32, i32, i32) {
    %c0_i32 = arith.constant 0 : i32
    %c0_i32_0 = arith.constant 0 : i32
    return %arg1, %arg0, %c0_i32 : i32, i32, i32
  }
  func.func @transform_1(%arg0: i32, %arg1: i32) -> (i32, i32) {
    %c0_i32 = arith.constant 0 : i32
    %c0_i32_0 = arith.constant 0 : i32
    return %arg0, %c0_i32 : i32, i32
  }
  func.func @transform_2(%arg0: i32, %arg1: i32) -> (i32, i32) {
    %c0_i32 = arith.constant 0 : i32
    %c0_i32_0 = arith.constant 0 : i32
    %c0_i32_1 = arith.constant 0 : i32
    return %c0_i32, %c0_i32_0 : i32, i32
  }
  func.func @transform_3(%arg0: i32, %arg1: i32) -> (i32, i32) {
    %c0_i32 = arith.constant 0 : i32
    %c0_i32_0 = arith.constant 0 : i32
    %c0_i32_1 = arith.constant 0 : i32
    return %c0_i32, %c0_i32_0 : i32, i32
  }
  func.func @transform_4(%arg0: i32, %arg1: i32) -> (i32, i32) {
    %c0_i32 = arith.constant 0 : i32
    %c0_i32_0 = arith.constant 0 : i32
    %c0_i32_1 = arith.constant 0 : i32
    return %c0_i32, %c0_i32_0 : i32, i32
  }
  func.func @transform_5(%arg0: i32, %arg1: i32) -> (i32, i32) {
    %c0_i32 = arith.constant 0 : i32
    %c0_i32_0 = arith.constant 0 : i32
    %c0_i32_1 = arith.constant 0 : i32
    return %c0_i32, %c0_i32_0 : i32, i32
  }
  func.func @transform_6(%arg0: i32, %arg1: i32) -> (i32, i32) {
    %c0_i32 = arith.constant 0 : i32
    %c0_i32_0 = arith.constant 0 : i32
    return %arg0, %c0_i32 : i32, i32
  }
}

module attributes {stable_mosaic.version = 14 : i64} {
  func.func @_tproj_body(%arg0: i32, %arg1: i32, %arg2: memref<1x256x128xf32, #tpu.memory_space<vmem>>, %arg3: memref<1x256x16xf32, #tpu.memory_space<vmem>>, %arg4: memref<128x128xbf16, #tpu.memory_space<vmem>>, %arg5: memref<1x128xf32, #tpu.memory_space<vmem>>, %arg6: memref<128x128xbf16, #tpu.memory_space<vmem>>, %arg7: memref<128x128xbf16, #tpu.memory_space<vmem>>, %arg8: memref<128x128xbf16, #tpu.memory_space<vmem>>, %arg9: memref<1x256x128xf32, #tpu.memory_space<vmem>>, %arg10: memref<1x256x272xf32, #tpu.memory_space<vmem>>) attributes {dimension_semantics = [#tpu.dimension_semantics<arbitrary>, #tpu.dimension_semantics<arbitrary>], iteration_bounds = array<i64: 4, 8>, scalar_prefetch = 0 : i64, scratch_operands = 0 : i64, tpu.core_type = #tpu.core_type<tc>, window_params = [{transform_indices = @transform_0, window_bounds = array<i64: 1, 256, 128>}, {transform_indices = @transform_1, window_bounds = array<i64: 1, 256, 16>}, {pipeline_mode = #tpu.pipeline_mode<synchronous>, transform_indices = @transform_2, window_bounds = array<i64: 128, 128>}, {pipeline_mode = #tpu.pipeline_mode<synchronous>, transform_indices = @transform_3, window_bounds = array<i64: 1, 128>}, {pipeline_mode = #tpu.pipeline_mode<synchronous>, transform_indices = @transform_4, window_bounds = array<i64: 128, 128>}, {pipeline_mode = #tpu.pipeline_mode<synchronous>, transform_indices = @transform_5, window_bounds = array<i64: 128, 128>}, {pipeline_mode = #tpu.pipeline_mode<synchronous>, transform_indices = @transform_6, window_bounds = array<i64: 128, 128>}, {transform_indices = @transform_7, window_bounds = array<i64: 1, 256, 128>}, {transform_indices = @transform_8, window_bounds = array<i64: 1, 256, 272>}]} {
    %get3A = arith.constant 0 : index
    %get3A_0 = arith.constant 0 : index
    %get3A_1 = arith.constant 0 : index
    %get3A_2 = vector.load %arg2[%get3A, %get3A_0, %get3A_1] : memref<1x256x128xf32, #tpu.memory_space<vmem>>, vector<1x256x128xf32>
    %get3A_3 = vector.shape_cast %get3A_2 : vector<1x256x128xf32> to vector<256x128xf32>
    %convert_element_type3A = arith.truncf %get3A_3 : vector<256x128xf32> to vector<256x128xbf16>
    %convert_element_type3A_4 = arith.extf %convert_element_type3A : vector<256x128xbf16> to vector<256x128xf32>
    %get3A_5 = arith.constant 0 : index
    %get3A_6 = arith.constant 0 : index
    %get3A_7 = vector.load %arg4[%get3A_5, %get3A_6] : memref<128x128xbf16, #tpu.memory_space<vmem>>, vector<128x128xbf16>
    %dot_general3A = arith.constant dense<0.000000e+00> : vector<256x128xf32>
    %dot_general3A_8 = tpu.matmul %convert_element_type3A_4, %get3A_7, %dot_general3A {dimension_numbers = #tpu.dot_dimension_numbers<[1], [0], [0], [1], [0, 0, 1, 1], [], []>, transpose_lhs_hint = false} : vector<256x128xf32>, vector<128x128xbf16>, vector<256x128xf32> -> vector<256x128xf32>
    %get3A_9 = arith.constant 0 : index
    %get3A_10 = arith.constant 0 : index
    %get3A_11 = vector.load %arg5[%get3A_9, %get3A_10] : memref<1x128xf32, #tpu.memory_space<vmem>>, vector<1x128xf32>
    %add3A = vector.broadcast %get3A_11 : vector<1x128xf32> to vector<256x128xf32>
    %add3A_12 = arith.addf %dot_general3A_8, %add3A : vector<256x128xf32>
    %convert_element_type3A_13 = arith.truncf %add3A_12 : vector<256x128xf32> to vector<256x128xbf16>
    %convert_element_type3A_14 = arith.extf %convert_element_type3A_13 : vector<256x128xbf16> to vector<256x128xf32>
    %get3A_15 = arith.constant 0 : index
    %get3A_16 = arith.constant 0 : index
    %get3A_17 = vector.load %arg6[%get3A_15, %get3A_16] : memref<128x128xbf16, #tpu.memory_space<vmem>>, vector<128x128xbf16>
    %dot_general3A_18 = arith.constant dense<0.000000e+00> : vector<256x128xf32>
    %dot_general3A_19 = tpu.matmul %convert_element_type3A_14, %get3A_17, %dot_general3A_18 {dimension_numbers = #tpu.dot_dimension_numbers<[1], [0], [0], [1], [0, 0, 1, 1], [], []>, transpose_lhs_hint = false} : vector<256x128xf32>, vector<128x128xbf16>, vector<256x128xf32> -> vector<256x128xf32>
    %swap3A = arith.constant 0 : index
    %swap3A_20 = arith.constant 0 : index
    %swap3A_21 = arith.constant 0 : index
    %swap3A_22 = vector.load %arg9[%swap3A, %swap3A_20, %swap3A_21] : memref<1x256x128xf32, #tpu.memory_space<vmem>>, vector<1x256x128xf32>
    %swap3A_23 = vector.shape_cast %swap3A_22 : vector<1x256x128xf32> to vector<256x128xf32>
    %swap3A_24 = vector.shape_cast %dot_general3A_19 : vector<256x128xf32> to vector<1x256x128xf32>
    tpu.vector_store %arg9[%swap3A, %swap3A_20, %swap3A_21], %swap3A_24 {strides = array<i32>} : memref<1x256x128xf32, #tpu.memory_space<vmem>>, vector<1x256x128xf32>,
    %get3A_25 = arith.constant 0 : index
    %get3A_26 = arith.constant 0 : index
    %get3A_27 = vector.load %arg7[%get3A_25, %get3A_26] : memref<128x128xbf16, #tpu.memory_space<vmem>>, vector<128x128xbf16>
    %dot_general3A_28 = arith.constant dense<0.000000e+00> : vector<256x128xf32>
    %dot_general3A_29 = tpu.matmul %convert_element_type3A_14, %get3A_27, %dot_general3A_28 {dimension_numbers = #tpu.dot_dimension_numbers<[1], [0], [0], [1], [0, 0, 1, 1], [], []>, transpose_lhs_hint = false} : vector<256x128xf32>, vector<128x128xbf16>, vector<256x128xf32> -> vector<256x128xf32>
    %get3A_30 = arith.constant 0 : index
    %get3A_31 = arith.constant 0 : index
    %get3A_32 = vector.load %arg8[%get3A_30, %get3A_31] : memref<128x128xbf16, #tpu.memory_space<vmem>>, vector<128x128xbf16>
    %dot_general3A_33 = arith.constant dense<0.000000e+00> : vector<256x128xf32>
    %dot_general3A_34 = tpu.matmul %convert_element_type3A_14, %get3A_32, %dot_general3A_33 {dimension_numbers = #tpu.dot_dimension_numbers<[1], [0], [0], [1], [0, 0, 1, 1], [], []>, transpose_lhs_hint = false} : vector<256x128xf32>, vector<128x128xbf16>, vector<256x128xf32> -> vector<256x128xf32>
    %get3A_35 = arith.constant 0 : index
    %get3A_36 = arith.constant 0 : index
    %get3A_37 = arith.constant 0 : index
    %get3A_38 = vector.load %arg3[%get3A_35, %get3A_36, %get3A_37] : memref<1x256x16xf32, #tpu.memory_space<vmem>>, vector<1x256x16xf32>
    %get3A_39 = vector.shape_cast %get3A_38 : vector<1x256x16xf32> to vector<256x16xf32>
    %concatenate3A = tpu.concatenate %dot_general3A_29, %dot_general3A_34, %get3A_39 in 1 : vector<256x128xf32>, vector<256x128xf32>, vector<256x16xf32> -> vector<256x272xf32>
    %swap3A_40 = arith.constant 0 : index
    %swap3A_41 = arith.constant 0 : index
    %swap3A_42 = arith.constant 0 : index
    %swap3A_43 = vector.load %arg10[%swap3A_40, %swap3A_41, %swap3A_42] : memref<1x256x272xf32, #tpu.memory_space<vmem>>, vector<1x256x272xf32>
    %swap3A_44 = vector.shape_cast %swap3A_43 : vector<1x256x272xf32> to vector<256x272xf32>
    %swap3A_45 = vector.shape_cast %concatenate3A : vector<256x272xf32> to vector<1x256x272xf32>
    tpu.vector_store %arg10[%swap3A_40, %swap3A_41, %swap3A_42], %swap3A_45 {strides = array<i32>} : memref<1x256x272xf32, #tpu.memory_space<vmem>>, vector<1x256x272xf32>,
    return
  }
  func.func @transform_0(%arg0: i32, %arg1: i32) -> (i32, i32, i32) {
    %c0_i32 = arith.constant 0 : i32
    %c0_i32_0 = arith.constant 0 : i32
    return %arg0, %arg1, %c0_i32 : i32, i32, i32
  }
  func.func @transform_1(%arg0: i32, %arg1: i32) -> (i32, i32, i32) {
    %c0_i32 = arith.constant 0 : i32
    %c0_i32_0 = arith.constant 0 : i32
    return %arg0, %arg1, %c0_i32 : i32, i32, i32
  }
  func.func @transform_2(%arg0: i32, %arg1: i32) -> (i32, i32) {
    %c0_i32 = arith.constant 0 : i32
    %c0_i32_0 = arith.constant 0 : i32
    %c0_i32_1 = arith.constant 0 : i32
    return %c0_i32, %c0_i32_0 : i32, i32
  }
  func.func @transform_3(%arg0: i32, %arg1: i32) -> (i32, i32) {
    %c0_i32 = arith.constant 0 : i32
    %c0_i32_0 = arith.constant 0 : i32
    %c0_i32_1 = arith.constant 0 : i32
    return %c0_i32, %c0_i32_0 : i32, i32
  }
  func.func @transform_4(%arg0: i32, %arg1: i32) -> (i32, i32) {
    %c0_i32 = arith.constant 0 : i32
    %c0_i32_0 = arith.constant 0 : i32
    %c0_i32_1 = arith.constant 0 : i32
    return %c0_i32, %c0_i32_0 : i32, i32
  }
  func.func @transform_5(%arg0: i32, %arg1: i32) -> (i32, i32) {
    %c0_i32 = arith.constant 0 : i32
    %c0_i32_0 = arith.constant 0 : i32
    %c0_i32_1 = arith.constant 0 : i32
    return %c0_i32, %c0_i32_0 : i32, i32
  }
  func.func @transform_6(%arg0: i32, %arg1: i32) -> (i32, i32) {
    %c0_i32 = arith.constant 0 : i32
    %c0_i32_0 = arith.constant 0 : i32
    %c0_i32_1 = arith.constant 0 : i32
    return %c0_i32, %c0_i32_0 : i32, i32
  }
  func.func @transform_7(%arg0: i32, %arg1: i32) -> (i32, i32, i32) {
    %c0_i32 = arith.constant 0 : i32
    %c0_i32_0 = arith.constant 0 : i32
    return %arg0, %arg1, %c0_i32 : i32, i32, i32
  }
  func.func @transform_8(%arg0: i32, %arg1: i32) -> (i32, i32, i32) {
    %c0_i32 = arith.constant 0 : i32
    %c0_i32_0 = arith.constant 0 : i32
    return %arg0, %arg1, %c0_i32 : i32, i32, i32
  }
}

module attributes {stable_mosaic.version = 14 : i64} {
  func.func @_fps_body(%arg0: memref<4x2x1024xf32, #tpu.memory_space<vmem>>, %arg1: memref<4x2x1024xf32, #tpu.memory_space<vmem>>, %arg2: memref<4x2x1024xf32, #tpu.memory_space<vmem>>, %arg3: memref<4x2x1024xi32, #tpu.memory_space<vmem>>, %arg4: memref<4x8x128xi32, #tpu.memory_space<vmem>>, %arg5: memref<4x8x128xi32, #tpu.memory_space<vmem>>, %arg6: memref<4x8x128xf32, #tpu.memory_space<vmem>>, %arg7: memref<4x8x128xf32, #tpu.memory_space<vmem>>, %arg8: memref<4x8x128xf32, #tpu.memory_space<vmem>>, %arg9: memref<4x2x1024xf32, #tpu.memory_space<vmem>>) attributes {dimension_semantics = [], scalar_prefetch = 0 : i64, scratch_operands = 1 : i64, tpu.core_type = #tpu.core_type<tc>} {
    %iota3A = tpu.iota {dimensions = array<i32: 0>} : vector<2x1024xi32>
    %mul3A = arith.constant 1024 : i32
    %mul3A_0 = vector.broadcast %mul3A : i32 to vector<2x1024xi32>
    %mul3A_1 = arith.muli %iota3A, %mul3A_0 : vector<2x1024xi32>
    %iota3A_2 = tpu.iota {dimensions = array<i32: 1>} : vector<2x1024xi32>
    %add3A = arith.addi %mul3A_1, %iota3A_2 : vector<2x1024xi32>
    %broadcast_in_dim3A = vector.shape_cast %add3A : vector<2x1024xi32> to vector<1x2x1024xi32>
    %broadcast_in_dim3A_3 = vector.shape_cast %broadcast_in_dim3A : vector<1x2x1024xi32> to vector<1x2x1024xi32>
    %broadcast_in_dim3A_4 = vector.broadcast %broadcast_in_dim3A_3 : vector<1x2x1024xi32> to vector<4x2x1024xi32>
    %iota3A_5 = tpu.iota {dimensions = array<i32: 0>} : vector<8x128xi32>
    %mul3A_6 = arith.constant 128 : i32
    %mul3A_7 = vector.broadcast %mul3A_6 : i32 to vector<8x128xi32>
    %mul3A_8 = arith.muli %iota3A_5, %mul3A_7 : vector<8x128xi32>
    %iota3A_9 = tpu.iota {dimensions = array<i32: 1>} : vector<8x128xi32>
    %add3A_10 = arith.addi %mul3A_8, %iota3A_9 : vector<8x128xi32>
    %broadcast_in_dim3A_11 = vector.shape_cast %add3A_10 : vector<8x128xi32> to vector<1x8x128xi32>
    %broadcast_in_dim3A_12 = vector.shape_cast %broadcast_in_dim3A_11 : vector<1x8x128xi32> to vector<1x8x128xi32>
    %broadcast_in_dim3A_13 = vector.broadcast %broadcast_in_dim3A_12 : vector<1x8x128xi32> to vector<4x8x128xi32>
    %broadcast_in_dim3A_14 = arith.constant 1.000000e+10 : f32
    %broadcast_in_dim3A_15 = vector.broadcast %broadcast_in_dim3A_14 : f32 to vector<4x2x1024xf32>
    %swap3A = arith.constant 0 : index
    %swap3A_16 = arith.constant 0 : index
    %swap3A_17 = arith.constant 0 : index
    %swap3A_18 = vector.load %arg9[%swap3A, %swap3A_16, %swap3A_17] : memref<4x2x1024xf32, #tpu.memory_space<vmem>>, vector<4x2x1024xf32>
    tpu.vector_store %arg9[%swap3A, %swap3A_16, %swap3A_17], %broadcast_in_dim3A_15 {strides = array<i32>} : memref<4x2x1024xf32, #tpu.memory_space<vmem>>, vector<4x2x1024xf32>,
    %broadcast_in_dim3A_19 = arith.constant 0 : i32
    %broadcast_in_dim3A_20 = vector.broadcast %broadcast_in_dim3A_19 : i32 to vector<4x1x1xi32>
    %broadcast_in_dim3A_21 = arith.constant 0 : i32
    %broadcast_in_dim3A_22 = vector.broadcast %broadcast_in_dim3A_21 : i32 to vector<4x8x128xi32>
    %broadcast_in_dim3A_23 = arith.constant 0 : i32
    %broadcast_in_dim3A_24 = vector.broadcast %broadcast_in_dim3A_23 : i32 to vector<4x8x128xi32>
    %broadcast_in_dim3A_25 = arith.constant 0.000000e+00 : f32
    %broadcast_in_dim3A_26 = vector.broadcast %broadcast_in_dim3A_25 : f32 to vector<4x8x128xf32>
    %broadcast_in_dim3A_27 = arith.constant 0.000000e+00 : f32
    %broadcast_in_dim3A_28 = vector.broadcast %broadcast_in_dim3A_27 : f32 to vector<4x8x128xf32>
    %broadcast_in_dim3A_29 = arith.constant 0.000000e+00 : f32
    %broadcast_in_dim3A_30 = vector.broadcast %broadcast_in_dim3A_29 : f32 to vector<4x8x128xf32>
    %scan3A = arith.constant 0xFF800000 : f32
    %scan3A_31 = arith.constant 0 : i32
    %scan3A_32 = arith.constant 1024 : i32
    %scan3A_33 = arith.addi %scan3A_31, %scan3A_32 : i32
    %scan3A_34 = arith.constant 1 : i32
    %scan3A_35:6 = scf.for %scan3A_57 = %scan3A_31 to %scan3A_33 step %scan3A_34 iter_args(%scan3A_58 = %broadcast_in_dim3A_20, %scan3A_59 = %broadcast_in_dim3A_22, %scan3A_60 = %broadcast_in_dim3A_24, %scan3A_61 = %broadcast_in_dim3A_26, %scan3A_62 = %broadcast_in_dim3A_28, %scan3A_63 = %broadcast_in_dim3A_30) -> (vector<4x1x1xi32>, vector<4x8x128xi32>, vector<4x8x128xi32>, vector<4x8x128xf32>, vector<4x8x128xf32>, vector<4x8x128xf32>)  : i32 {
      %eq3A = vector.broadcast %scan3A_58 : vector<4x1x1xi32> to vector<4x2x1024xi32>
      %eq3A_64 = arith.cmpi eq, %broadcast_in_dim3A_4, %eq3A : vector<4x2x1024xi32>
      %get3A = arith.constant 0 : index
      %get3A_65 = arith.constant 0 : index
      %get3A_66 = arith.constant 0 : index
      %get3A_67 = vector.load %arg0[%get3A, %get3A_65, %get3A_66] : memref<4x2x1024xf32, #tpu.memory_space<vmem>>, vector<4x2x1024xf32>
      %get3A_68 = arith.constant 0 : index
      %get3A_69 = arith.constant 0 : index
      %get3A_70 = arith.constant 0 : index
      %get3A_71 = vector.load %arg1[%get3A_68, %get3A_69, %get3A_70] : memref<4x2x1024xf32, #tpu.memory_space<vmem>>, vector<4x2x1024xf32>
      %get3A_72 = arith.constant 0 : index
      %get3A_73 = arith.constant 0 : index
      %get3A_74 = arith.constant 0 : index
      %get3A_75 = vector.load %arg2[%get3A_72, %get3A_73, %get3A_74] : memref<4x2x1024xf32, #tpu.memory_space<vmem>>, vector<4x2x1024xf32>
      %broadcast_in_dim3A_76 = vector.broadcast %scan3A : f32 to vector<4x2x1024xf32>
      %select_n3A = arith.select %eq3A_64, %get3A_67, %broadcast_in_dim3A_76 : vector<4x2x1024xi1>, vector<4x2x1024xf32>
      %reduce_max3A = arith.constant dense<0xFF800000> : vector<4xf32>
      %reduce_max3A_77 = vector.multi_reduction <maximumf>, %select_n3A, %reduce_max3A [1, 2] : vector<4x2x1024xf32> to vector<4xf32>
      %broadcast_in_dim3A_78 = vector.shape_cast %reduce_max3A_77 : vector<4xf32> to vector<4x1x1xf32>
      %broadcast_in_dim3A_79 = vector.broadcast %scan3A : f32 to vector<4x2x1024xf32>
      %select_n3A_80 = arith.select %eq3A_64, %get3A_71, %broadcast_in_dim3A_79 : vector<4x2x1024xi1>, vector<4x2x1024xf32>
      %reduce_max3A_81 = arith.constant dense<0xFF800000> : vector<4xf32>
      %reduce_max3A_82 = vector.multi_reduction <maximumf>, %select_n3A_80, %reduce_max3A_81 [1, 2] : vector<4x2x1024xf32> to vector<4xf32>
      %broadcast_in_dim3A_83 = vector.shape_cast %reduce_max3A_82 : vector<4xf32> to vector<4x1x1xf32>
      %broadcast_in_dim3A_84 = vector.broadcast %scan3A : f32 to vector<4x2x1024xf32>
      %select_n3A_85 = arith.select %eq3A_64, %get3A_75, %broadcast_in_dim3A_84 : vector<4x2x1024xi1>, vector<4x2x1024xf32>
      %reduce_max3A_86 = arith.constant dense<0xFF800000> : vector<4xf32>
      %reduce_max3A_87 = vector.multi_reduction <maximumf>, %select_n3A_85, %reduce_max3A_86 [1, 2] : vector<4x2x1024xf32> to vector<4xf32>
      %broadcast_in_dim3A_88 = vector.shape_cast %reduce_max3A_87 : vector<4xf32> to vector<4x1x1xf32>
      %eq3A_89 = vector.broadcast %scan3A_57 : i32 to vector<4x8x128xi32>
      %eq3A_90 = arith.cmpi eq, %broadcast_in_dim3A_13, %eq3A_89 : vector<4x8x128xi32>
      %broadcast_in_dim3A_91 = vector.shape_cast %scan3A_58 : vector<4x1x1xi32> to vector<4x1x1xi32>
      %broadcast_in_dim3A_92 = vector.broadcast %broadcast_in_dim3A_91 : vector<4x1x1xi32> to vector<4x8x128xi32>
      %select_n3A_93 = arith.select %eq3A_90, %broadcast_in_dim3A_92, %scan3A_59 : vector<4x8x128xi1>, vector<4x8x128xi32>
      %broadcast_in_dim3A_94 = vector.shape_cast %broadcast_in_dim3A_78 : vector<4x1x1xf32> to vector<4x1x1xf32>
      %broadcast_in_dim3A_95 = vector.broadcast %broadcast_in_dim3A_94 : vector<4x1x1xf32> to vector<4x8x128xf32>
      %select_n3A_96 = arith.select %eq3A_90, %broadcast_in_dim3A_95, %scan3A_61 : vector<4x8x128xi1>, vector<4x8x128xf32>
      %broadcast_in_dim3A_97 = vector.shape_cast %broadcast_in_dim3A_83 : vector<4x1x1xf32> to vector<4x1x1xf32>
      %broadcast_in_dim3A_98 = vector.broadcast %broadcast_in_dim3A_97 : vector<4x1x1xf32> to vector<4x8x128xf32>
      %select_n3A_99 = arith.select %eq3A_90, %broadcast_in_dim3A_98, %scan3A_62 : vector<4x8x128xi1>, vector<4x8x128xf32>
      %broadcast_in_dim3A_100 = vector.shape_cast %broadcast_in_dim3A_88 : vector<4x1x1xf32> to vector<4x1x1xf32>
      %broadcast_in_dim3A_101 = vector.broadcast %broadcast_in_dim3A_100 : vector<4x1x1xf32> to vector<4x8x128xf32>
      %select_n3A_102 = arith.select %eq3A_90, %broadcast_in_dim3A_101, %scan3A_63 : vector<4x8x128xi1>, vector<4x8x128xf32>
      %get3A_103 = arith.constant 0 : index
      %get3A_104 = arith.constant 0 : index
      %get3A_105 = arith.constant 0 : index
      %get3A_106 = vector.load %arg3[%get3A_103, %get3A_104, %get3A_105] : memref<4x2x1024xi32, #tpu.memory_space<vmem>>, vector<4x2x1024xi32>
      %jit3A = arith.constant -1 : i32
      %broadcast_in_dim3A_107 = vector.broadcast %jit3A : i32 to vector<4x2x1024xi32>
      %select_n3A_108 = arith.select %eq3A_64, %get3A_106, %broadcast_in_dim3A_107 : vector<4x2x1024xi1>, vector<4x2x1024xi32>
      %reduce_max3A_109 = arith.constant dense<-2147483648> : vector<4xi32>
      %reduce_max3A_110 = vector.multi_reduction <maxsi>, %select_n3A_108, %reduce_max3A_109 [1, 2] : vector<4x2x1024xi32> to vector<4xi32>
      %broadcast_in_dim3A_111 = vector.shape_cast %reduce_max3A_110 : vector<4xi32> to vector<4x1x1xi32>
      %broadcast_in_dim3A_112 = vector.shape_cast %broadcast_in_dim3A_111 : vector<4x1x1xi32> to vector<4x1x1xi32>
      %broadcast_in_dim3A_113 = vector.broadcast %broadcast_in_dim3A_112 : vector<4x1x1xi32> to vector<4x8x128xi32>
      %select_n3A_114 = arith.select %eq3A_90, %broadcast_in_dim3A_113, %scan3A_60 : vector<4x8x128xi1>, vector<4x8x128xi32>
      %sub3A = vector.broadcast %broadcast_in_dim3A_78 : vector<4x1x1xf32> to vector<4x2x1024xf32>
      %sub3A_115 = arith.subf %get3A_67, %sub3A : vector<4x2x1024xf32>
      %sub3A_116 = vector.broadcast %broadcast_in_dim3A_83 : vector<4x1x1xf32> to vector<4x2x1024xf32>
      %sub3A_117 = arith.subf %get3A_71, %sub3A_116 : vector<4x2x1024xf32>
      %sub3A_118 = vector.broadcast %broadcast_in_dim3A_88 : vector<4x1x1xf32> to vector<4x2x1024xf32>
      %sub3A_119 = arith.subf %get3A_75, %sub3A_118 : vector<4x2x1024xf32>
      %mul3A_120 = arith.mulf %sub3A_115, %sub3A_115 : vector<4x2x1024xf32>
      %mul3A_121 = arith.mulf %sub3A_117, %sub3A_117 : vector<4x2x1024xf32>
      %add3A_122 = arith.addf %mul3A_120, %mul3A_121 : vector<4x2x1024xf32>
      %mul3A_123 = arith.mulf %sub3A_119, %sub3A_119 : vector<4x2x1024xf32>
      %add3A_124 = arith.addf %add3A_122, %mul3A_123 : vector<4x2x1024xf32>
      %get3A_125 = arith.constant 0 : index
      %get3A_126 = arith.constant 0 : index
      %get3A_127 = arith.constant 0 : index
      %get3A_128 = vector.load %arg9[%get3A_125, %get3A_126, %get3A_127] : memref<4x2x1024xf32, #tpu.memory_space<vmem>>, vector<4x2x1024xf32>
      %min3A = arith.minimumf %get3A_128, %add3A_124 : vector<4x2x1024xf32>
      %swap3A_129 = arith.constant 0 : index
      %swap3A_130 = arith.constant 0 : index
      %swap3A_131 = arith.constant 0 : index
      %swap3A_132 = vector.load %arg9[%swap3A_129, %swap3A_130, %swap3A_131] : memref<4x2x1024xf32, #tpu.memory_space<vmem>>, vector<4x2x1024xf32>
      tpu.vector_store %arg9[%swap3A_129, %swap3A_130, %swap3A_131], %min3A {strides = array<i32>} : memref<4x2x1024xf32, #tpu.memory_space<vmem>>, vector<4x2x1024xf32>,
      %reduce_max3A_133 = arith.constant dense<0xFF800000> : vector<4xf32>
      %reduce_max3A_134 = vector.multi_reduction <maximumf>, %min3A, %reduce_max3A_133 [1, 2] : vector<4x2x1024xf32> to vector<4xf32>
      %broadcast_in_dim3A_135 = vector.shape_cast %reduce_max3A_134 : vector<4xf32> to vector<4x1x1xf32>
      %eq3A_136 = vector.broadcast %broadcast_in_dim3A_135 : vector<4x1x1xf32> to vector<4x2x1024xf32>
      %eq3A_137 = arith.cmpf oeq, %min3A, %eq3A_136 : vector<4x2x1024xf32>
      %jit3A_138 = arith.constant 2048 : i32
      %broadcast_in_dim3A_139 = vector.broadcast %jit3A_138 : i32 to vector<4x2x1024xi32>
      %select_n3A_140 = arith.select %eq3A_137, %broadcast_in_dim3A_4, %broadcast_in_dim3A_139 : vector<4x2x1024xi1>, vector<4x2x1024xi32>
      %reduce_min3A = arith.constant dense<2147483647> : vector<4xi32>
      %reduce_min3A_141 = vector.multi_reduction <minsi>, %select_n3A_140, %reduce_min3A [1, 2] : vector<4x2x1024xi32> to vector<4xi32>
      %broadcast_in_dim3A_142 = vector.shape_cast %reduce_min3A_141 : vector<4xi32> to vector<4x1x1xi32>
      scf.yield %broadcast_in_dim3A_142, %select_n3A_93, %select_n3A_114, %select_n3A_96, %select_n3A_99, %select_n3A_102 : vector<4x1x1xi32>, vector<4x8x128xi32>, vector<4x8x128xi32>, vector<4x8x128xf32>, vector<4x8x128xf32>, vector<4x8x128xf32>
    }
    %scan3A_36 = arith.constant 1024 : i32
    %swap3A_37 = arith.constant 0 : index
    %swap3A_38 = arith.constant 0 : index
    %swap3A_39 = arith.constant 0 : index
    %swap3A_40 = vector.load %arg4[%swap3A_37, %swap3A_38, %swap3A_39] : memref<4x8x128xi32, #tpu.memory_space<vmem>>, vector<4x8x128xi32>
    tpu.vector_store %arg4[%swap3A_37, %swap3A_38, %swap3A_39], %scan3A_35#1 {strides = array<i32>} : memref<4x8x128xi32, #tpu.memory_space<vmem>>, vector<4x8x128xi32>,
    %swap3A_41 = arith.constant 0 : index
    %swap3A_42 = arith.constant 0 : index
    %swap3A_43 = arith.constant 0 : index
    %swap3A_44 = vector.load %arg6[%swap3A_41, %swap3A_42, %swap3A_43] : memref<4x8x128xf32, #tpu.memory_space<vmem>>, vector<4x8x128xf32>
    tpu.vector_store %arg6[%swap3A_41, %swap3A_42, %swap3A_43], %scan3A_35#3 {strides = array<i32>} : memref<4x8x128xf32, #tpu.memory_space<vmem>>, vector<4x8x128xf32>,
    %swap3A_45 = arith.constant 0 : index
    %swap3A_46 = arith.constant 0 : index
    %swap3A_47 = arith.constant 0 : index
    %swap3A_48 = vector.load %arg7[%swap3A_45, %swap3A_46, %swap3A_47] : memref<4x8x128xf32, #tpu.memory_space<vmem>>, vector<4x8x128xf32>
    tpu.vector_store %arg7[%swap3A_45, %swap3A_46, %swap3A_47], %scan3A_35#4 {strides = array<i32>} : memref<4x8x128xf32, #tpu.memory_space<vmem>>, vector<4x8x128xf32>,
    %swap3A_49 = arith.constant 0 : index
    %swap3A_50 = arith.constant 0 : index
    %swap3A_51 = arith.constant 0 : index
    %swap3A_52 = vector.load %arg8[%swap3A_49, %swap3A_50, %swap3A_51] : memref<4x8x128xf32, #tpu.memory_space<vmem>>, vector<4x8x128xf32>
    tpu.vector_store %arg8[%swap3A_49, %swap3A_50, %swap3A_51], %scan3A_35#5 {strides = array<i32>} : memref<4x8x128xf32, #tpu.memory_space<vmem>>, vector<4x8x128xf32>,
    %swap3A_53 = arith.constant 0 : index
    %swap3A_54 = arith.constant 0 : index
    %swap3A_55 = arith.constant 0 : index
    %swap3A_56 = vector.load %arg5[%swap3A_53, %swap3A_54, %swap3A_55] : memref<4x8x128xi32, #tpu.memory_space<vmem>>, vector<4x8x128xi32>
    tpu.vector_store %arg5[%swap3A_53, %swap3A_54, %swap3A_55], %scan3A_35#2 {strides = array<i32>} : memref<4x8x128xi32, #tpu.memory_space<vmem>>, vector<4x8x128xi32>,
    return
  }
}

module attributes {stable_mosaic.version = 14 : i64} {
  func.func @_bq_body(%arg0: i32, %arg1: i32, %arg2: memref<1x1x128x1xf32, #tpu.memory_space<vmem>>, %arg3: memref<1x1x128x1xf32, #tpu.memory_space<vmem>>, %arg4: memref<1x1x128x1xf32, #tpu.memory_space<vmem>>, %arg5: memref<1x1x2048xf32, #tpu.memory_space<vmem>>, %arg6: memref<1x1x2048xf32, #tpu.memory_space<vmem>>, %arg7: memref<1x1x2048xf32, #tpu.memory_space<vmem>>, %arg8: memref<1x128x32xi32, #tpu.memory_space<vmem>>, %arg9: memref<128x2048xi32, #tpu.memory_space<vmem>>) attributes {dimension_semantics = [#tpu.dimension_semantics<arbitrary>, #tpu.dimension_semantics<arbitrary>], iteration_bounds = array<i64: 4, 8>, scalar_prefetch = 0 : i64, scratch_operands = 1 : i64, tpu.core_type = #tpu.core_type<tc>, window_params = [{transform_indices = @transform_0, window_bounds = array<i64: 1, 1, 128, 1>}, {transform_indices = @transform_1, window_bounds = array<i64: 1, 1, 128, 1>}, {transform_indices = @transform_2, window_bounds = array<i64: 1, 1, 128, 1>}, {transform_indices = @transform_3, window_bounds = array<i64: 1, 1, 2048>}, {transform_indices = @transform_4, window_bounds = array<i64: 1, 1, 2048>}, {transform_indices = @transform_5, window_bounds = array<i64: 1, 1, 2048>}, {transform_indices = @transform_6, window_bounds = array<i64: 1, 128, 32>}]} {
    %get3A = arith.constant 0 : index
    %get3A_0 = arith.constant 0 : index
    %get3A_1 = arith.constant 0 : index
    %get3A_2 = arith.constant 0 : index
    %get3A_3 = vector.load %arg2[%get3A, %get3A_0, %get3A_1, %get3A_2] : memref<1x1x128x1xf32, #tpu.memory_space<vmem>>, vector<1x1x128x1xf32>
    %get3A_4 = vector.shape_cast %get3A_3 : vector<1x1x128x1xf32> to vector<128x1xf32>
    %get3A_5 = arith.constant 0 : index
    %get3A_6 = arith.constant 0 : index
    %get3A_7 = arith.constant 0 : index
    %get3A_8 = arith.constant 0 : index
    %get3A_9 = vector.load %arg3[%get3A_5, %get3A_6, %get3A_7, %get3A_8] : memref<1x1x128x1xf32, #tpu.memory_space<vmem>>, vector<1x1x128x1xf32>
    %get3A_10 = vector.shape_cast %get3A_9 : vector<1x1x128x1xf32> to vector<128x1xf32>
    %get3A_11 = arith.constant 0 : index
    %get3A_12 = arith.constant 0 : index
    %get3A_13 = arith.constant 0 : index
    %get3A_14 = arith.constant 0 : index
    %get3A_15 = vector.load %arg4[%get3A_11, %get3A_12, %get3A_13, %get3A_14] : memref<1x1x128x1xf32, #tpu.memory_space<vmem>>, vector<1x1x128x1xf32>
    %get3A_16 = vector.shape_cast %get3A_15 : vector<1x1x128x1xf32> to vector<128x1xf32>
    %mul3A = arith.mulf %get3A_4, %get3A_4 : vector<128x1xf32>
    %mul3A_17 = arith.mulf %get3A_10, %get3A_10 : vector<128x1xf32>
    %add3A = arith.addf %mul3A, %mul3A_17 : vector<128x1xf32>
    %mul3A_18 = arith.mulf %get3A_16, %get3A_16 : vector<128x1xf32>
    %add3A_19 = arith.addf %add3A, %mul3A_18 : vector<128x1xf32>
    %get3A_20 = arith.constant 0 : index
    %get3A_21 = arith.constant 0 : index
    %get3A_22 = arith.constant 0 : index
    %get3A_23 = vector.load %arg5[%get3A_20, %get3A_21, %get3A_22] : memref<1x1x2048xf32, #tpu.memory_space<vmem>>, vector<1x1x2048xf32>
    %get3A_24 = vector.shape_cast %get3A_23 : vector<1x1x2048xf32> to vector<1x2048xf32>
    %get3A_25 = arith.constant 0 : index
    %get3A_26 = arith.constant 0 : index
    %get3A_27 = arith.constant 0 : index
    %get3A_28 = vector.load %arg6[%get3A_25, %get3A_26, %get3A_27] : memref<1x1x2048xf32, #tpu.memory_space<vmem>>, vector<1x1x2048xf32>
    %get3A_29 = vector.shape_cast %get3A_28 : vector<1x1x2048xf32> to vector<1x2048xf32>
    %get3A_30 = arith.constant 0 : index
    %get3A_31 = arith.constant 0 : index
    %get3A_32 = arith.constant 0 : index
    %get3A_33 = vector.load %arg7[%get3A_30, %get3A_31, %get3A_32] : memref<1x1x2048xf32, #tpu.memory_space<vmem>>, vector<1x1x2048xf32>
    %get3A_34 = vector.shape_cast %get3A_33 : vector<1x1x2048xf32> to vector<1x2048xf32>
    %mul3A_35 = arith.mulf %get3A_24, %get3A_24 : vector<1x2048xf32>
    %mul3A_36 = arith.mulf %get3A_29, %get3A_29 : vector<1x2048xf32>
    %add3A_37 = arith.addf %mul3A_35, %mul3A_36 : vector<1x2048xf32>
    %mul3A_38 = arith.mulf %get3A_34, %get3A_34 : vector<1x2048xf32>
    %add3A_39 = arith.addf %add3A_37, %mul3A_38 : vector<1x2048xf32>
    %convert_element_type3A = arith.truncf %get3A_4 : vector<128x1xf32> to vector<128x1xbf16>
    %convert_element_type3A_40 = arith.extf %convert_element_type3A : vector<128x1xbf16> to vector<128x1xf32>
    %convert_element_type3A_41 = arith.truncf %get3A_24 : vector<1x2048xf32> to vector<1x2048xbf16>
    %convert_element_type3A_42 = arith.extf %convert_element_type3A_41 : vector<1x2048xbf16> to vector<1x2048xf32>
    %mul3A_43 = vector.broadcast %convert_element_type3A_40 : vector<128x1xf32> to vector<128x2048xf32>
    %mul3A_44 = vector.broadcast %convert_element_type3A_42 : vector<1x2048xf32> to vector<128x2048xf32>
    %mul3A_45 = arith.mulf %mul3A_43, %mul3A_44 : vector<128x2048xf32>
    %convert_element_type3A_46 = arith.truncf %get3A_10 : vector<128x1xf32> to vector<128x1xbf16>
    %convert_element_type3A_47 = arith.extf %convert_element_type3A_46 : vector<128x1xbf16> to vector<128x1xf32>
    %convert_element_type3A_48 = arith.truncf %get3A_29 : vector<1x2048xf32> to vector<1x2048xbf16>
    %convert_element_type3A_49 = arith.extf %convert_element_type3A_48 : vector<1x2048xbf16> to vector<1x2048xf32>
    %mul3A_50 = vector.broadcast %convert_element_type3A_47 : vector<128x1xf32> to vector<128x2048xf32>
    %mul3A_51 = vector.broadcast %convert_element_type3A_49 : vector<1x2048xf32> to vector<128x2048xf32>
    %mul3A_52 = arith.mulf %mul3A_50, %mul3A_51 : vector<128x2048xf32>
    %add3A_53 = arith.addf %mul3A_45, %mul3A_52 : vector<128x2048xf32>
    %convert_element_type3A_54 = arith.truncf %get3A_16 : vector<128x1xf32> to vector<128x1xbf16>
    %convert_element_type3A_55 = arith.extf %convert_element_type3A_54 : vector<128x1xbf16> to vector<128x1xf32>
    %convert_element_type3A_56 = arith.truncf %get3A_34 : vector<1x2048xf32> to vector<1x2048xbf16>
    %convert_element_type3A_57 = arith.extf %convert_element_type3A_56 : vector<1x2048xbf16> to vector<1x2048xf32>
    %mul3A_58 = vector.broadcast %convert_element_type3A_55 : vector<128x1xf32> to vector<128x2048xf32>
    %mul3A_59 = vector.broadcast %convert_element_type3A_57 : vector<1x2048xf32> to vector<128x2048xf32>
    %mul3A_60 = arith.mulf %mul3A_58, %mul3A_59 : vector<128x2048xf32>
    %add3A_61 = arith.addf %add3A_53, %mul3A_60 : vector<128x2048xf32>
    %mul3A_62 = arith.constant 2.000000e+00 : f32
    %mul3A_63 = vector.broadcast %mul3A_62 : f32 to vector<128x2048xf32>
    %mul3A_64 = arith.mulf %mul3A_63, %add3A_61 : vector<128x2048xf32>
    %sub3A = vector.broadcast %add3A_19 : vector<128x1xf32> to vector<128x2048xf32>
    %sub3A_65 = arith.subf %sub3A, %mul3A_64 : vector<128x2048xf32>
    %add3A_66 = vector.broadcast %add3A_39 : vector<1x2048xf32> to vector<128x2048xf32>
    %add3A_67 = arith.addf %sub3A_65, %add3A_66 : vector<128x2048xf32>
    %max3A = arith.constant 0.000000e+00 : f32
    %max3A_68 = vector.broadcast %max3A : f32 to vector<128x2048xf32>
    %max3A_69 = arith.maximumf %add3A_67, %max3A_68 : vector<128x2048xf32>
    %iota3A = tpu.iota {dimensions = array<i32: 1>} : vector<128x2048xi32>
    %lt3A = arith.constant 0.00999999977 : f32
    %lt3A_70 = vector.broadcast %lt3A : f32 to vector<128x2048xf32>
    %lt3A_71 = arith.cmpf olt, %max3A_69, %lt3A_70 : vector<128x2048xf32>
    %jit3A = arith.constant 2048 : i32
    %broadcast_in_dim3A = vector.broadcast %jit3A : i32 to vector<128x2048xi32>
    %select_n3A = arith.select %lt3A_71, %iota3A, %broadcast_in_dim3A : vector<128x2048xi1>, vector<128x2048xi32>
    %swap3A = arith.constant 0 : index
    %swap3A_72 = arith.constant 0 : index
    %swap3A_73 = vector.load %arg9[%swap3A, %swap3A_72] : memref<128x2048xi32, #tpu.memory_space<vmem>>, vector<128x2048xi32>
    tpu.vector_store %arg9[%swap3A, %swap3A_72], %select_n3A {strides = array<i32>} : memref<128x2048xi32, #tpu.memory_space<vmem>>, vector<128x2048xi32>,
    %get3A_74 = arith.constant 0 : index
    %get3A_75 = arith.constant 0 : index
    %get3A_76 = vector.load %arg9[%get3A_74, %get3A_75] : memref<128x2048xi32, #tpu.memory_space<vmem>>, vector<128x2048xi32>
    %reduce_min3A = arith.constant dense<2147483647> : vector<128xi32>
    %reduce_min3A_77 = vector.multi_reduction <minsi>, %get3A_76, %reduce_min3A [1] : vector<128x2048xi32> to vector<128xi32>
    %broadcast_in_dim3A_78 = vector.shape_cast %reduce_min3A_77 : vector<128xi32> to vector<128x1xi32>
    %eq3A = vector.broadcast %broadcast_in_dim3A_78 : vector<128x1xi32> to vector<128x2048xi32>
    %eq3A_79 = arith.cmpi eq, %get3A_76, %eq3A : vector<128x2048xi32>
    %jit3A_80 = arith.constant 2048 : i32
    %broadcast_in_dim3A_81 = vector.broadcast %jit3A_80 : i32 to vector<128x2048xi32>
    %select_n3A_82 = arith.select %eq3A_79, %broadcast_in_dim3A_81, %get3A_76 : vector<128x2048xi1>, vector<128x2048xi32>
    %swap3A_83 = arith.constant 0 : index
    %swap3A_84 = arith.constant 0 : index
    %swap3A_85 = vector.load %arg9[%swap3A_83, %swap3A_84] : memref<128x2048xi32, #tpu.memory_space<vmem>>, vector<128x2048xi32>
    tpu.vector_store %arg9[%swap3A_83, %swap3A_84], %select_n3A_82 {strides = array<i32>} : memref<128x2048xi32, #tpu.memory_space<vmem>>, vector<128x2048xi32>,
    %broadcast_in_dim3A_86 = vector.shape_cast %broadcast_in_dim3A_78 : vector<128x1xi32> to vector<128x1xi32>
    %broadcast_in_dim3A_87 = vector.broadcast %broadcast_in_dim3A_86 : vector<128x1xi32> to vector<128x32xi32>
    %while3A = arith.constant 1 : i32
    %while3A_88 = arith.constant true
    %while3A_89:3 = scf.while (%while3A_102 = %while3A, %while3A_103 = %broadcast_in_dim3A_87, %while3A_104 = %while3A_88) : (i32, vector<128x32xi32>, i1) -> (i32, vector<128x32xi32>, i1) {
      %lt3A_105 = arith.constant 32 : i32
      %lt3A_106 = arith.cmpi slt, %while3A_102, %lt3A_105 : i32
      %and3A = arith.andi %lt3A_106, %while3A_104 : i1
      scf.condition(%and3A) %while3A_102, %while3A_103, %while3A_104 : i32, vector<128x32xi32>, i1
    } do {
    ^bb0(%while3A_102: i32, %while3A_103: vector<128x32xi32>, %while3A_104: i1):
      %get3A_105 = arith.constant 0 : index
      %get3A_106 = arith.constant 0 : index
      %get3A_107 = vector.load %arg9[%get3A_105, %get3A_106] : memref<128x2048xi32, #tpu.memory_space<vmem>>, vector<128x2048xi32>
      %reduce_min3A_108 = arith.constant dense<2147483647> : vector<128xi32>
      %reduce_min3A_109 = vector.multi_reduction <minsi>, %get3A_107, %reduce_min3A_108 [1] : vector<128x2048xi32> to vector<128xi32>
      %broadcast_in_dim3A_110 = vector.shape_cast %reduce_min3A_109 : vector<128xi32> to vector<128x1xi32>
      %lt3A_111 = arith.constant 2048 : i32
      %lt3A_112 = vector.broadcast %lt3A_111 : i32 to vector<128x1xi32>
      %lt3A_113 = arith.cmpi slt, %broadcast_in_dim3A_110, %lt3A_112 : vector<128x1xi32>
      %slice3A = vector.extract_strided_slice %while3A_103 {offsets = [0, 0], sizes = [128, 1], strides = [1, 1]} : vector<128x32xi32> to vector<128x1xi32>
      %select_n3A_114 = arith.select %lt3A_113, %broadcast_in_dim3A_110, %slice3A : vector<128x1xi1>, vector<128x1xi32>
      %iota3A_115 = tpu.iota {dimensions = array<i32: 1>} : vector<128x32xi32>
      %eq3A_116 = vector.broadcast %while3A_102 : i32 to vector<128x32xi32>
      %eq3A_117 = arith.cmpi eq, %iota3A_115, %eq3A_116 : vector<128x32xi32>
      %broadcast_in_dim3A_118 = vector.shape_cast %select_n3A_114 : vector<128x1xi32> to vector<128x1xi32>
      %broadcast_in_dim3A_119 = vector.broadcast %broadcast_in_dim3A_118 : vector<128x1xi32> to vector<128x32xi32>
      %select_n3A_120 = arith.select %eq3A_117, %broadcast_in_dim3A_119, %while3A_103 : vector<128x32xi1>, vector<128x32xi32>
      %eq3A_121 = vector.broadcast %broadcast_in_dim3A_110 : vector<128x1xi32> to vector<128x2048xi32>
      %eq3A_122 = arith.cmpi eq, %get3A_107, %eq3A_121 : vector<128x2048xi32>
      %jit3A_123 = arith.constant 2048 : i32
      %broadcast_in_dim3A_124 = vector.broadcast %jit3A_123 : i32 to vector<128x2048xi32>
      %select_n3A_125 = arith.select %eq3A_122, %broadcast_in_dim3A_124, %get3A_107 : vector<128x2048xi1>, vector<128x2048xi32>
      %swap3A_126 = arith.constant 0 : index
      %swap3A_127 = arith.constant 0 : index
      %swap3A_128 = vector.load %arg9[%swap3A_126, %swap3A_127] : memref<128x2048xi32, #tpu.memory_space<vmem>>, vector<128x2048xi32>
      tpu.vector_store %arg9[%swap3A_126, %swap3A_127], %select_n3A_125 {strides = array<i32>} : memref<128x2048xi32, #tpu.memory_space<vmem>>, vector<128x2048xi32>,
      %add3A_129 = arith.constant 1 : i32
      %add3A_130 = arith.addi %while3A_102, %add3A_129 : i32
      %reduce_or3A = arith.constant 1.000000e+00 : f32
      %reduce_or3A_131 = arith.constant 0.000000e+00 : f32
      %reduce_or3A_132 = vector.broadcast %reduce_or3A : f32 to vector<128x1xf32>
      %reduce_or3A_133 = vector.broadcast %reduce_or3A_131 : f32 to vector<128x1xf32>
      %reduce_or3A_134 = arith.select %lt3A_113, %reduce_or3A_132, %reduce_or3A_133 : vector<128x1xi1>, vector<128x1xf32>
      %reduce_or3A_135 = vector.shape_cast %reduce_or3A_134 : vector<128x1xf32> to vector<1x128x1xf32>
      %reduce_or3A_136 = arith.constant dense<0xFF800000> : vector<1xf32>
      %reduce_or3A_137 = vector.multi_reduction <maximumf>, %reduce_or3A_135, %reduce_or3A_136 [1, 2] : vector<1x128x1xf32> to vector<1xf32>
      %reduce_or3A_138 = vector.shape_cast %reduce_or3A_137 : vector<1xf32> to vector<1x1x1xf32>
      %reduce_or3A_139 = vector.extract %reduce_or3A_138[0, 0, 0] : f32 from vector<1x1x1xf32>
      %reduce_or3A_140 = arith.constant 0.000000e+00 : f32
      %reduce_or3A_141 = arith.cmpf ogt, %reduce_or3A_139, %reduce_or3A_140 : f32
      scf.yield %add3A_130, %select_n3A_120, %reduce_or3A_141 : i32, vector<128x32xi32>, i1
    }
    %min3A = arith.constant 2047 : i32
    %min3A_90 = vector.broadcast %min3A : i32 to vector<128x32xi32>
    %min3A_91 = arith.minsi %while3A_89#1, %min3A_90 : vector<128x32xi32>
    %mul3A_92 = arith.constant 2048 : i32
    %mul3A_93 = arith.muli %arg0, %mul3A_92 : i32
    %add3A_94 = vector.broadcast %mul3A_93 : i32 to vector<128x32xi32>
    %add3A_95 = arith.addi %min3A_91, %add3A_94 : vector<128x32xi32>
    %swap3A_96 = arith.constant 0 : index
    %swap3A_97 = arith.constant 0 : index
    %swap3A_98 = arith.constant 0 : index
    %swap3A_99 = vector.load %arg8[%swap3A_96, %swap3A_97, %swap3A_98] : memref<1x128x32xi32, #tpu.memory_space<vmem>>, vector<1x128x32xi32>
    %swap3A_100 = vector.shape_cast %swap3A_99 : vector<1x128x32xi32> to vector<128x32xi32>
    %swap3A_101 = vector.shape_cast %add3A_95 : vector<128x32xi32> to vector<1x128x32xi32>
    tpu.vector_store %arg8[%swap3A_96, %swap3A_97, %swap3A_98], %swap3A_101 {strides = array<i32>} : memref<1x128x32xi32, #tpu.memory_space<vmem>>, vector<1x128x32xi32>,
    return
  }
  func.func @transform_0(%arg0: i32, %arg1: i32) -> (i32, i32, i32, i32) {
    %c0_i32 = arith.constant 0 : i32
    %c0_i32_0 = arith.constant 0 : i32
    %c0_i32_1 = arith.constant 0 : i32
    return %arg0, %arg1, %c0_i32, %c0_i32_0 : i32, i32, i32, i32
  }
  func.func @transform_1(%arg0: i32, %arg1: i32) -> (i32, i32, i32, i32) {
    %c0_i32 = arith.constant 0 : i32
    %c0_i32_0 = arith.constant 0 : i32
    %c0_i32_1 = arith.constant 0 : i32
    return %arg0, %arg1, %c0_i32, %c0_i32_0 : i32, i32, i32, i32
  }
  func.func @transform_2(%arg0: i32, %arg1: i32) -> (i32, i32, i32, i32) {
    %c0_i32 = arith.constant 0 : i32
    %c0_i32_0 = arith.constant 0 : i32
    %c0_i32_1 = arith.constant 0 : i32
    return %arg0, %arg1, %c0_i32, %c0_i32_0 : i32, i32, i32, i32
  }
  func.func @transform_3(%arg0: i32, %arg1: i32) -> (i32, i32, i32) {
    %c0_i32 = arith.constant 0 : i32
    %c0_i32_0 = arith.constant 0 : i32
    %c0_i32_1 = arith.constant 0 : i32
    return %arg0, %c0_i32, %c0_i32_0 : i32, i32, i32
  }
  func.func @transform_4(%arg0: i32, %arg1: i32) -> (i32, i32, i32) {
    %c0_i32 = arith.constant 0 : i32
    %c0_i32_0 = arith.constant 0 : i32
    %c0_i32_1 = arith.constant 0 : i32
    return %arg0, %c0_i32, %c0_i32_0 : i32, i32, i32
  }
  func.func @transform_5(%arg0: i32, %arg1: i32) -> (i32, i32, i32) {
    %c0_i32 = arith.constant 0 : i32
    %c0_i32_0 = arith.constant 0 : i32
    %c0_i32_1 = arith.constant 0 : i32
    return %arg0, %c0_i32, %c0_i32_0 : i32, i32, i32
  }
  func.func @transform_6(%arg0: i32, %arg1: i32) -> (i32, i32, i32) {
    %c0_i32 = arith.constant 0 : i32
    %c0_i32_0 = arith.constant 0 : i32
    return %arg0, %arg1, %c0_i32 : i32, i32, i32
  }
}

module attributes {stable_mosaic.version = 14 : i64} {
  func.func @_tattn_body(%arg0: i32, %arg1: memref<512x272xf32, #tpu.memory_space<vmem>>, %arg2: memref<32x128xf32, #tpu.memory_space<vmem>>, %arg3: memref<32x16xf32, #tpu.memory_space<vmem>>, %arg4: memref<32x128xf32, #tpu.memory_space<vmem>>, %arg5: memref<16x128xbf16, #tpu.memory_space<vmem>>, %arg6: memref<1x128xf32, #tpu.memory_space<vmem>>, %arg7: memref<128x128xbf16, #tpu.memory_space<vmem>>, %arg8: memref<1x128xf32, #tpu.memory_space<vmem>>, %arg9: memref<128x128xbf16, #tpu.memory_space<vmem>>, %arg10: memref<1x128xf32, #tpu.memory_space<vmem>>, %arg11: memref<128x128xbf16, #tpu.memory_space<vmem>>, %arg12: memref<1x128xf32, #tpu.memory_space<vmem>>, %arg13: memref<128x128xbf16, #tpu.memory_space<vmem>>, %arg14: memref<1x128xf32, #tpu.memory_space<vmem>>, %arg15: memref<32x128xf32, #tpu.memory_space<vmem>>) attributes {dimension_semantics = [#tpu.dimension_semantics<arbitrary>], iteration_bounds = array<i64: 256>, scalar_prefetch = 0 : i64, scratch_operands = 0 : i64, tpu.core_type = #tpu.core_type<tc>, window_params = [{transform_indices = @transform_0, window_bounds = array<i64: 512, 272>}, {transform_indices = @transform_1, window_bounds = array<i64: 32, 128>}, {transform_indices = @transform_2, window_bounds = array<i64: 32, 16>}, {transform_indices = @transform_3, window_bounds = array<i64: 32, 128>}, {pipeline_mode = #tpu.pipeline_mode<synchronous>, transform_indices = @transform_4, window_bounds = array<i64: 16, 128>}, {pipeline_mode = #tpu.pipeline_mode<synchronous>, transform_indices = @transform_5, window_bounds = array<i64: 1, 128>}, {pipeline_mode = #tpu.pipeline_mode<synchronous>, transform_indices = @transform_6, window_bounds = array<i64: 128, 128>}, {pipeline_mode = #tpu.pipeline_mode<synchronous>, transform_indices = @transform_7, window_bounds = array<i64: 1, 128>}, {pipeline_mode = #tpu.pipeline_mode<synchronous>, transform_indices = @transform_8, window_bounds = array<i64: 128, 128>}, {pipeline_mode = #tpu.pipeline_mode<synchronous>, transform_indices = @transform_9, window_bounds = array<i64: 1, 128>}, {pipeline_mode = #tpu.pipeline_mode<synchronous>, transform_indices = @transform_10, window_bounds = array<i64: 128, 128>}, {pipeline_mode = #tpu.pipeline_mode<synchronous>, transform_indices = @transform_11, window_bounds = array<i64: 1, 128>}, {pipeline_mode = #tpu.pipeline_mode<synchronous>, transform_indices = @transform_12, window_bounds = array<i64: 128, 128>}, {pipeline_mode = #tpu.pipeline_mode<synchronous>, transform_indices = @transform_13, window_bounds = array<i64: 1, 128>}, {transform_indices = @transform_14, window_bounds = array<i64: 32, 128>}]} {
    %get3A = arith.constant 0 : index
    %get3A_0 = arith.constant 0 : index
    %get3A_1 = vector.load %arg1[%get3A, %get3A_0] : memref<512x272xf32, #tpu.memory_space<vmem>>, vector<512x272xf32>
    %slice3A = vector.extract_strided_slice %get3A_1 {offsets = [0, 0], sizes = [512, 128], strides = [1, 1]} : vector<512x272xf32> to vector<512x128xf32>
    %slice3A_2 = vector.extract_strided_slice %get3A_1 {offsets = [0, 128], sizes = [512, 128], strides = [1, 1]} : vector<512x272xf32> to vector<512x128xf32>
    %slice3A_3 = vector.extract_strided_slice %get3A_1 {offsets = [0, 256], sizes = [512, 16], strides = [1, 1]} : vector<512x272xf32> to vector<512x16xf32>
    %get3A_4 = arith.constant 0 : index
    %get3A_5 = arith.constant 0 : index
    %get3A_6 = vector.load %arg3[%get3A_4, %get3A_5] : memref<32x16xf32, #tpu.memory_space<vmem>>, vector<32x16xf32>
    %broadcast_in_dim3A = vector.shape_cast %get3A_6 : vector<32x16xf32> to vector<32x1x16xf32>
    %broadcast_in_dim3A_7 = vector.shape_cast %broadcast_in_dim3A : vector<32x1x16xf32> to vector<32x1x16xf32>
    %broadcast_in_dim3A_8 = vector.broadcast %broadcast_in_dim3A_7 : vector<32x1x16xf32> to vector<32x16x16xf32>
    %reshape3A = vector.shape_cast %broadcast_in_dim3A_8 : vector<32x16x16xf32> to vector<512x16xf32>
    %sub3A = arith.subf %reshape3A, %slice3A_3 : vector<512x16xf32>
    %convert_element_type3A = arith.truncf %sub3A : vector<512x16xf32> to vector<512x16xbf16>
    %convert_element_type3A_9 = arith.extf %convert_element_type3A : vector<512x16xbf16> to vector<512x16xf32>
    %get3A_10 = arith.constant 0 : index
    %get3A_11 = arith.constant 0 : index
    %get3A_12 = vector.load %arg5[%get3A_10, %get3A_11] : memref<16x128xbf16, #tpu.memory_space<vmem>>, vector<16x128xbf16>
    %dot_general3A = arith.constant dense<0.000000e+00> : vector<512x128xf32>
    %dot_general3A_13 = tpu.matmul %convert_element_type3A_9, %get3A_12, %dot_general3A {dimension_numbers = #tpu.dot_dimension_numbers<[1], [0], [0], [1], [0, 0, 1, 1], [], []>, transpose_lhs_hint = false} : vector<512x16xf32>, vector<16x128xbf16>, vector<512x128xf32> -> vector<512x128xf32>
    %get3A_14 = arith.constant 0 : index
    %get3A_15 = arith.constant 0 : index
    %get3A_16 = vector.load %arg6[%get3A_14, %get3A_15] : memref<1x128xf32, #tpu.memory_space<vmem>>, vector<1x128xf32>
    %add3A = vector.broadcast %get3A_16 : vector<1x128xf32> to vector<512x128xf32>
    %add3A_17 = arith.addf %dot_general3A_13, %add3A : vector<512x128xf32>
    %max3A = arith.constant 0.000000e+00 : f32
    %max3A_18 = vector.broadcast %max3A : f32 to vector<512x128xf32>
    %max3A_19 = arith.maximumf %add3A_17, %max3A_18 : vector<512x128xf32>
    %convert_element_type3A_20 = arith.truncf %max3A_19 : vector<512x128xf32> to vector<512x128xbf16>
    %convert_element_type3A_21 = arith.extf %convert_element_type3A_20 : vector<512x128xbf16> to vector<512x128xf32>
    %get3A_22 = arith.constant 0 : index
    %get3A_23 = arith.constant 0 : index
    %get3A_24 = vector.load %arg7[%get3A_22, %get3A_23] : memref<128x128xbf16, #tpu.memory_space<vmem>>, vector<128x128xbf16>
    %dot_general3A_25 = arith.constant dense<0.000000e+00> : vector<512x128xf32>
    %dot_general3A_26 = tpu.matmul %convert_element_type3A_21, %get3A_24, %dot_general3A_25 {dimension_numbers = #tpu.dot_dimension_numbers<[1], [0], [0], [1], [0, 0, 1, 1], [], []>, transpose_lhs_hint = false} : vector<512x128xf32>, vector<128x128xbf16>, vector<512x128xf32> -> vector<512x128xf32>
    %get3A_27 = arith.constant 0 : index
    %get3A_28 = arith.constant 0 : index
    %get3A_29 = vector.load %arg8[%get3A_27, %get3A_28] : memref<1x128xf32, #tpu.memory_space<vmem>>, vector<1x128xf32>
    %add3A_30 = vector.broadcast %get3A_29 : vector<1x128xf32> to vector<512x128xf32>
    %add3A_31 = arith.addf %dot_general3A_26, %add3A_30 : vector<512x128xf32>
    %get3A_32 = arith.constant 0 : index
    %get3A_33 = arith.constant 0 : index
    %get3A_34 = vector.load %arg2[%get3A_32, %get3A_33] : memref<32x128xf32, #tpu.memory_space<vmem>>, vector<32x128xf32>
    %broadcast_in_dim3A_35 = vector.shape_cast %get3A_34 : vector<32x128xf32> to vector<32x1x128xf32>
    %broadcast_in_dim3A_36 = vector.shape_cast %broadcast_in_dim3A_35 : vector<32x1x128xf32> to vector<32x1x128xf32>
    %broadcast_in_dim3A_37 = vector.broadcast %broadcast_in_dim3A_36 : vector<32x1x128xf32> to vector<32x16x128xf32>
    %reshape3A_38 = vector.shape_cast %broadcast_in_dim3A_37 : vector<32x16x128xf32> to vector<512x128xf32>
    %sub3A_39 = arith.subf %reshape3A_38, %slice3A : vector<512x128xf32>
    %add3A_40 = arith.addf %sub3A_39, %add3A_31 : vector<512x128xf32>
    %convert_element_type3A_41 = arith.truncf %add3A_40 : vector<512x128xf32> to vector<512x128xbf16>
    %convert_element_type3A_42 = arith.extf %convert_element_type3A_41 : vector<512x128xbf16> to vector<512x128xf32>
    %get3A_43 = arith.constant 0 : index
    %get3A_44 = arith.constant 0 : index
    %get3A_45 = vector.load %arg9[%get3A_43, %get3A_44] : memref<128x128xbf16, #tpu.memory_space<vmem>>, vector<128x128xbf16>
    %dot_general3A_46 = arith.constant dense<0.000000e+00> : vector<512x128xf32>
    %dot_general3A_47 = tpu.matmul %convert_element_type3A_42, %get3A_45, %dot_general3A_46 {dimension_numbers = #tpu.dot_dimension_numbers<[1], [0], [0], [1], [0, 0, 1, 1], [], []>, transpose_lhs_hint = false} : vector<512x128xf32>, vector<128x128xbf16>, vector<512x128xf32> -> vector<512x128xf32>
    %get3A_48 = arith.constant 0 : index
    %get3A_49 = arith.constant 0 : index
    %get3A_50 = vector.load %arg10[%get3A_48, %get3A_49] : memref<1x128xf32, #tpu.memory_space<vmem>>, vector<1x128xf32>
    %add3A_51 = vector.broadcast %get3A_50 : vector<1x128xf32> to vector<512x128xf32>
    %add3A_52 = arith.addf %dot_general3A_47, %add3A_51 : vector<512x128xf32>
    %max3A_53 = arith.constant 0.000000e+00 : f32
    %max3A_54 = vector.broadcast %max3A_53 : f32 to vector<512x128xf32>
    %max3A_55 = arith.maximumf %add3A_52, %max3A_54 : vector<512x128xf32>
    %convert_element_type3A_56 = arith.truncf %max3A_55 : vector<512x128xf32> to vector<512x128xbf16>
    %convert_element_type3A_57 = arith.extf %convert_element_type3A_56 : vector<512x128xbf16> to vector<512x128xf32>
    %get3A_58 = arith.constant 0 : index
    %get3A_59 = arith.constant 0 : index
    %get3A_60 = vector.load %arg11[%get3A_58, %get3A_59] : memref<128x128xbf16, #tpu.memory_space<vmem>>, vector<128x128xbf16>
    %dot_general3A_61 = arith.constant dense<0.000000e+00> : vector<512x128xf32>
    %dot_general3A_62 = tpu.matmul %convert_element_type3A_57, %get3A_60, %dot_general3A_61 {dimension_numbers = #tpu.dot_dimension_numbers<[1], [0], [0], [1], [0, 0, 1, 1], [], []>, transpose_lhs_hint = false} : vector<512x128xf32>, vector<128x128xbf16>, vector<512x128xf32> -> vector<512x128xf32>
    %get3A_63 = arith.constant 0 : index
    %get3A_64 = arith.constant 0 : index
    %get3A_65 = vector.load %arg12[%get3A_63, %get3A_64] : memref<1x128xf32, #tpu.memory_space<vmem>>, vector<1x128xf32>
    %add3A_66 = vector.broadcast %get3A_65 : vector<1x128xf32> to vector<512x128xf32>
    %add3A_67 = arith.addf %dot_general3A_62, %add3A_66 : vector<512x128xf32>
    %mul3A = arith.constant 0.0883883461 : f32
    %mul3A_68 = vector.broadcast %mul3A : f32 to vector<512x128xf32>
    %mul3A_69 = arith.mulf %add3A_67, %mul3A_68 : vector<512x128xf32>
    %reshape3A_70 = vector.shape_cast %mul3A_69 : vector<512x128xf32> to vector<32x16x128xf32>
    %reduce_max3A = arith.constant dense<0xFF800000> : vector<32x128xf32>
    %reduce_max3A_71 = vector.multi_reduction <maximumf>, %reshape3A_70, %reduce_max3A [1] : vector<32x16x128xf32> to vector<32x128xf32>
    %broadcast_in_dim3A_72 = vector.shape_cast %reduce_max3A_71 : vector<32x128xf32> to vector<32x1x128xf32>
    %sub3A_73 = vector.broadcast %broadcast_in_dim3A_72 : vector<32x1x128xf32> to vector<32x16x128xf32>
    %sub3A_74 = arith.subf %reshape3A_70, %sub3A_73 : vector<32x16x128xf32>
    %exp3A = math.exp %sub3A_74 : vector<32x16x128xf32>
    %reduce_sum3A = arith.constant dense<0.000000e+00> : vector<32x128xf32>
    %reduce_sum3A_75 = vector.multi_reduction <add>, %exp3A, %reduce_sum3A [1] : vector<32x16x128xf32> to vector<32x128xf32>
    %broadcast_in_dim3A_76 = vector.shape_cast %reduce_sum3A_75 : vector<32x128xf32> to vector<32x1x128xf32>
    %div3A = vector.broadcast %broadcast_in_dim3A_76 : vector<32x1x128xf32> to vector<32x16x128xf32>
    %div3A_77 = arith.divf %exp3A, %div3A : vector<32x16x128xf32>
    %add3A_78 = arith.addf %slice3A_2, %add3A_31 : vector<512x128xf32>
    %reshape3A_79 = vector.shape_cast %add3A_78 : vector<512x128xf32> to vector<32x16x128xf32>
    %mul3A_80 = arith.mulf %div3A_77, %reshape3A_79 : vector<32x16x128xf32>
    %reduce_sum3A_81 = arith.constant dense<0.000000e+00> : vector<32x128xf32>
    %reduce_sum3A_82 = vector.multi_reduction <add>, %mul3A_80, %reduce_sum3A_81 [1] : vector<32x16x128xf32> to vector<32x128xf32>
    %convert_element_type3A_83 = arith.truncf %reduce_sum3A_82 : vector<32x128xf32> to vector<32x128xbf16>
    %convert_element_type3A_84 = arith.extf %convert_element_type3A_83 : vector<32x128xbf16> to vector<32x128xf32>
    %get3A_85 = arith.constant 0 : index
    %get3A_86 = arith.constant 0 : index
    %get3A_87 = vector.load %arg13[%get3A_85, %get3A_86] : memref<128x128xbf16, #tpu.memory_space<vmem>>, vector<128x128xbf16>
    %dot_general3A_88 = arith.constant dense<0.000000e+00> : vector<32x128xf32>
    %dot_general3A_89 = tpu.matmul %convert_element_type3A_84, %get3A_87, %dot_general3A_88 {dimension_numbers = #tpu.dot_dimension_numbers<[1], [0], [0], [1], [0, 0, 1, 1], [], []>, transpose_lhs_hint = false} : vector<32x128xf32>, vector<128x128xbf16>, vector<32x128xf32> -> vector<32x128xf32>
    %get3A_90 = arith.constant 0 : index
    %get3A_91 = arith.constant 0 : index
    %get3A_92 = vector.load %arg14[%get3A_90, %get3A_91] : memref<1x128xf32, #tpu.memory_space<vmem>>, vector<1x128xf32>
    %add3A_93 = vector.broadcast %get3A_92 : vector<1x128xf32> to vector<32x128xf32>
    %add3A_94 = arith.addf %dot_general3A_89, %add3A_93 : vector<32x128xf32>
    %get3A_95 = arith.constant 0 : index
    %get3A_96 = arith.constant 0 : index
    %get3A_97 = vector.load %arg4[%get3A_95, %get3A_96] : memref<32x128xf32, #tpu.memory_space<vmem>>, vector<32x128xf32>
    %add3A_98 = arith.addf %add3A_94, %get3A_97 : vector<32x128xf32>
    %swap3A = arith.constant 0 : index
    %swap3A_99 = arith.constant 0 : index
    %swap3A_100 = vector.load %arg15[%swap3A, %swap3A_99] : memref<32x128xf32, #tpu.memory_space<vmem>>, vector<32x128xf32>
    tpu.vector_store %arg15[%swap3A, %swap3A_99], %add3A_98 {strides = array<i32>} : memref<32x128xf32, #tpu.memory_space<vmem>>, vector<32x128xf32>,
    return
  }
  func.func @transform_0(%arg0: i32) -> (i32, i32) {
    %c0_i32 = arith.constant 0 : i32
    %c0_i32_0 = arith.constant 0 : i32
    return %arg0, %c0_i32 : i32, i32
  }
  func.func @transform_1(%arg0: i32) -> (i32, i32) {
    %c0_i32 = arith.constant 0 : i32
    %c0_i32_0 = arith.constant 0 : i32
    return %arg0, %c0_i32 : i32, i32
  }
  func.func @transform_2(%arg0: i32) -> (i32, i32) {
    %c0_i32 = arith.constant 0 : i32
    %c0_i32_0 = arith.constant 0 : i32
    return %arg0, %c0_i32 : i32, i32
  }
  func.func @transform_3(%arg0: i32) -> (i32, i32) {
    %c0_i32 = arith.constant 0 : i32
    %c0_i32_0 = arith.constant 0 : i32
    return %arg0, %c0_i32 : i32, i32
  }
  func.func @transform_4(%arg0: i32) -> (i32, i32) {
    %c0_i32 = arith.constant 0 : i32
    %c0_i32_0 = arith.constant 0 : i32
    %c0_i32_1 = arith.constant 0 : i32
    return %c0_i32, %c0_i32_0 : i32, i32
  }
  func.func @transform_5(%arg0: i32) -> (i32, i32) {
    %c0_i32 = arith.constant 0 : i32
    %c0_i32_0 = arith.constant 0 : i32
    %c0_i32_1 = arith.constant 0 : i32
    return %c0_i32, %c0_i32_0 : i32, i32
  }
  func.func @transform_6(%arg0: i32) -> (i32, i32) {
    %c0_i32 = arith.constant 0 : i32
    %c0_i32_0 = arith.constant 0 : i32
    %c0_i32_1 = arith.constant 0 : i32
    return %c0_i32, %c0_i32_0 : i32, i32
  }
  func.func @transform_7(%arg0: i32) -> (i32, i32) {
    %c0_i32 = arith.constant 0 : i32
    %c0_i32_0 = arith.constant 0 : i32
    %c0_i32_1 = arith.constant 0 : i32
    return %c0_i32, %c0_i32_0 : i32, i32
  }
  func.func @transform_8(%arg0: i32) -> (i32, i32) {
    %c0_i32 = arith.constant 0 : i32
    %c0_i32_0 = arith.constant 0 : i32
    %c0_i32_1 = arith.constant 0 : i32
    return %c0_i32, %c0_i32_0 : i32, i32
  }
  func.func @transform_9(%arg0: i32) -> (i32, i32) {
    %c0_i32 = arith.constant 0 : i32
    %c0_i32_0 = arith.constant 0 : i32
    %c0_i32_1 = arith.constant 0 : i32
    return %c0_i32, %c0_i32_0 : i32, i32
  }
  func.func @transform_10(%arg0: i32) -> (i32, i32) {
    %c0_i32 = arith.constant 0 : i32
    %c0_i32_0 = arith.constant 0 : i32
    %c0_i32_1 = arith.constant 0 : i32
    return %c0_i32, %c0_i32_0 : i32, i32
  }
  func.func @transform_11(%arg0: i32) -> (i32, i32) {
    %c0_i32 = arith.constant 0 : i32
    %c0_i32_0 = arith.constant 0 : i32
    %c0_i32_1 = arith.constant 0 : i32
    return %c0_i32, %c0_i32_0 : i32, i32
  }
  func.func @transform_12(%arg0: i32) -> (i32, i32) {
    %c0_i32 = arith.constant 0 : i32
    %c0_i32_0 = arith.constant 0 : i32
    %c0_i32_1 = arith.constant 0 : i32
    return %c0_i32, %c0_i32_0 : i32, i32
  }
  func.func @transform_13(%arg0: i32) -> (i32, i32) {
    %c0_i32 = arith.constant 0 : i32
    %c0_i32_0 = arith.constant 0 : i32
    %c0_i32_1 = arith.constant 0 : i32
    return %c0_i32, %c0_i32_0 : i32, i32
  }
  func.func @transform_14(%arg0: i32) -> (i32, i32) {
    %c0_i32 = arith.constant 0 : i32
    %c0_i32_0 = arith.constant 0 : i32
    return %arg0, %c0_i32 : i32, i32
  }
}

module attributes {stable_mosaic.version = 14 : i64} {
  func.func @_tknn_body(%arg0: i32, %arg1: i32, %arg2: memref<1x1x128x1xf32, #tpu.memory_space<vmem>>, %arg3: memref<1x1x128x1xf32, #tpu.memory_space<vmem>>, %arg4: memref<1x1x128x1xf32, #tpu.memory_space<vmem>>, %arg5: memref<1x1x1024xf32, #tpu.memory_space<vmem>>, %arg6: memref<1x1x1024xf32, #tpu.memory_space<vmem>>, %arg7: memref<1x1x1024xf32, #tpu.memory_space<vmem>>, %arg8: memref<1x128x16xi32, #tpu.memory_space<vmem>>, %arg9: memref<128x1024xf32, #tpu.memory_space<vmem>>) attributes {dimension_semantics = [#tpu.dimension_semantics<arbitrary>, #tpu.dimension_semantics<arbitrary>], iteration_bounds = array<i64: 4, 8>, scalar_prefetch = 0 : i64, scratch_operands = 1 : i64, tpu.core_type = #tpu.core_type<tc>, window_params = [{transform_indices = @transform_0, window_bounds = array<i64: 1, 1, 128, 1>}, {transform_indices = @transform_1, window_bounds = array<i64: 1, 1, 128, 1>}, {transform_indices = @transform_2, window_bounds = array<i64: 1, 1, 128, 1>}, {transform_indices = @transform_3, window_bounds = array<i64: 1, 1, 1024>}, {transform_indices = @transform_4, window_bounds = array<i64: 1, 1, 1024>}, {transform_indices = @transform_5, window_bounds = array<i64: 1, 1, 1024>}, {transform_indices = @transform_6, window_bounds = array<i64: 1, 128, 16>}]} {
    %get3A = arith.constant 0 : index
    %get3A_0 = arith.constant 0 : index
    %get3A_1 = arith.constant 0 : index
    %get3A_2 = arith.constant 0 : index
    %get3A_3 = vector.load %arg2[%get3A, %get3A_0, %get3A_1, %get3A_2] : memref<1x1x128x1xf32, #tpu.memory_space<vmem>>, vector<1x1x128x1xf32>
    %get3A_4 = vector.shape_cast %get3A_3 : vector<1x1x128x1xf32> to vector<128x1xf32>
    %get3A_5 = arith.constant 0 : index
    %get3A_6 = arith.constant 0 : index
    %get3A_7 = arith.constant 0 : index
    %get3A_8 = arith.constant 0 : index
    %get3A_9 = vector.load %arg3[%get3A_5, %get3A_6, %get3A_7, %get3A_8] : memref<1x1x128x1xf32, #tpu.memory_space<vmem>>, vector<1x1x128x1xf32>
    %get3A_10 = vector.shape_cast %get3A_9 : vector<1x1x128x1xf32> to vector<128x1xf32>
    %get3A_11 = arith.constant 0 : index
    %get3A_12 = arith.constant 0 : index
    %get3A_13 = arith.constant 0 : index
    %get3A_14 = arith.constant 0 : index
    %get3A_15 = vector.load %arg4[%get3A_11, %get3A_12, %get3A_13, %get3A_14] : memref<1x1x128x1xf32, #tpu.memory_space<vmem>>, vector<1x1x128x1xf32>
    %get3A_16 = vector.shape_cast %get3A_15 : vector<1x1x128x1xf32> to vector<128x1xf32>
    %mul3A = arith.mulf %get3A_4, %get3A_4 : vector<128x1xf32>
    %mul3A_17 = arith.mulf %get3A_10, %get3A_10 : vector<128x1xf32>
    %add3A = arith.addf %mul3A, %mul3A_17 : vector<128x1xf32>
    %mul3A_18 = arith.mulf %get3A_16, %get3A_16 : vector<128x1xf32>
    %add3A_19 = arith.addf %add3A, %mul3A_18 : vector<128x1xf32>
    %get3A_20 = arith.constant 0 : index
    %get3A_21 = arith.constant 0 : index
    %get3A_22 = arith.constant 0 : index
    %get3A_23 = vector.load %arg5[%get3A_20, %get3A_21, %get3A_22] : memref<1x1x1024xf32, #tpu.memory_space<vmem>>, vector<1x1x1024xf32>
    %get3A_24 = vector.shape_cast %get3A_23 : vector<1x1x1024xf32> to vector<1x1024xf32>
    %get3A_25 = arith.constant 0 : index
    %get3A_26 = arith.constant 0 : index
    %get3A_27 = arith.constant 0 : index
    %get3A_28 = vector.load %arg6[%get3A_25, %get3A_26, %get3A_27] : memref<1x1x1024xf32, #tpu.memory_space<vmem>>, vector<1x1x1024xf32>
    %get3A_29 = vector.shape_cast %get3A_28 : vector<1x1x1024xf32> to vector<1x1024xf32>
    %get3A_30 = arith.constant 0 : index
    %get3A_31 = arith.constant 0 : index
    %get3A_32 = arith.constant 0 : index
    %get3A_33 = vector.load %arg7[%get3A_30, %get3A_31, %get3A_32] : memref<1x1x1024xf32, #tpu.memory_space<vmem>>, vector<1x1x1024xf32>
    %get3A_34 = vector.shape_cast %get3A_33 : vector<1x1x1024xf32> to vector<1x1024xf32>
    %mul3A_35 = arith.mulf %get3A_24, %get3A_24 : vector<1x1024xf32>
    %mul3A_36 = arith.mulf %get3A_29, %get3A_29 : vector<1x1024xf32>
    %add3A_37 = arith.addf %mul3A_35, %mul3A_36 : vector<1x1024xf32>
    %mul3A_38 = arith.mulf %get3A_34, %get3A_34 : vector<1x1024xf32>
    %add3A_39 = arith.addf %add3A_37, %mul3A_38 : vector<1x1024xf32>
    %convert_element_type3A = arith.truncf %get3A_4 : vector<128x1xf32> to vector<128x1xbf16>
    %convert_element_type3A_40 = arith.extf %convert_element_type3A : vector<128x1xbf16> to vector<128x1xf32>
    %convert_element_type3A_41 = arith.truncf %get3A_24 : vector<1x1024xf32> to vector<1x1024xbf16>
    %convert_element_type3A_42 = arith.extf %convert_element_type3A_41 : vector<1x1024xbf16> to vector<1x1024xf32>
    %mul3A_43 = vector.broadcast %convert_element_type3A_40 : vector<128x1xf32> to vector<128x1024xf32>
    %mul3A_44 = vector.broadcast %convert_element_type3A_42 : vector<1x1024xf32> to vector<128x1024xf32>
    %mul3A_45 = arith.mulf %mul3A_43, %mul3A_44 : vector<128x1024xf32>
    %convert_element_type3A_46 = arith.truncf %get3A_10 : vector<128x1xf32> to vector<128x1xbf16>
    %convert_element_type3A_47 = arith.extf %convert_element_type3A_46 : vector<128x1xbf16> to vector<128x1xf32>
    %convert_element_type3A_48 = arith.truncf %get3A_29 : vector<1x1024xf32> to vector<1x1024xbf16>
    %convert_element_type3A_49 = arith.extf %convert_element_type3A_48 : vector<1x1024xbf16> to vector<1x1024xf32>
    %mul3A_50 = vector.broadcast %convert_element_type3A_47 : vector<128x1xf32> to vector<128x1024xf32>
    %mul3A_51 = vector.broadcast %convert_element_type3A_49 : vector<1x1024xf32> to vector<128x1024xf32>
    %mul3A_52 = arith.mulf %mul3A_50, %mul3A_51 : vector<128x1024xf32>
    %add3A_53 = arith.addf %mul3A_45, %mul3A_52 : vector<128x1024xf32>
    %convert_element_type3A_54 = arith.truncf %get3A_16 : vector<128x1xf32> to vector<128x1xbf16>
    %convert_element_type3A_55 = arith.extf %convert_element_type3A_54 : vector<128x1xbf16> to vector<128x1xf32>
    %convert_element_type3A_56 = arith.truncf %get3A_34 : vector<1x1024xf32> to vector<1x1024xbf16>
    %convert_element_type3A_57 = arith.extf %convert_element_type3A_56 : vector<1x1024xbf16> to vector<1x1024xf32>
    %mul3A_58 = vector.broadcast %convert_element_type3A_55 : vector<128x1xf32> to vector<128x1024xf32>
    %mul3A_59 = vector.broadcast %convert_element_type3A_57 : vector<1x1024xf32> to vector<128x1024xf32>
    %mul3A_60 = arith.mulf %mul3A_58, %mul3A_59 : vector<128x1024xf32>
    %add3A_61 = arith.addf %add3A_53, %mul3A_60 : vector<128x1024xf32>
    %mul3A_62 = arith.constant 2.000000e+00 : f32
    %mul3A_63 = vector.broadcast %mul3A_62 : f32 to vector<128x1024xf32>
    %mul3A_64 = arith.mulf %mul3A_63, %add3A_61 : vector<128x1024xf32>
    %sub3A = vector.broadcast %add3A_19 : vector<128x1xf32> to vector<128x1024xf32>
    %sub3A_65 = arith.subf %sub3A, %mul3A_64 : vector<128x1024xf32>
    %add3A_66 = vector.broadcast %add3A_39 : vector<1x1024xf32> to vector<128x1024xf32>
    %add3A_67 = arith.addf %sub3A_65, %add3A_66 : vector<128x1024xf32>
    %max3A = arith.constant 0.000000e+00 : f32
    %max3A_68 = vector.broadcast %max3A : f32 to vector<128x1024xf32>
    %max3A_69 = arith.maximumf %add3A_67, %max3A_68 : vector<128x1024xf32>
    %swap3A = arith.constant 0 : index
    %swap3A_70 = arith.constant 0 : index
    %swap3A_71 = vector.load %arg9[%swap3A, %swap3A_70] : memref<128x1024xf32, #tpu.memory_space<vmem>>, vector<128x1024xf32>
    tpu.vector_store %arg9[%swap3A, %swap3A_70], %max3A_69 {strides = array<i32>} : memref<128x1024xf32, #tpu.memory_space<vmem>>, vector<128x1024xf32>,
    %iota3A = tpu.iota {dimensions = array<i32: 1>} : vector<128x1024xi32>
    %broadcast_in_dim3A = arith.constant 0 : i32
    %broadcast_in_dim3A_72 = vector.broadcast %broadcast_in_dim3A : i32 to vector<128x16xi32>
    %scan3A = arith.constant 0x7F800000 : f32
    %scan3A_73 = arith.constant 0 : i32
    %scan3A_74 = arith.constant 16 : i32
    %scan3A_75 = arith.addi %scan3A_73, %scan3A_74 : i32
    %scan3A_76 = arith.constant 1 : i32
    %scan3A_77 = scf.for %scan3A_89 = %scan3A_73 to %scan3A_75 step %scan3A_76 iter_args(%scan3A_90 = %broadcast_in_dim3A_72) -> (vector<128x16xi32>)  : i32 {
      %get3A_91 = arith.constant 0 : index
      %get3A_92 = arith.constant 0 : index
      %get3A_93 = vector.load %arg9[%get3A_91, %get3A_92] : memref<128x1024xf32, #tpu.memory_space<vmem>>, vector<128x1024xf32>
      %reduce_min3A = arith.constant dense<0x7F800000> : vector<128xf32>
      %reduce_min3A_94 = vector.multi_reduction <minimumf>, %get3A_93, %reduce_min3A [1] : vector<128x1024xf32> to vector<128xf32>
      %broadcast_in_dim3A_95 = vector.shape_cast %reduce_min3A_94 : vector<128xf32> to vector<128x1xf32>
      %eq3A = vector.broadcast %broadcast_in_dim3A_95 : vector<128x1xf32> to vector<128x1024xf32>
      %eq3A_96 = arith.cmpf oeq, %get3A_93, %eq3A : vector<128x1024xf32>
      %jit3A = arith.constant 1024 : i32
      %broadcast_in_dim3A_97 = vector.broadcast %jit3A : i32 to vector<128x1024xi32>
      %select_n3A = arith.select %eq3A_96, %iota3A, %broadcast_in_dim3A_97 : vector<128x1024xi1>, vector<128x1024xi32>
      %reduce_min3A_98 = arith.constant dense<2147483647> : vector<128xi32>
      %reduce_min3A_99 = vector.multi_reduction <minsi>, %select_n3A, %reduce_min3A_98 [1] : vector<128x1024xi32> to vector<128xi32>
      %broadcast_in_dim3A_100 = vector.shape_cast %reduce_min3A_99 : vector<128xi32> to vector<128x1xi32>
      %eq3A_101 = vector.broadcast %broadcast_in_dim3A_100 : vector<128x1xi32> to vector<128x1024xi32>
      %eq3A_102 = arith.cmpi eq, %iota3A, %eq3A_101 : vector<128x1024xi32>
      %broadcast_in_dim3A_103 = vector.broadcast %scan3A : f32 to vector<128x1024xf32>
      %select_n3A_104 = arith.select %eq3A_102, %broadcast_in_dim3A_103, %get3A_93 : vector<128x1024xi1>, vector<128x1024xf32>
      %swap3A_105 = arith.constant 0 : index
      %swap3A_106 = arith.constant 0 : index
      %swap3A_107 = vector.load %arg9[%swap3A_105, %swap3A_106] : memref<128x1024xf32, #tpu.memory_space<vmem>>, vector<128x1024xf32>
      tpu.vector_store %arg9[%swap3A_105, %swap3A_106], %select_n3A_104 {strides = array<i32>} : memref<128x1024xf32, #tpu.memory_space<vmem>>, vector<128x1024xf32>,
      %iota3A_108 = tpu.iota {dimensions = array<i32: 1>} : vector<128x16xi32>
      %eq3A_109 = vector.broadcast %scan3A_89 : i32 to vector<128x16xi32>
      %eq3A_110 = arith.cmpi eq, %iota3A_108, %eq3A_109 : vector<128x16xi32>
      %broadcast_in_dim3A_111 = vector.shape_cast %broadcast_in_dim3A_100 : vector<128x1xi32> to vector<128x1xi32>
      %broadcast_in_dim3A_112 = vector.broadcast %broadcast_in_dim3A_111 : vector<128x1xi32> to vector<128x16xi32>
      %select_n3A_113 = arith.select %eq3A_110, %broadcast_in_dim3A_112, %scan3A_90 : vector<128x16xi1>, vector<128x16xi32>
      scf.yield %select_n3A_113 : vector<128x16xi32>
    }
    %scan3A_78 = arith.constant 16 : i32
    %mul3A_79 = arith.constant 1024 : i32
    %mul3A_80 = arith.muli %arg0, %mul3A_79 : i32
    %add3A_81 = vector.broadcast %mul3A_80 : i32 to vector<128x16xi32>
    %add3A_82 = arith.addi %scan3A_77, %add3A_81 : vector<128x16xi32>
    %swap3A_83 = arith.constant 0 : index
    %swap3A_84 = arith.constant 0 : index
    %swap3A_85 = arith.constant 0 : index
    %swap3A_86 = vector.load %arg8[%swap3A_83, %swap3A_84, %swap3A_85] : memref<1x128x16xi32, #tpu.memory_space<vmem>>, vector<1x128x16xi32>
    %swap3A_87 = vector.shape_cast %swap3A_86 : vector<1x128x16xi32> to vector<128x16xi32>
    %swap3A_88 = vector.shape_cast %add3A_82 : vector<128x16xi32> to vector<1x128x16xi32>
    tpu.vector_store %arg8[%swap3A_83, %swap3A_84, %swap3A_85], %swap3A_88 {strides = array<i32>} : memref<1x128x16xi32, #tpu.memory_space<vmem>>, vector<1x128x16xi32>,
    return
  }
  func.func @transform_0(%arg0: i32, %arg1: i32) -> (i32, i32, i32, i32) {
    %c0_i32 = arith.constant 0 : i32
    %c0_i32_0 = arith.constant 0 : i32
    %c0_i32_1 = arith.constant 0 : i32
    return %arg0, %arg1, %c0_i32, %c0_i32_0 : i32, i32, i32, i32
  }
  func.func @transform_1(%arg0: i32, %arg1: i32) -> (i32, i32, i32, i32) {
    %c0_i32 = arith.constant 0 : i32
    %c0_i32_0 = arith.constant 0 : i32
    %c0_i32_1 = arith.constant 0 : i32
    return %arg0, %arg1, %c0_i32, %c0_i32_0 : i32, i32, i32, i32
  }
  func.func @transform_2(%arg0: i32, %arg1: i32) -> (i32, i32, i32, i32) {
    %c0_i32 = arith.constant 0 : i32
    %c0_i32_0 = arith.constant 0 : i32
    %c0_i32_1 = arith.constant 0 : i32
    return %arg0, %arg1, %c0_i32, %c0_i32_0 : i32, i32, i32, i32
  }
  func.func @transform_3(%arg0: i32, %arg1: i32) -> (i32, i32, i32) {
    %c0_i32 = arith.constant 0 : i32
    %c0_i32_0 = arith.constant 0 : i32
    %c0_i32_1 = arith.constant 0 : i32
    return %arg0, %c0_i32, %c0_i32_0 : i32, i32, i32
  }
  func.func @transform_4(%arg0: i32, %arg1: i32) -> (i32, i32, i32) {
    %c0_i32 = arith.constant 0 : i32
    %c0_i32_0 = arith.constant 0 : i32
    %c0_i32_1 = arith.constant 0 : i32
    return %arg0, %c0_i32, %c0_i32_0 : i32, i32, i32
  }
  func.func @transform_5(%arg0: i32, %arg1: i32) -> (i32, i32, i32) {
    %c0_i32 = arith.constant 0 : i32
    %c0_i32_0 = arith.constant 0 : i32
    %c0_i32_1 = arith.constant 0 : i32
    return %arg0, %c0_i32, %c0_i32_0 : i32, i32, i32
  }
  func.func @transform_6(%arg0: i32, %arg1: i32) -> (i32, i32, i32) {
    %c0_i32 = arith.constant 0 : i32
    %c0_i32_0 = arith.constant 0 : i32
    return %arg0, %arg1, %c0_i32 : i32, i32, i32
  }
}

module attributes {stable_mosaic.version = 14 : i64} {
  func.func @_sa_mlp_body(%arg0: i32, %arg1: i32, %arg2: memref<1x256x144xf32, #tpu.memory_space<vmem>>, %arg3: memref<256x144xf32, #tpu.memory_space<vmem>>, %arg4: memref<1x144xf32, #tpu.memory_space<vmem>>, %arg5: memref<144x128xbf16, #tpu.memory_space<vmem>>, %arg6: memref<128x128xbf16, #tpu.memory_space<vmem>>, %arg7: memref<128x256xbf16, #tpu.memory_space<vmem>>, %arg8: memref<256x256xf32, #tpu.memory_space<vmem>>) attributes {dimension_semantics = [#tpu.dimension_semantics<arbitrary>, #tpu.dimension_semantics<arbitrary>], iteration_bounds = array<i64: 16, 32>, scalar_prefetch = 0 : i64, scratch_operands = 0 : i64, tpu.core_type = #tpu.core_type<tc>, window_params = [{transform_indices = @transform_0, window_bounds = array<i64: 1, 256, 144>}, {transform_indices = @transform_1, window_bounds = array<i64: 256, 144>}, {pipeline_mode = #tpu.pipeline_mode<synchronous>, transform_indices = @transform_2, window_bounds = array<i64: 1, 144>}, {pipeline_mode = #tpu.pipeline_mode<synchronous>, transform_indices = @transform_3, window_bounds = array<i64: 144, 128>}, {pipeline_mode = #tpu.pipeline_mode<synchronous>, transform_indices = @transform_4, window_bounds = array<i64: 128, 128>}, {pipeline_mode = #tpu.pipeline_mode<synchronous>, transform_indices = @transform_5, window_bounds = array<i64: 128, 256>}, {transform_indices = @transform_6, window_bounds = array<i64: 256, 256>}]} {
    %get3A = arith.constant 0 : index
    %get3A_0 = arith.constant 0 : index
    %get3A_1 = arith.constant 0 : index
    %get3A_2 = vector.load %arg2[%get3A, %get3A_0, %get3A_1] : memref<1x256x144xf32, #tpu.memory_space<vmem>>, vector<1x256x144xf32>
    %get3A_3 = vector.shape_cast %get3A_2 : vector<1x256x144xf32> to vector<256x144xf32>
    %get3A_4 = arith.constant 0 : index
    %get3A_5 = arith.constant 0 : index
    %get3A_6 = vector.load %arg3[%get3A_4, %get3A_5] : memref<256x144xf32, #tpu.memory_space<vmem>>, vector<256x144xf32>
    %sub3A = arith.subf %get3A_3, %get3A_6 : vector<256x144xf32>
    %get3A_7 = arith.constant 0 : index
    %get3A_8 = arith.constant 0 : index
    %get3A_9 = vector.load %arg4[%get3A_7, %get3A_8] : memref<1x144xf32, #tpu.memory_space<vmem>>, vector<1x144xf32>
    %mul3A = vector.broadcast %get3A_9 : vector<1x144xf32> to vector<256x144xf32>
    %mul3A_10 = arith.mulf %sub3A, %mul3A : vector<256x144xf32>
    %convert_element_type3A = arith.truncf %mul3A_10 : vector<256x144xf32> to vector<256x144xbf16>
    %convert_element_type3A_11 = arith.extf %convert_element_type3A : vector<256x144xbf16> to vector<256x144xf32>
    %get3A_12 = arith.constant 0 : index
    %get3A_13 = arith.constant 0 : index
    %get3A_14 = vector.load %arg5[%get3A_12, %get3A_13] : memref<144x128xbf16, #tpu.memory_space<vmem>>, vector<144x128xbf16>
    %dot_general3A = arith.constant dense<0.000000e+00> : vector<256x128xf32>
    %dot_general3A_15 = tpu.matmul %convert_element_type3A_11, %get3A_14, %dot_general3A {dimension_numbers = #tpu.dot_dimension_numbers<[1], [0], [0], [1], [0, 0, 1, 1], [], []>, transpose_lhs_hint = false} : vector<256x144xf32>, vector<144x128xbf16>, vector<256x128xf32> -> vector<256x128xf32>
    %mul3A_16 = arith.constant 0.999994993 : f32
    %mul3A_17 = vector.broadcast %mul3A_16 : f32 to vector<256x128xf32>
    %mul3A_18 = arith.mulf %dot_general3A_15, %mul3A_17 : vector<256x128xf32>
    %max3A = arith.constant 0.000000e+00 : f32
    %max3A_19 = vector.broadcast %max3A : f32 to vector<256x128xf32>
    %max3A_20 = arith.maximumf %mul3A_18, %max3A_19 : vector<256x128xf32>
    %convert_element_type3A_21 = arith.truncf %max3A_20 : vector<256x128xf32> to vector<256x128xbf16>
    %convert_element_type3A_22 = arith.extf %convert_element_type3A_21 : vector<256x128xbf16> to vector<256x128xf32>
    %get3A_23 = arith.constant 0 : index
    %get3A_24 = arith.constant 0 : index
    %get3A_25 = vector.load %arg6[%get3A_23, %get3A_24] : memref<128x128xbf16, #tpu.memory_space<vmem>>, vector<128x128xbf16>
    %dot_general3A_26 = arith.constant dense<0.000000e+00> : vector<256x128xf32>
    %dot_general3A_27 = tpu.matmul %convert_element_type3A_22, %get3A_25, %dot_general3A_26 {dimension_numbers = #tpu.dot_dimension_numbers<[1], [0], [0], [1], [0, 0, 1, 1], [], []>, transpose_lhs_hint = false} : vector<256x128xf32>, vector<128x128xbf16>, vector<256x128xf32> -> vector<256x128xf32>
    %mul3A_28 = arith.constant 0.999994993 : f32
    %mul3A_29 = vector.broadcast %mul3A_28 : f32 to vector<256x128xf32>
    %mul3A_30 = arith.mulf %dot_general3A_27, %mul3A_29 : vector<256x128xf32>
    %max3A_31 = arith.constant 0.000000e+00 : f32
    %max3A_32 = vector.broadcast %max3A_31 : f32 to vector<256x128xf32>
    %max3A_33 = arith.maximumf %mul3A_30, %max3A_32 : vector<256x128xf32>
    %convert_element_type3A_34 = arith.truncf %max3A_33 : vector<256x128xf32> to vector<256x128xbf16>
    %convert_element_type3A_35 = arith.extf %convert_element_type3A_34 : vector<256x128xbf16> to vector<256x128xf32>
    %get3A_36 = arith.constant 0 : index
    %get3A_37 = arith.constant 0 : index
    %get3A_38 = vector.load %arg7[%get3A_36, %get3A_37] : memref<128x256xbf16, #tpu.memory_space<vmem>>, vector<128x256xbf16>
    %dot_general3A_39 = arith.constant dense<0.000000e+00> : vector<256x256xf32>
    %dot_general3A_40 = tpu.matmul %convert_element_type3A_35, %get3A_38, %dot_general3A_39 {dimension_numbers = #tpu.dot_dimension_numbers<[1], [0], [0], [1], [0, 0, 1, 1], [], []>, transpose_lhs_hint = false} : vector<256x128xf32>, vector<128x256xbf16>, vector<256x256xf32> -> vector<256x256xf32>
    %mul3A_41 = arith.constant 0.999994993 : f32
    %mul3A_42 = vector.broadcast %mul3A_41 : f32 to vector<256x256xf32>
    %mul3A_43 = arith.mulf %dot_general3A_40, %mul3A_42 : vector<256x256xf32>
    %max3A_44 = arith.constant 0.000000e+00 : f32
    %max3A_45 = vector.broadcast %max3A_44 : f32 to vector<256x256xf32>
    %max3A_46 = arith.maximumf %mul3A_43, %max3A_45 : vector<256x256xf32>
    %eq3A = arith.constant 0 : i32
    %eq3A_47 = arith.cmpi eq, %arg1, %eq3A : i32
    %convert_element_type3A_48 = arith.extui %eq3A_47 : i1 to i32
    %cond3A = arith.constant 0 : i32
    %cond3A_49 = arith.cmpi ne, %convert_element_type3A_48, %cond3A : i32
    scf.if %cond3A_49 {
      %swap3A = arith.constant 0 : index
      %swap3A_54 = arith.constant 0 : index
      %swap3A_55 = vector.load %arg8[%swap3A, %swap3A_54] : memref<256x256xf32, #tpu.memory_space<vmem>>, vector<256x256xf32>
      tpu.vector_store %arg8[%swap3A, %swap3A_54], %max3A_46 {strides = array<i32>} : memref<256x256xf32, #tpu.memory_space<vmem>>, vector<256x256xf32>,
    } else {
    }
    %gt3A = arith.constant 0 : i32
    %gt3A_50 = arith.cmpi sgt, %arg1, %gt3A : i32
    %convert_element_type3A_51 = arith.extui %gt3A_50 : i1 to i32
    %cond3A_52 = arith.constant 0 : i32
    %cond3A_53 = arith.cmpi ne, %convert_element_type3A_51, %cond3A_52 : i32
    scf.if %cond3A_53 {
      %get3A_54 = arith.constant 0 : index
      %get3A_55 = arith.constant 0 : index
      %get3A_56 = vector.load %arg8[%get3A_54, %get3A_55] : memref<256x256xf32, #tpu.memory_space<vmem>>, vector<256x256xf32>
      %max3A_57 = arith.maximumf %get3A_56, %max3A_46 : vector<256x256xf32>
      %swap3A = arith.constant 0 : index
      %swap3A_58 = arith.constant 0 : index
      %swap3A_59 = vector.load %arg8[%swap3A, %swap3A_58] : memref<256x256xf32, #tpu.memory_space<vmem>>, vector<256x256xf32>
      tpu.vector_store %arg8[%swap3A, %swap3A_58], %max3A_57 {strides = array<i32>} : memref<256x256xf32, #tpu.memory_space<vmem>>, vector<256x256xf32>,
    } else {
    }
    return
  }
  func.func @transform_0(%arg0: i32, %arg1: i32) -> (i32, i32, i32) {
    %c0_i32 = arith.constant 0 : i32
    %c0_i32_0 = arith.constant 0 : i32
    return %arg1, %arg0, %c0_i32 : i32, i32, i32
  }
  func.func @transform_1(%arg0: i32, %arg1: i32) -> (i32, i32) {
    %c0_i32 = arith.constant 0 : i32
    %c0_i32_0 = arith.constant 0 : i32
    return %arg0, %c0_i32 : i32, i32
  }
  func.func @transform_2(%arg0: i32, %arg1: i32) -> (i32, i32) {
    %c0_i32 = arith.constant 0 : i32
    %c0_i32_0 = arith.constant 0 : i32
    %c0_i32_1 = arith.constant 0 : i32
    return %c0_i32, %c0_i32_0 : i32, i32
  }
  func.func @transform_3(%arg0: i32, %arg1: i32) -> (i32, i32) {
    %c0_i32 = arith.constant 0 : i32
    %c0_i32_0 = arith.constant 0 : i32
    %c0_i32_1 = arith.constant 0 : i32
    return %c0_i32, %c0_i32_0 : i32, i32
  }
  func.func @transform_4(%arg0: i32, %arg1: i32) -> (i32, i32) {
    %c0_i32 = arith.constant 0 : i32
    %c0_i32_0 = arith.constant 0 : i32
    %c0_i32_1 = arith.constant 0 : i32
    return %c0_i32, %c0_i32_0 : i32, i32
  }
  func.func @transform_5(%arg0: i32, %arg1: i32) -> (i32, i32) {
    %c0_i32 = arith.constant 0 : i32
    %c0_i32_0 = arith.constant 0 : i32
    %c0_i32_1 = arith.constant 0 : i32
    return %c0_i32, %c0_i32_0 : i32, i32
  }
  func.func @transform_6(%arg0: i32, %arg1: i32) -> (i32, i32) {
    %c0_i32 = arith.constant 0 : i32
    %c0_i32_0 = arith.constant 0 : i32
    return %arg0, %c0_i32 : i32, i32
  }
}

module attributes {stable_mosaic.version = 14 : i64} {
  func.func @_tproj_body(%arg0: i32, %arg1: i32, %arg2: memref<1x256x256xf32, #tpu.memory_space<vmem>>, %arg3: memref<1x256x16xf32, #tpu.memory_space<vmem>>, %arg4: memref<256x256xbf16, #tpu.memory_space<vmem>>, %arg5: memref<1x256xf32, #tpu.memory_space<vmem>>, %arg6: memref<256x256xbf16, #tpu.memory_space<vmem>>, %arg7: memref<256x256xbf16, #tpu.memory_space<vmem>>, %arg8: memref<256x256xbf16, #tpu.memory_space<vmem>>, %arg9: memref<1x256x256xf32, #tpu.memory_space<vmem>>, %arg10: memref<1x256x528xf32, #tpu.memory_space<vmem>>) attributes {dimension_semantics = [#tpu.dimension_semantics<arbitrary>, #tpu.dimension_semantics<arbitrary>], iteration_bounds = array<i64: 4, 4>, scalar_prefetch = 0 : i64, scratch_operands = 0 : i64, tpu.core_type = #tpu.core_type<tc>, window_params = [{transform_indices = @transform_0, window_bounds = array<i64: 1, 256, 256>}, {transform_indices = @transform_1, window_bounds = array<i64: 1, 256, 16>}, {pipeline_mode = #tpu.pipeline_mode<synchronous>, transform_indices = @transform_2, window_bounds = array<i64: 256, 256>}, {pipeline_mode = #tpu.pipeline_mode<synchronous>, transform_indices = @transform_3, window_bounds = array<i64: 1, 256>}, {pipeline_mode = #tpu.pipeline_mode<synchronous>, transform_indices = @transform_4, window_bounds = array<i64: 256, 256>}, {pipeline_mode = #tpu.pipeline_mode<synchronous>, transform_indices = @transform_5, window_bounds = array<i64: 256, 256>}, {pipeline_mode = #tpu.pipeline_mode<synchronous>, transform_indices = @transform_6, window_bounds = array<i64: 256, 256>}, {transform_indices = @transform_7, window_bounds = array<i64: 1, 256, 256>}, {transform_indices = @transform_8, window_bounds = array<i64: 1, 256, 528>}]} {
    %get3A = arith.constant 0 : index
    %get3A_0 = arith.constant 0 : index
    %get3A_1 = arith.constant 0 : index
    %get3A_2 = vector.load %arg2[%get3A, %get3A_0, %get3A_1] : memref<1x256x256xf32, #tpu.memory_space<vmem>>, vector<1x256x256xf32>
    %get3A_3 = vector.shape_cast %get3A_2 : vector<1x256x256xf32> to vector<256x256xf32>
    %convert_element_type3A = arith.truncf %get3A_3 : vector<256x256xf32> to vector<256x256xbf16>
    %convert_element_type3A_4 = arith.extf %convert_element_type3A : vector<256x256xbf16> to vector<256x256xf32>
    %get3A_5 = arith.constant 0 : index
    %get3A_6 = arith.constant 0 : index
    %get3A_7 = vector.load %arg4[%get3A_5, %get3A_6] : memref<256x256xbf16, #tpu.memory_space<vmem>>, vector<256x256xbf16>
    %dot_general3A = arith.constant dense<0.000000e+00> : vector<256x256xf32>
    %dot_general3A_8 = tpu.matmul %convert_element_type3A_4, %get3A_7, %dot_general3A {dimension_numbers = #tpu.dot_dimension_numbers<[1], [0], [0], [1], [0, 0, 1, 1], [], []>, transpose_lhs_hint = false} : vector<256x256xf32>, vector<256x256xbf16>, vector<256x256xf32> -> vector<256x256xf32>
    %get3A_9 = arith.constant 0 : index
    %get3A_10 = arith.constant 0 : index
    %get3A_11 = vector.load %arg5[%get3A_9, %get3A_10] : memref<1x256xf32, #tpu.memory_space<vmem>>, vector<1x256xf32>
    %add3A = vector.broadcast %get3A_11 : vector<1x256xf32> to vector<256x256xf32>
    %add3A_12 = arith.addf %dot_general3A_8, %add3A : vector<256x256xf32>
    %convert_element_type3A_13 = arith.truncf %add3A_12 : vector<256x256xf32> to vector<256x256xbf16>
    %convert_element_type3A_14 = arith.extf %convert_element_type3A_13 : vector<256x256xbf16> to vector<256x256xf32>
    %get3A_15 = arith.constant 0 : index
    %get3A_16 = arith.constant 0 : index
    %get3A_17 = vector.load %arg6[%get3A_15, %get3A_16] : memref<256x256xbf16, #tpu.memory_space<vmem>>, vector<256x256xbf16>
    %dot_general3A_18 = arith.constant dense<0.000000e+00> : vector<256x256xf32>
    %dot_general3A_19 = tpu.matmul %convert_element_type3A_14, %get3A_17, %dot_general3A_18 {dimension_numbers = #tpu.dot_dimension_numbers<[1], [0], [0], [1], [0, 0, 1, 1], [], []>, transpose_lhs_hint = false} : vector<256x256xf32>, vector<256x256xbf16>, vector<256x256xf32> -> vector<256x256xf32>
    %swap3A = arith.constant 0 : index
    %swap3A_20 = arith.constant 0 : index
    %swap3A_21 = arith.constant 0 : index
    %swap3A_22 = vector.load %arg9[%swap3A, %swap3A_20, %swap3A_21] : memref<1x256x256xf32, #tpu.memory_space<vmem>>, vector<1x256x256xf32>
    %swap3A_23 = vector.shape_cast %swap3A_22 : vector<1x256x256xf32> to vector<256x256xf32>
    %swap3A_24 = vector.shape_cast %dot_general3A_19 : vector<256x256xf32> to vector<1x256x256xf32>
    tpu.vector_store %arg9[%swap3A, %swap3A_20, %swap3A_21], %swap3A_24 {strides = array<i32>} : memref<1x256x256xf32, #tpu.memory_space<vmem>>, vector<1x256x256xf32>,
    %get3A_25 = arith.constant 0 : index
    %get3A_26 = arith.constant 0 : index
    %get3A_27 = vector.load %arg7[%get3A_25, %get3A_26] : memref<256x256xbf16, #tpu.memory_space<vmem>>, vector<256x256xbf16>
    %dot_general3A_28 = arith.constant dense<0.000000e+00> : vector<256x256xf32>
    %dot_general3A_29 = tpu.matmul %convert_element_type3A_14, %get3A_27, %dot_general3A_28 {dimension_numbers = #tpu.dot_dimension_numbers<[1], [0], [0], [1], [0, 0, 1, 1], [], []>, transpose_lhs_hint = false} : vector<256x256xf32>, vector<256x256xbf16>, vector<256x256xf32> -> vector<256x256xf32>
    %get3A_30 = arith.constant 0 : index
    %get3A_31 = arith.constant 0 : index
    %get3A_32 = vector.load %arg8[%get3A_30, %get3A_31] : memref<256x256xbf16, #tpu.memory_space<vmem>>, vector<256x256xbf16>
    %dot_general3A_33 = arith.constant dense<0.000000e+00> : vector<256x256xf32>
    %dot_general3A_34 = tpu.matmul %convert_element_type3A_14, %get3A_32, %dot_general3A_33 {dimension_numbers = #tpu.dot_dimension_numbers<[1], [0], [0], [1], [0, 0, 1, 1], [], []>, transpose_lhs_hint = false} : vector<256x256xf32>, vector<256x256xbf16>, vector<256x256xf32> -> vector<256x256xf32>
    %get3A_35 = arith.constant 0 : index
    %get3A_36 = arith.constant 0 : index
    %get3A_37 = arith.constant 0 : index
    %get3A_38 = vector.load %arg3[%get3A_35, %get3A_36, %get3A_37] : memref<1x256x16xf32, #tpu.memory_space<vmem>>, vector<1x256x16xf32>
    %get3A_39 = vector.shape_cast %get3A_38 : vector<1x256x16xf32> to vector<256x16xf32>
    %concatenate3A = tpu.concatenate %dot_general3A_29, %dot_general3A_34, %get3A_39 in 1 : vector<256x256xf32>, vector<256x256xf32>, vector<256x16xf32> -> vector<256x528xf32>
    %swap3A_40 = arith.constant 0 : index
    %swap3A_41 = arith.constant 0 : index
    %swap3A_42 = arith.constant 0 : index
    %swap3A_43 = vector.load %arg10[%swap3A_40, %swap3A_41, %swap3A_42] : memref<1x256x528xf32, #tpu.memory_space<vmem>>, vector<1x256x528xf32>
    %swap3A_44 = vector.shape_cast %swap3A_43 : vector<1x256x528xf32> to vector<256x528xf32>
    %swap3A_45 = vector.shape_cast %concatenate3A : vector<256x528xf32> to vector<1x256x528xf32>
    tpu.vector_store %arg10[%swap3A_40, %swap3A_41, %swap3A_42], %swap3A_45 {strides = array<i32>} : memref<1x256x528xf32, #tpu.memory_space<vmem>>, vector<1x256x528xf32>,
    return
  }
  func.func @transform_0(%arg0: i32, %arg1: i32) -> (i32, i32, i32) {
    %c0_i32 = arith.constant 0 : i32
    %c0_i32_0 = arith.constant 0 : i32
    return %arg0, %arg1, %c0_i32 : i32, i32, i32
  }
  func.func @transform_1(%arg0: i32, %arg1: i32) -> (i32, i32, i32) {
    %c0_i32 = arith.constant 0 : i32
    %c0_i32_0 = arith.constant 0 : i32
    return %arg0, %arg1, %c0_i32 : i32, i32, i32
  }
  func.func @transform_2(%arg0: i32, %arg1: i32) -> (i32, i32) {
    %c0_i32 = arith.constant 0 : i32
    %c0_i32_0 = arith.constant 0 : i32
    %c0_i32_1 = arith.constant 0 : i32
    return %c0_i32, %c0_i32_0 : i32, i32
  }
  func.func @transform_3(%arg0: i32, %arg1: i32) -> (i32, i32) {
    %c0_i32 = arith.constant 0 : i32
    %c0_i32_0 = arith.constant 0 : i32
    %c0_i32_1 = arith.constant 0 : i32
    return %c0_i32, %c0_i32_0 : i32, i32
  }
  func.func @transform_4(%arg0: i32, %arg1: i32) -> (i32, i32) {
    %c0_i32 = arith.constant 0 : i32
    %c0_i32_0 = arith.constant 0 : i32
    %c0_i32_1 = arith.constant 0 : i32
    return %c0_i32, %c0_i32_0 : i32, i32
  }
  func.func @transform_5(%arg0: i32, %arg1: i32) -> (i32, i32) {
    %c0_i32 = arith.constant 0 : i32
    %c0_i32_0 = arith.constant 0 : i32
    %c0_i32_1 = arith.constant 0 : i32
    return %c0_i32, %c0_i32_0 : i32, i32
  }
  func.func @transform_6(%arg0: i32, %arg1: i32) -> (i32, i32) {
    %c0_i32 = arith.constant 0 : i32
    %c0_i32_0 = arith.constant 0 : i32
    %c0_i32_1 = arith.constant 0 : i32
    return %c0_i32, %c0_i32_0 : i32, i32
  }
  func.func @transform_7(%arg0: i32, %arg1: i32) -> (i32, i32, i32) {
    %c0_i32 = arith.constant 0 : i32
    %c0_i32_0 = arith.constant 0 : i32
    return %arg0, %arg1, %c0_i32 : i32, i32, i32
  }
  func.func @transform_8(%arg0: i32, %arg1: i32) -> (i32, i32, i32) {
    %c0_i32 = arith.constant 0 : i32
    %c0_i32_0 = arith.constant 0 : i32
    return %arg0, %arg1, %c0_i32 : i32, i32, i32
  }
}

module attributes {stable_mosaic.version = 14 : i64} {
  func.func @_tattn_body(%arg0: i32, %arg1: memref<256x528xf32, #tpu.memory_space<vmem>>, %arg2: memref<16x256xf32, #tpu.memory_space<vmem>>, %arg3: memref<16x16xf32, #tpu.memory_space<vmem>>, %arg4: memref<16x256xf32, #tpu.memory_space<vmem>>, %arg5: memref<16x256xbf16, #tpu.memory_space<vmem>>, %arg6: memref<1x256xf32, #tpu.memory_space<vmem>>, %arg7: memref<256x256xbf16, #tpu.memory_space<vmem>>, %arg8: memref<1x256xf32, #tpu.memory_space<vmem>>, %arg9: memref<256x256xbf16, #tpu.memory_space<vmem>>, %arg10: memref<1x256xf32, #tpu.memory_space<vmem>>, %arg11: memref<256x256xbf16, #tpu.memory_space<vmem>>, %arg12: memref<1x256xf32, #tpu.memory_space<vmem>>, %arg13: memref<256x256xbf16, #tpu.memory_space<vmem>>, %arg14: memref<1x256xf32, #tpu.memory_space<vmem>>, %arg15: memref<16x256xf32, #tpu.memory_space<vmem>>) attributes {dimension_semantics = [#tpu.dimension_semantics<arbitrary>], iteration_bounds = array<i64: 256>, scalar_prefetch = 0 : i64, scratch_operands = 0 : i64, tpu.core_type = #tpu.core_type<tc>, window_params = [{transform_indices = @transform_0, window_bounds = array<i64: 256, 528>}, {transform_indices = @transform_1, window_bounds = array<i64: 16, 256>}, {transform_indices = @transform_2, window_bounds = array<i64: 16, 16>}, {transform_indices = @transform_3, window_bounds = array<i64: 16, 256>}, {pipeline_mode = #tpu.pipeline_mode<synchronous>, transform_indices = @transform_4, window_bounds = array<i64: 16, 256>}, {pipeline_mode = #tpu.pipeline_mode<synchronous>, transform_indices = @transform_5, window_bounds = array<i64: 1, 256>}, {pipeline_mode = #tpu.pipeline_mode<synchronous>, transform_indices = @transform_6, window_bounds = array<i64: 256, 256>}, {pipeline_mode = #tpu.pipeline_mode<synchronous>, transform_indices = @transform_7, window_bounds = array<i64: 1, 256>}, {pipeline_mode = #tpu.pipeline_mode<synchronous>, transform_indices = @transform_8, window_bounds = array<i64: 256, 256>}, {pipeline_mode = #tpu.pipeline_mode<synchronous>, transform_indices = @transform_9, window_bounds = array<i64: 1, 256>}, {pipeline_mode = #tpu.pipeline_mode<synchronous>, transform_indices = @transform_10, window_bounds = array<i64: 256, 256>}, {pipeline_mode = #tpu.pipeline_mode<synchronous>, transform_indices = @transform_11, window_bounds = array<i64: 1, 256>}, {pipeline_mode = #tpu.pipeline_mode<synchronous>, transform_indices = @transform_12, window_bounds = array<i64: 256, 256>}, {pipeline_mode = #tpu.pipeline_mode<synchronous>, transform_indices = @transform_13, window_bounds = array<i64: 1, 256>}, {transform_indices = @transform_14, window_bounds = array<i64: 16, 256>}]} {
    %get3A = arith.constant 0 : index
    %get3A_0 = arith.constant 0 : index
    %get3A_1 = vector.load %arg1[%get3A, %get3A_0] : memref<256x528xf32, #tpu.memory_space<vmem>>, vector<256x528xf32>
    %slice3A = vector.extract_strided_slice %get3A_1 {offsets = [0, 0], sizes = [256, 256], strides = [1, 1]} : vector<256x528xf32> to vector<256x256xf32>
    %slice3A_2 = vector.extract_strided_slice %get3A_1 {offsets = [0, 256], sizes = [256, 256], strides = [1, 1]} : vector<256x528xf32> to vector<256x256xf32>
    %slice3A_3 = vector.extract_strided_slice %get3A_1 {offsets = [0, 512], sizes = [256, 16], strides = [1, 1]} : vector<256x528xf32> to vector<256x16xf32>
    %get3A_4 = arith.constant 0 : index
    %get3A_5 = arith.constant 0 : index
    %get3A_6 = vector.load %arg3[%get3A_4, %get3A_5] : memref<16x16xf32, #tpu.memory_space<vmem>>, vector<16x16xf32>
    %broadcast_in_dim3A = vector.shape_cast %get3A_6 : vector<16x16xf32> to vector<16x1x16xf32>
    %broadcast_in_dim3A_7 = vector.shape_cast %broadcast_in_dim3A : vector<16x1x16xf32> to vector<16x1x16xf32>
    %broadcast_in_dim3A_8 = vector.broadcast %broadcast_in_dim3A_7 : vector<16x1x16xf32> to vector<16x16x16xf32>
    %reshape3A = vector.shape_cast %broadcast_in_dim3A_8 : vector<16x16x16xf32> to vector<256x16xf32>
    %sub3A = arith.subf %reshape3A, %slice3A_3 : vector<256x16xf32>
    %convert_element_type3A = arith.truncf %sub3A : vector<256x16xf32> to vector<256x16xbf16>
    %convert_element_type3A_9 = arith.extf %convert_element_type3A : vector<256x16xbf16> to vector<256x16xf32>
    %get3A_10 = arith.constant 0 : index
    %get3A_11 = arith.constant 0 : index
    %get3A_12 = vector.load %arg5[%get3A_10, %get3A_11] : memref<16x256xbf16, #tpu.memory_space<vmem>>, vector<16x256xbf16>
    %dot_general3A = arith.constant dense<0.000000e+00> : vector<256x256xf32>
    %dot_general3A_13 = tpu.matmul %convert_element_type3A_9, %get3A_12, %dot_general3A {dimension_numbers = #tpu.dot_dimension_numbers<[1], [0], [0], [1], [0, 0, 1, 1], [], []>, transpose_lhs_hint = false} : vector<256x16xf32>, vector<16x256xbf16>, vector<256x256xf32> -> vector<256x256xf32>
    %get3A_14 = arith.constant 0 : index
    %get3A_15 = arith.constant 0 : index
    %get3A_16 = vector.load %arg6[%get3A_14, %get3A_15] : memref<1x256xf32, #tpu.memory_space<vmem>>, vector<1x256xf32>
    %add3A = vector.broadcast %get3A_16 : vector<1x256xf32> to vector<256x256xf32>
    %add3A_17 = arith.addf %dot_general3A_13, %add3A : vector<256x256xf32>
    %max3A = arith.constant 0.000000e+00 : f32
    %max3A_18 = vector.broadcast %max3A : f32 to vector<256x256xf32>
    %max3A_19 = arith.maximumf %add3A_17, %max3A_18 : vector<256x256xf32>
    %convert_element_type3A_20 = arith.truncf %max3A_19 : vector<256x256xf32> to vector<256x256xbf16>
    %convert_element_type3A_21 = arith.extf %convert_element_type3A_20 : vector<256x256xbf16> to vector<256x256xf32>
    %get3A_22 = arith.constant 0 : index
    %get3A_23 = arith.constant 0 : index
    %get3A_24 = vector.load %arg7[%get3A_22, %get3A_23] : memref<256x256xbf16, #tpu.memory_space<vmem>>, vector<256x256xbf16>
    %dot_general3A_25 = arith.constant dense<0.000000e+00> : vector<256x256xf32>
    %dot_general3A_26 = tpu.matmul %convert_element_type3A_21, %get3A_24, %dot_general3A_25 {dimension_numbers = #tpu.dot_dimension_numbers<[1], [0], [0], [1], [0, 0, 1, 1], [], []>, transpose_lhs_hint = false} : vector<256x256xf32>, vector<256x256xbf16>, vector<256x256xf32> -> vector<256x256xf32>
    %get3A_27 = arith.constant 0 : index
    %get3A_28 = arith.constant 0 : index
    %get3A_29 = vector.load %arg8[%get3A_27, %get3A_28] : memref<1x256xf32, #tpu.memory_space<vmem>>, vector<1x256xf32>
    %add3A_30 = vector.broadcast %get3A_29 : vector<1x256xf32> to vector<256x256xf32>
    %add3A_31 = arith.addf %dot_general3A_26, %add3A_30 : vector<256x256xf32>
    %get3A_32 = arith.constant 0 : index
    %get3A_33 = arith.constant 0 : index
    %get3A_34 = vector.load %arg2[%get3A_32, %get3A_33] : memref<16x256xf32, #tpu.memory_space<vmem>>, vector<16x256xf32>
    %broadcast_in_dim3A_35 = vector.shape_cast %get3A_34 : vector<16x256xf32> to vector<16x1x256xf32>
    %broadcast_in_dim3A_36 = vector.shape_cast %broadcast_in_dim3A_35 : vector<16x1x256xf32> to vector<16x1x256xf32>
    %broadcast_in_dim3A_37 = vector.broadcast %broadcast_in_dim3A_36 : vector<16x1x256xf32> to vector<16x16x256xf32>
    %reshape3A_38 = vector.shape_cast %broadcast_in_dim3A_37 : vector<16x16x256xf32> to vector<256x256xf32>
    %sub3A_39 = arith.subf %reshape3A_38, %slice3A : vector<256x256xf32>
    %add3A_40 = arith.addf %sub3A_39, %add3A_31 : vector<256x256xf32>
    %convert_element_type3A_41 = arith.truncf %add3A_40 : vector<256x256xf32> to vector<256x256xbf16>
    %convert_element_type3A_42 = arith.extf %convert_element_type3A_41 : vector<256x256xbf16> to vector<256x256xf32>
    %get3A_43 = arith.constant 0 : index
    %get3A_44 = arith.constant 0 : index
    %get3A_45 = vector.load %arg9[%get3A_43, %get3A_44] : memref<256x256xbf16, #tpu.memory_space<vmem>>, vector<256x256xbf16>
    %dot_general3A_46 = arith.constant dense<0.000000e+00> : vector<256x256xf32>
    %dot_general3A_47 = tpu.matmul %convert_element_type3A_42, %get3A_45, %dot_general3A_46 {dimension_numbers = #tpu.dot_dimension_numbers<[1], [0], [0], [1], [0, 0, 1, 1], [], []>, transpose_lhs_hint = false} : vector<256x256xf32>, vector<256x256xbf16>, vector<256x256xf32> -> vector<256x256xf32>
    %get3A_48 = arith.constant 0 : index
    %get3A_49 = arith.constant 0 : index
    %get3A_50 = vector.load %arg10[%get3A_48, %get3A_49] : memref<1x256xf32, #tpu.memory_space<vmem>>, vector<1x256xf32>
    %add3A_51 = vector.broadcast %get3A_50 : vector<1x256xf32> to vector<256x256xf32>
    %add3A_52 = arith.addf %dot_general3A_47, %add3A_51 : vector<256x256xf32>
    %max3A_53 = arith.constant 0.000000e+00 : f32
    %max3A_54 = vector.broadcast %max3A_53 : f32 to vector<256x256xf32>
    %max3A_55 = arith.maximumf %add3A_52, %max3A_54 : vector<256x256xf32>
    %convert_element_type3A_56 = arith.truncf %max3A_55 : vector<256x256xf32> to vector<256x256xbf16>
    %convert_element_type3A_57 = arith.extf %convert_element_type3A_56 : vector<256x256xbf16> to vector<256x256xf32>
    %get3A_58 = arith.constant 0 : index
    %get3A_59 = arith.constant 0 : index
    %get3A_60 = vector.load %arg11[%get3A_58, %get3A_59] : memref<256x256xbf16, #tpu.memory_space<vmem>>, vector<256x256xbf16>
    %dot_general3A_61 = arith.constant dense<0.000000e+00> : vector<256x256xf32>
    %dot_general3A_62 = tpu.matmul %convert_element_type3A_57, %get3A_60, %dot_general3A_61 {dimension_numbers = #tpu.dot_dimension_numbers<[1], [0], [0], [1], [0, 0, 1, 1], [], []>, transpose_lhs_hint = false} : vector<256x256xf32>, vector<256x256xbf16>, vector<256x256xf32> -> vector<256x256xf32>
    %get3A_63 = arith.constant 0 : index
    %get3A_64 = arith.constant 0 : index
    %get3A_65 = vector.load %arg12[%get3A_63, %get3A_64] : memref<1x256xf32, #tpu.memory_space<vmem>>, vector<1x256xf32>
    %add3A_66 = vector.broadcast %get3A_65 : vector<1x256xf32> to vector<256x256xf32>
    %add3A_67 = arith.addf %dot_general3A_62, %add3A_66 : vector<256x256xf32>
    %mul3A = arith.constant 6.250000e-02 : f32
    %mul3A_68 = vector.broadcast %mul3A : f32 to vector<256x256xf32>
    %mul3A_69 = arith.mulf %add3A_67, %mul3A_68 : vector<256x256xf32>
    %reshape3A_70 = vector.shape_cast %mul3A_69 : vector<256x256xf32> to vector<16x16x256xf32>
    %reduce_max3A = arith.constant dense<0xFF800000> : vector<16x256xf32>
    %reduce_max3A_71 = vector.multi_reduction <maximumf>, %reshape3A_70, %reduce_max3A [1] : vector<16x16x256xf32> to vector<16x256xf32>
    %broadcast_in_dim3A_72 = vector.shape_cast %reduce_max3A_71 : vector<16x256xf32> to vector<16x1x256xf32>
    %sub3A_73 = vector.broadcast %broadcast_in_dim3A_72 : vector<16x1x256xf32> to vector<16x16x256xf32>
    %sub3A_74 = arith.subf %reshape3A_70, %sub3A_73 : vector<16x16x256xf32>
    %exp3A = math.exp %sub3A_74 : vector<16x16x256xf32>
    %reduce_sum3A = arith.constant dense<0.000000e+00> : vector<16x256xf32>
    %reduce_sum3A_75 = vector.multi_reduction <add>, %exp3A, %reduce_sum3A [1] : vector<16x16x256xf32> to vector<16x256xf32>
    %broadcast_in_dim3A_76 = vector.shape_cast %reduce_sum3A_75 : vector<16x256xf32> to vector<16x1x256xf32>
    %div3A = vector.broadcast %broadcast_in_dim3A_76 : vector<16x1x256xf32> to vector<16x16x256xf32>
    %div3A_77 = arith.divf %exp3A, %div3A : vector<16x16x256xf32>
    %add3A_78 = arith.addf %slice3A_2, %add3A_31 : vector<256x256xf32>
    %reshape3A_79 = vector.shape_cast %add3A_78 : vector<256x256xf32> to vector<16x16x256xf32>
    %mul3A_80 = arith.mulf %div3A_77, %reshape3A_79 : vector<16x16x256xf32>
    %reduce_sum3A_81 = arith.constant dense<0.000000e+00> : vector<16x256xf32>
    %reduce_sum3A_82 = vector.multi_reduction <add>, %mul3A_80, %reduce_sum3A_81 [1] : vector<16x16x256xf32> to vector<16x256xf32>
    %convert_element_type3A_83 = arith.truncf %reduce_sum3A_82 : vector<16x256xf32> to vector<16x256xbf16>
    %convert_element_type3A_84 = arith.extf %convert_element_type3A_83 : vector<16x256xbf16> to vector<16x256xf32>
    %get3A_85 = arith.constant 0 : index
    %get3A_86 = arith.constant 0 : index
    %get3A_87 = vector.load %arg13[%get3A_85, %get3A_86] : memref<256x256xbf16, #tpu.memory_space<vmem>>, vector<256x256xbf16>
    %dot_general3A_88 = arith.constant dense<0.000000e+00> : vector<16x256xf32>
    %dot_general3A_89 = tpu.matmul %convert_element_type3A_84, %get3A_87, %dot_general3A_88 {dimension_numbers = #tpu.dot_dimension_numbers<[1], [0], [0], [1], [0, 0, 1, 1], [], []>, transpose_lhs_hint = false} : vector<16x256xf32>, vector<256x256xbf16>, vector<16x256xf32> -> vector<16x256xf32>
    %get3A_90 = arith.constant 0 : index
    %get3A_91 = arith.constant 0 : index
    %get3A_92 = vector.load %arg14[%get3A_90, %get3A_91] : memref<1x256xf32, #tpu.memory_space<vmem>>, vector<1x256xf32>
    %add3A_93 = vector.broadcast %get3A_92 : vector<1x256xf32> to vector<16x256xf32>
    %add3A_94 = arith.addf %dot_general3A_89, %add3A_93 : vector<16x256xf32>
    %get3A_95 = arith.constant 0 : index
    %get3A_96 = arith.constant 0 : index
    %get3A_97 = vector.load %arg4[%get3A_95, %get3A_96] : memref<16x256xf32, #tpu.memory_space<vmem>>, vector<16x256xf32>
    %add3A_98 = arith.addf %add3A_94, %get3A_97 : vector<16x256xf32>
    %swap3A = arith.constant 0 : index
    %swap3A_99 = arith.constant 0 : index
    %swap3A_100 = vector.load %arg15[%swap3A, %swap3A_99] : memref<16x256xf32, #tpu.memory_space<vmem>>, vector<16x256xf32>
    tpu.vector_store %arg15[%swap3A, %swap3A_99], %add3A_98 {strides = array<i32>} : memref<16x256xf32, #tpu.memory_space<vmem>>, vector<16x256xf32>,
    return
  }
  func.func @transform_0(%arg0: i32) -> (i32, i32) {
    %c0_i32 = arith.constant 0 : i32
    %c0_i32_0 = arith.constant 0 : i32
    return %arg0, %c0_i32 : i32, i32
  }
  func.func @transform_1(%arg0: i32) -> (i32, i32) {
    %c0_i32 = arith.constant 0 : i32
    %c0_i32_0 = arith.constant 0 : i32
    return %arg0, %c0_i32 : i32, i32
  }
  func.func @transform_2(%arg0: i32) -> (i32, i32) {
    %c0_i32 = arith.constant 0 : i32
    %c0_i32_0 = arith.constant 0 : i32
    return %arg0, %c0_i32 : i32, i32
  }
  func.func @transform_3(%arg0: i32) -> (i32, i32) {
    %c0_i32 = arith.constant 0 : i32
    %c0_i32_0 = arith.constant 0 : i32
    return %arg0, %c0_i32 : i32, i32
  }
  func.func @transform_4(%arg0: i32) -> (i32, i32) {
    %c0_i32 = arith.constant 0 : i32
    %c0_i32_0 = arith.constant 0 : i32
    %c0_i32_1 = arith.constant 0 : i32
    return %c0_i32, %c0_i32_0 : i32, i32
  }
  func.func @transform_5(%arg0: i32) -> (i32, i32) {
    %c0_i32 = arith.constant 0 : i32
    %c0_i32_0 = arith.constant 0 : i32
    %c0_i32_1 = arith.constant 0 : i32
    return %c0_i32, %c0_i32_0 : i32, i32
  }
  func.func @transform_6(%arg0: i32) -> (i32, i32) {
    %c0_i32 = arith.constant 0 : i32
    %c0_i32_0 = arith.constant 0 : i32
    %c0_i32_1 = arith.constant 0 : i32
    return %c0_i32, %c0_i32_0 : i32, i32
  }
  func.func @transform_7(%arg0: i32) -> (i32, i32) {
    %c0_i32 = arith.constant 0 : i32
    %c0_i32_0 = arith.constant 0 : i32
    %c0_i32_1 = arith.constant 0 : i32
    return %c0_i32, %c0_i32_0 : i32, i32
  }
  func.func @transform_8(%arg0: i32) -> (i32, i32) {
    %c0_i32 = arith.constant 0 : i32
    %c0_i32_0 = arith.constant 0 : i32
    %c0_i32_1 = arith.constant 0 : i32
    return %c0_i32, %c0_i32_0 : i32, i32
  }
  func.func @transform_9(%arg0: i32) -> (i32, i32) {
    %c0_i32 = arith.constant 0 : i32
    %c0_i32_0 = arith.constant 0 : i32
    %c0_i32_1 = arith.constant 0 : i32
    return %c0_i32, %c0_i32_0 : i32, i32
  }
  func.func @transform_10(%arg0: i32) -> (i32, i32) {
    %c0_i32 = arith.constant 0 : i32
    %c0_i32_0 = arith.constant 0 : i32
    %c0_i32_1 = arith.constant 0 : i32
    return %c0_i32, %c0_i32_0 : i32, i32
  }
  func.func @transform_11(%arg0: i32) -> (i32, i32) {
    %c0_i32 = arith.constant 0 : i32
    %c0_i32_0 = arith.constant 0 : i32
    %c0_i32_1 = arith.constant 0 : i32
    return %c0_i32, %c0_i32_0 : i32, i32
  }
  func.func @transform_12(%arg0: i32) -> (i32, i32) {
    %c0_i32 = arith.constant 0 : i32
    %c0_i32_0 = arith.constant 0 : i32
    %c0_i32_1 = arith.constant 0 : i32
    return %c0_i32, %c0_i32_0 : i32, i32
  }
  func.func @transform_13(%arg0: i32) -> (i32, i32) {
    %c0_i32 = arith.constant 0 : i32
    %c0_i32_0 = arith.constant 0 : i32
    %c0_i32_1 = arith.constant 0 : i32
    return %c0_i32, %c0_i32_0 : i32, i32
  }
  func.func @transform_14(%arg0: i32) -> (i32, i32) {
    %c0_i32 = arith.constant 0 : i32
    %c0_i32_0 = arith.constant 0 : i32
    return %arg0, %c0_i32 : i32, i32
  }
}

</mosaic_0001>

<sc_bundles>
// kernel: kernel.18.cloned.1.call-start
scs
__scs_entry_jumppad:
0x0: {  	(pc) =	sbr.rel $0x88, $3  }
0x1: {  	(tag) =	ssettag $0x0;
	lr =	simm.s32 $0x1  }
0x2: {  	[smem:$0x3F7C] =	sst lr;
	_ =	strace $0xD0000000  }
0x3: {  	_ = 	snop  }
0x4: {  	_ = 	snop  }
0x5: {  	_ = 	snop  }
0x6: {  	_ = 	snop  }
0x7: {  	_ = 	snop  }
__scs_overlays_trampoline_lowered:
0x8: {  	[smem:$0x3F8B] =	sst s0  }
0x9: {  	[smem:$0x3F8C] =	sst s1  }
0xa: {  	[smem:$0x3F8D] =	sst s2  }
0xb: {  	[smem:$0x3F8E] =	sst s3  }
0xc: {  	[smem:$0x3F8F] =	sst s4  }
0xd: {  	[smem:$0x3F90] =	sst s5  }
0xe: {  	[smem:$0x3F91] =	sst s6  }
0xf: {  	[smem:$0x3F92] =	sst s7  }
0x10: {  	[smem:$0x3F93] =	sst s8  }
0x11: {  	[smem:$0x3F94] =	sst s9;
	s0 =	simm.s32 @!p0 $0x0  }
0x12: {  	s1 =	sld [smem:$0x3F7A];
	s0 =	simm.s32 @p0 $0x1  }
0x13: {  	[smem:$0x3F95] =	sst s0;
	s0 =	simm.s32 @!p1 $0x0  }
0x14: {  	s2 =	sld [smem:$0x3F79];
	s0 =	simm.s32 @p1 $0x1  }
0x15: {  	[smem:$0x3F96] =	sst s0;
	s0 =	simm.s32 @!p2 $0x0  }
0x16: {  	s3 =	sld [smem:$0x3FDB];
	s0 =	simm.s32 @p2 $0x1  }
0x17: {  	s4 =	simm.s32 $0x1BF5;
	[smem:$0x3F98] =	sst s0  }
0x18: {  	s0 =	sld [smem:$0x3F7B];
	_ =	swait.ge [sflag:s4], $0x0  }
0x19: {  	s7 =	sld [smem:$0x3F7C]  }
0x1a: {  	s8 =	sadd.s32 $0xFFFFE003, lr  }
0x1b: {  	s9 =	sadd.s32 $0xFFFFFEF7, lr;
	s5 =	simm.s32 $0xFFFFFFFF;
	p2 =	slt.u32 s8, $0xFFFFF086  }
0x1c: {  	p1 =	slt.u32 s9, $0xF7A;
	s5 =	simm.s32 @!p2 $0x0  }
0x1d: {  	s5 =	simm.s32 @p1 $0x1;
	p0 =	seq.s32 s7, s2  }
0x1e: {  	s7 =	smul.u32 @!p0 $0xF7A, s2;
	p2 =	seq.s32 @!p0 s5, $0x0  }
0x1f: {  	s9 =	smul.u32 $0xF7A, s1;
	s8 =	simm.s32 @!p0 $0x1BF5;
	p2 =	por !p2, p0  }
0x20: {  	[sflag:s8] =	ssyncset.s32 @!p0 $0xFFFFF086;
	s6 =	sadd.s32 @!p0 s3, s7;
	s7 =	simm.s32 @!p0 $0x108  }
0x21: {  	s3 =	sadd.s32 s3, s9;
	s6 =	sadd.s32 @!p0 $0x88, s6;
	s7 =	simm.s32 @p2 $0x1082  }
0x22: {  	[simem:s7], [sflag:s8] =	dma.local @!p0 [hbm:s6], $0xF7A  }
0x23: {  	s9 =	sor.u32 $0xD0000000, s2;
	s6 =	simm.s32 $0x108;
	_ =	swait.ge @!p0 [sflag:s8], $0x0  }
0x24: {  	s3 =	sadd.s32 $0x88, s3;
	s6 =	simm.s32 @!p1 $0x1082;
	[sflag:s4] =	ssyncset.s32 $0xFFFFF086  }
0x25: {  	[simem:s6], [sflag:s4] =	dma.local [hbm:s3], $0xF7A  }
0x26: {  	[smem:$0x3F7C] =	sst s1;
	(tag) =	ssettag s2;
	_ =	strace s9  }
0x27: {  	s1 =	sld [smem:$0x3F8C]  }
0x28: {  	s2 =	sld [smem:$0x3F8D]  }
0x29: {  	s4 =	sld [smem:$0x3F8F]  }
0x2a: {  	p0 =	seq.s32 s5, $0x0;
	s5 =	sld [smem:$0x3F90]  }
0x2b: {  	s6 =	sld [smem:$0x3F91]  }
0x2c: {  	s7 =	sld [smem:$0x3F92]  }
0x2d: {  	s3 =	simm.s32 $0x108;
	s8 =	sld [smem:$0x3F93]  }
0x2e: {  	s3 =	simm.s32 @!p0 $0x1082;
	s9 =	sld [smem:$0x3F94]  }
0x2f: {  	lr =	sadd.s32 s0, s3;
	s0 =	sld [smem:$0x3F8B]  }
0x30: {  	s3 =	sld [smem:$0x3F8E]  }
0x31: {  	[smem:$0x3F97] =	sst s10  }
0x32: {  	s10 =	sld [smem:$0x3F95];
	_ =	sdelay $0x3  }
0x33: {  	p0 =	seq.s32 s10, $0x1;
	s10 =	sld [smem:$0x3F97];
	_ =	sdelay $0x3  }
0x34: {  	[smem:$0x3F97] =	sst s10  }
0x35: {  	s10 =	sld [smem:$0x3F96];
	_ =	sdelay $0x3  }
0x36: {  	p1 =	seq.s32 s10, $0x1;
	s10 =	sld [smem:$0x3F97];
	_ =	sdelay $0x3  }
0x37: {  	[smem:$0x3F97] =	sst s10  }
0x38: {  	s10 =	sld [smem:$0x3F98]  }
0x39: {  	_ = 	snop;
	(pc) =	sbr.ind lr, $3  }
0x3a: {  	_ = 	snop  }
0x3b: {  	_ = 	snop  }
0x3c: {  	p2 =	seq.s32 s10, $0x1;
	s10 =	sld [smem:$0x3F97]  }
0x3d: {  	_ =	shalt  }
0x3e: {  	_ =	shalt  }
0x3f: {  	_ =	shalt  }
0x40: {  	_ =	shalt  }
0x41: {  	_ =	shalt  }
0x42: {  	_ =	shalt  }
0x43: {  	_ =	shalt  }
0x44: {  	_ =	shalt  }
0x45: {  	_ =	shalt  }
0x46: {  	_ =	shalt  }
0x47: {  	_ =	shalt  }
0x48: {  	_ =	shalt  }
0x49: {  	_ =	shalt  }
0x4a: {  	_ =	shalt  }
0x4b: {  	_ =	shalt  }
0x4c: {  	_ =	shalt  }
0x4d: {  	_ =	shalt  }
0x4e: {  	_ =	shalt  }
0x4f: {  	_ =	shalt  }
0x50: {  	_ =	shalt  }
0x51: {  	_ =	shalt  }
0x52: {  	_ =	shalt  }
0x53: {  	_ =	shalt  }
0x54: {  	_ =	shalt  }
0x55: {  	_ =	shalt  }
0x56: {  	_ =	shalt  }
0x57: {  	_ =	shalt  }
0x58: {  	_ =	shalt  }
0x59: {  	_ =	shalt  }
0x5a: {  	_ =	shalt  }
0x5b: {  	_ =	shalt  }
0x5c: {  	_ =	shalt  }
0x5d: {  	_ =	shalt  }
0x5e: {  	_ =	shalt  }
0x5f: {  	_ =	shalt  }
0x60: {  	_ =	shalt  }
0x61: {  	_ =	shalt  }
0x62: {  	_ =	shalt  }
0x63: {  	_ =	shalt  }
0x64: {  	_ =	shalt  }
0x65: {  	_ =	shalt  }
0x66: {  	_ =	shalt  }
0x67: {  	_ =	shalt  }
0x68: {  	_ =	shalt  }
0x69: {  	_ =	shalt  }
0x6a: {  	_ =	shalt  }
0x6b: {  	_ =	shalt  }
0x6c: {  	_ =	shalt  }
0x6d: {  	_ =	shalt  }
0x6e: {  	_ =	shalt  }
0x6f: {  	_ =	shalt  }
0x70: {  	_ =	shalt  }
0x71: {  	_ =	shalt  }
0x72: {  	_ =	shalt  }
0x73: {  	_ =	shalt  }
0x74: {  	_ =	shalt  }
0x75: {  	_ =	shalt  }
0x76: {  	_ =	shalt  }
0x77: {  	_ =	shalt  }
0x78: {  	_ =	shalt  }
0x79: {  	_ =	shalt  }
0x7a: {  	_ =	shalt  }
0x7b: {  	_ =	shalt  }
0x7c: {  	_ =	shalt  }
0x7d: {  	_ =	shalt  }
0x7e: {  	_ =	shalt  }
0x7f: {  	_ =	shalt  }
0x80: {  	_ =	shalt  }
0x81: {  	_ =	shalt  }
0x82: {  	_ =	shalt  }
0x83: {  	_ =	shalt  }
0x84: {  	_ =	shalt  }
0x85: {  	_ =	shalt  }
0x86: {  	_ =	shalt  }
0x87: {  	_ =	shalt  }
.Lfunc_end0:
.L_simem_size_0:
called_computation_lowered:
.L_overlay_start_0:
0x88: {  	s2 =	sld [smem:$0x3FD9]  }
0x89: {  	s3 =	sld [smem:$0x3FFE];
	_ =	sdelay $0x1  }
0x8a: {  	s1 =	srdreg.scid  }
0x8b: {  	s0 =	sand.u32 $0x1, s1  }
0x8c: {  	s14 =	sshll.u32 s0, $0xA;
	s2 =	sadd.s32 s3, s2  }
0x8d: {  	s2 =	sadd.s32 s2, s14  }
0x8e: {  	[smem:$0x3FA3] =	sst s2  }
0x8f: {  	_ = 	snop  }
0x90: {  	s2 =	sld [smem:$0x3FD0];
	_ =	sdelay $0x2  }
0x91: {  	s15 =	simm.s32 $0xA;
	s4 =	simm.s32 $0x10  }
0x92: {  	[smem:s4], [sflag:s15] =	dma.local [hbm:s2], $0x1  }
0x93: {  	_ =	swait.eq [sflag:s15], $0x1  }
0x94: {  	[sflag:s15] =	ssyncset.done $0x0  }
0x95: {  	[sflag:s15] =	ssyncadd.s32 $0xFFFFFFFF  }
0x96: {  	s16 =	sld [smem:$0x10];
	(tm) =	ssettm $0x1  }
0x97: {  	s17 =	sld [smem:$0x3FFB];
	_ =	sdelay $0x3  }
0x98: {  	_ =	strace s17  }
0x99: {  	s3 =	sld [smem:$0x3FFC];
	_ =	sdelay $0x3  }
0x9a: {  	_ =	strace s3  }
0x9b: {  	s3 =	sld [smem:$0x3FFD];
	_ =	sdelay $0x3  }
0x9c: {  	_ =	strace s3  }
0x9d: {  	_ =	strace $0x8FFFFFFF  }
0x9e: {  	s18 =	sld [smem:$0x3FDB];
	_ =	sdelay $0x1  }
0x9f: {  	s19 =	simm.s32 $_scs_section_size  }
0xa0: {  	s5 =	simm.s32 $_size__tile_overlayer_lowered;
	s6 =	simm.s32 $_tile_overlayer_lowered  }
0xa1: {  	s22 =	simm.s32 $0x1BFF;
	s21 =	sshll.u32 s6, $0x1;
	s3 =	sadd.s32 s19, s18  }
0xa2: {  	s7 =	simm.s32 $0x0;
	s20 =	sshll.u32 s5, $0x1;
	s5 =	sadd.s32 s21, s3  }
0xa3: {  	[timem:s7], [sflag:s22] =	dma.local [hbm:s5], s20  }
0xa4: {  	_ =	swait.ge [sflag:s22], s20  }
0xa5: {  	s4 =	ssub.s32 $0x0, s20;
	[sflag:s22] =	ssyncset.done $0x0  }
0xa6: {  	[sflag:s22] =	ssyncadd.s32 s4;
	_ =	sdelay $0x1  }
0xa7: {  	s23 =	simm.s32 $0x1B8B  }
0xa8: {  	_ =	swait.ge [sflag:s23], $0x1  }
0xa9: {  	[sflag:s23] =	ssyncset.done $0x0  }
0xaa: {  	s25 =	simm.s32 $0x1B8E;
	s24 =	sld [smem:$0x3FFE];
	[sflag:s23] =	ssyncadd.s32 $0xFFFFFFFF  }
0xab: {  	s26 =	simm.s32 $execute0_lowered;
	[smem:$0x3FD2] =	sst s25  }
0xac: {  	s5 =	sshll.u32 s26, $0x1;
	_ =	strace $0x80000046;
	[dreg:$0x1] =	wrdreg $0xFFFFFFFF  }
0xad: {  	s28 =	simm.s32 $_size_execute0_lowered;
	s3 =	sadd.s32 s3, s5;
	[dreg:$0x0] =	wrdreg $0x0  }
0xae: {  	s5 =	sshll.u32 s28, $0x1;
	[dreg:$0x2] =	wrdreg s3  }
0xaf: {  	[dreg:$0x3] =	wrdreg s5  }
0xb0: {  	[dreg:$0x4] =	wrdreg $0xC0  }
0xb1: {  	_ =	task [dreg:s7], $0x5FFFF  }
0xb2: {  	[dreg:$0x1] =	wrdreg $0xFFFFFFFF  }
0xb3: {  	[dreg:$0x0] =	wrdreg $0x60  }
0xb4: {  	[dreg:$0x2] =	wrdreg s16  }
0xb5: {  	[dreg:$0x3] =	wrdreg s24  }
0xb6: {  	[dreg:$0x4] =	wrdreg $0x9  }
0xb7: {  	_ =	task.clear_ibuf [dreg:s7], $0x5FFFF;
	_ =	strace $0x90000046  }
0xb8: {  	s29 =	simm.s32 $0x9;
	_ =	strace $0x80000048  }
0xb9: {  	_ =	swait.ge [sflag:s29], $0x1  }
0xba: {  	[sflag:s29] =	ssyncadd.s32 $0xFFFFFFFF  }
0xbb: {  	_ =	strace $0x90000048  }
0xbc: {  	_ =	sfence  }
0xbd: {  	s30 =	sld [smem:$0x0];
	_ =	sdelay $0x2  }
0xbe: {  	s31 =	sshll.u32 s1, $0xD;
	s1 =	sshrl.u32 s1, $0x2  }
0xbf: {  	s3 =	sand.u32 $0x4000, s31;
	s1 =	sadd.s32 s1, s30  }
0xc0: {  	s0 =	sor.u32 s3, s0;
	s1 =	sshll.u32 s1, $0x11  }
0xc1: {  	s0 =	sor.u32 s1, s0  }
0xc2: {  	s0 =	sadd.s32 $0x8F2B, s0  }
0xc3: {  	[sflag:s0] =	ssyncadd.remote.s32 $0x1  }
0xc4: {  	_ =	sfence.sel $0xFFFF  }
0xc5: {  	[dreg:$0x0] =	wrdreg $0xFFFFFFFF;
	(pc) =	sbr.abs _section_cstart, $3  }
0xc6: {  	[dreg:$0x1] =	wrdreg $0xFFFFFFFF  }
0xc7: {  	_ =	task.clear_ibuf [dreg:s7], $0x2FFFF;
	_ =	strace $0x9FFFFFFF  }
0xc8: {  	(tm) =	ssettm $0x7FFFFFFF  }
0xc9: {  	_ =	shalt  }
tec
execute0_lowered:
.L_overlay_start_1:
0x0: {  	(tag) =	ssettag $0x1  }
0x1: {  	s2 =	rddreg [dreg:$0x0]  }
0x2: {  	s4 =	rddreg [dreg:$0x1];
	s3 =	srdreg.scid  }
0x3: {  	s0 =	rddreg [dreg:$0x2];
	s1 =	stileid.u32  }
0x4: {  	s10 =	simm.s32 $0x2;
	s11 =	simm.s32 $0x4800;
	s12 =	simm.s32 $0x0  }
0x5: {  	s7 =	sand.u32 $0x1, s3;
	s3 =	simm.s32 $0x0;
	s5 =	sshll.u32 s1, $0x8  }
0x6: {  	s9 =	sadd.s32 $0x9CC00, s4;
	s31 =	sshll.u32 s1, $0x10;
	s6 =	sshll.u32 s7, $0x7  }
0x7: {  	[smem:$0x7FF] =	sst s3;
	s8 =	ssub.s32 $0x2, s7;
	s7 =	sshll.u32 s7, $0xF  }
0x8: {  	s5 =	sor.u32 s6, s5;
	_ =	strace $0x80000047;
	s29 =	sshrl.u32 s8, $0x1  }
0x9: {  	s6 =	sshll.u32 s5, $0x4;
	s8 =	ssub.s32 s8, s29;
	s30 =	sshll.u32 s5, $0x8  }
0xa: {  	s6 =	sadd.s32 s6, s4;
	s5 =	smax.u32 s8, $0x1;
	s8 =	sadd.s32 s31, s9  }
0xb: {  	s4 =	sadd.s32 $0x8CC00, s6;
	s6 =	sadd.s32 s30, s9;
	s7 =	sadd.s32 s7, s8  }
0xc: {  	s8 =	simm.s32 $0x3;
	s9 =	simm.s32 $0x4000;
	s6 =	sadd.s32 $0x7F00, s6  }
.LBB2_1:
0xd: {  	[tilespmem:s3], [sflag:$0x3] =	stream.linear.gather [hbm4b:s4+s3], $0x4000, $0x38;
	[tilespmem:$0x5000] =	vst v63  }
0xe: {  	_ =	swait.ge [sflag:s8], $0x4000  }
0xf: {  	s14 =	sand.u32 $0x1, s3;
	[sflag:s8] =	ssyncset.done $0x0  }
0x10: {  	s13 =	simm.s32 $0x80;
	p0 =	seq.s32 s14, $0x1;
	[sflag:s8] =	ssyncadd.s32 $0xFFFFC000  }
0x11: {  	[tilespmem:s9], [sflag:$0x1] =	stream.indirect.gather [hbm4b:s2+s13], $0x10, s3, s13, $0xb8;
	[tilespmem:$0x5000] =	vst v63  }
0x12: {  	s14 =	simm.s32 @p0 $0x80;
	s15 =	simm.s32 @p0 $0x4000;
	s16 =	simm.s32 @p0 $0x2  }
0x13: {  	[tilespmem:s15], [sflag:$0x1] =	stream.indirect.gather @p0 [hbm4b:s2+s14], $0x10, s13, s14, $0xb8;
	[tilespmem:$0x5000] =	vst v63  }
0x14: {  	_ =	swait.ge @p0 [sflag:s16], $0x800  }
0x15: {  	[sflag:s16] =	ssyncset.done @p0 $0x0  }
0x16: {  	s14 =	simm.s32 @p0 $0x0;
	s15 =	simm.s32 @p0 $0x4800;
	[sflag:s16] =	ssyncadd.s32 @p0 $0xFFFFF800  }
0x17: {  	[hbm4b:s7+s14] =	stream.linear.scatter @p0 [tilespmem:s15], [sflag:$0x3], $0x800, $0x38;
	[tilespmem:$0x5000] =	vst v63  }
0x18: {  	s17 =	simm.s32 @!p0 $0x1;
	s14 =	simm.s32 @!p0 $0x80;
	s15 =	simm.s32 @!p0 $0x4800  }
0x19: {  	[tilespmem:s15], [sflag:$0x2] =	stream.indirect.gather @!p0 [hbm4b:s2+s14], $0x10, s13, s14, $0xb8;
	[tilespmem:$0x5000] =	vst v63  }
0x1a: {  	s16 =	simm.s32 @!p0 $0x4;
	_ =	swait.ge @!p0 [sflag:s17], $0x800  }
0x1b: {  	s31 =	simm.s32 $0x1;
	s16 =	simm.s32 @p0 $0x3;
	[sflag:s17] =	ssyncset.done @!p0 $0x0  }
0x1c: {  	s13 =	simm.s32 @!p0 $0x4000;
	[sflag:s17] =	ssyncadd.s32 @!p0 $0xFFFFF800;
	s17 =	simm.s32 @!p0 $0x0  }
0x1d: {  	[hbm4b:s7+s17] =	stream.linear.scatter @!p0 [tilespmem:s13], [sflag:$0x4], $0x800, $0x38;
	[tilespmem:$0x5000] =	vst v63  }
0x1e: {  	s15 =	simm.s32 $0x2;
	s14 =	sand.u32 $0x1, s31;
	s13 =	sadd.s32 $0x100, s7  }
0x1f: {  	p0 =	seq.s32 s14, $0x1;
	s14 =	simm.s32 $0x100;
	_ =	swait.ge [sflag:s16], $0x800  }
.LBB2_2:
0x20: {  	s17 =	simm.s32 @p0 $0x80;
	s18 =	simm.s32 @p0 $0x4000  }
0x21: {  	[sflag:s16] =	ssyncset.done $0x0;
	s19 =	smov.u32 s15;
	s20 =	smov.u32 s13  }
0x22: {  	s15 =	sadd.s32 $0x1, s15;
	s21 =	simm.s32 @p0 $0x2;
	[sflag:s16] =	ssyncadd.s32 $0xFFFFF800  }
0x23: {  	[tilespmem:s18], [sflag:$0x1] =	stream.indirect.gather @p0 [hbm4b:s2+s17], $0x10, s14, s17, $0xb8;
	[tilespmem:$0x5000] =	vst v63  }
0x24: {  	p1 =	sne.s32 s15, $0x7F;
	_ =	swait.ge @p0 [sflag:s21], $0x800  }
0x25: {  	s13 =	sadd.s32 $0x100, s13;
	[sflag:s21] =	ssyncset.done @p0 $0x0  }
0x26: {  	s16 =	simm.s32 @p0 $0x0;
	s17 =	simm.s32 @p0 $0x4800;
	[sflag:s21] =	ssyncadd.s32 @p0 $0xFFFFF800  }
0x27: {  	[hbm4b:s20+s16] =	stream.linear.scatter @p0 [tilespmem:s17], [sflag:$0x3], $0x800, $0x38;
	[tilespmem:$0x5000] =	vst v63  }
0x28: {  	s18 =	simm.s32 @!p0 $0x1;
	s16 =	simm.s32 @!p0 $0x80;
	s17 =	simm.s32 @!p0 $0x4800  }
0x29: {  	[tilespmem:s17], [sflag:$0x2] =	stream.indirect.gather @!p0 [hbm4b:s2+s16], $0x10, s14, s16, $0xb8;
	[tilespmem:$0x5000] =	vst v63  }
.Ltmp0:
0x2a: {  	s17 =	sand.u32 $0x1, s19;
	_ =	swait.ge @!p0 [sflag:s18], $0x800;
	(pc) =	sbr.rel @p1 .LBB2_2-.Ltmp0, $4  }
0x2b: {  	s19 =	simm.s32 @!p0 $0x4000;
	s16 =	simm.s32 @!p0 $0x4;
	[sflag:s18] =	ssyncset.done @!p0 $0x0  }
0x2c: {  	s16 =	simm.s32 @p0 $0x3;
	[sflag:s18] =	ssyncadd.s32 @!p0 $0xFFFFF800;
	s18 =	simm.s32 @!p0 $0x0  }
0x2d: {  	[hbm4b:s20+s18] =	stream.linear.scatter @!p0 [tilespmem:s19], [sflag:$0x4], $0x800, $0x38;
	[tilespmem:$0x5000] =	vst v63  }
0x2e: {  	s14 =	sadd.s32 $0x80, s14;
	p0 =	seq.s32 s17, $0x1;
	_ =	swait.ge [sflag:s16], $0x800  }
0x2f: {  	s15 =	simm.s32 @p0 $0x80;
	[sflag:s16] =	ssyncset.done $0x0  }
0x30: {  	s17 =	simm.s32 @p0 $0x4000;
	s18 =	simm.s32 @p0 $0x2;
	[sflag:s16] =	ssyncadd.s32 $0xFFFFF800  }
0x31: {  	[tilespmem:s17], [sflag:$0x1] =	stream.indirect.gather @p0 [hbm4b:s2+s15], $0x10, s14, s15, $0xb8;
	[tilespmem:$0x5000] =	vst v63  }
0x32: {  	_ =	swait.ge @p0 [sflag:s18], $0x800  }
0x33: {  	[sflag:s18] =	ssyncset.done @p0 $0x0  }
0x34: {  	s16 =	simm.s32 @p0 $0x4800;
	s15 =	simm.s32 @p0 $0x0;
	[sflag:s18] =	ssyncadd.s32 @p0 $0xFFFFF800  }
0x35: {  	[hbm4b:s13+s15] =	stream.linear.scatter @p0 [tilespmem:s16], [sflag:$0x3], $0x800, $0x38;
	[tilespmem:$0x5000] =	vst v63  }
0x36: {  	s17 =	simm.s32 @!p0 $0x1;
	s15 =	simm.s32 @!p0 $0x80;
	s16 =	simm.s32 @!p0 $0x4800  }
0x37: {  	[tilespmem:s16], [sflag:$0x2] =	stream.indirect.gather @!p0 [hbm4b:s2+s15], $0x10, s14, s15, $0xb8;
	[tilespmem:$0x5000] =	vst v63  }
0x38: {  	_ =	swait.ge @!p0 [sflag:s17], $0x800  }
0x39: {  	s14 =	simm.s32 @!p0 $0x4000;
	s15 =	simm.s32 @!p0 $0x4;
	[sflag:s17] =	ssyncset.done @!p0 $0x0  }
0x3a: {  	s16 =	simm.s32 @!p0 $0x0;
	s15 =	simm.s32 @p0 $0x3;
	[sflag:s17] =	ssyncadd.s32 @!p0 $0xFFFFF800  }
0x3b: {  	[hbm4b:s13+s16] =	stream.linear.scatter @!p0 [tilespmem:s14], [sflag:$0x4], $0x800, $0x38;
	[tilespmem:$0x5000] =	vst v63  }
0x3c: {  	_ =	swait.ge [sflag:s15], $0x800  }
0x3d: {  	[sflag:s15] =	ssyncset.done $0x0  }
0x3e: {  	[sflag:s15] =	ssyncadd.s32 $0xFFFFF800  }
0x3f: {  	s12 =	sadd.s32 $0x1, s12;
	_ =	swait.ge [sflag:s10], $0x800  }
0x40: {  	p0 =	sne.s32 s12, s5;
	[sflag:s10] =	ssyncset.done $0x0  }
.Ltmp1:
0x41: {  	[sflag:s10] =	ssyncadd.s32 $0xFFFFF800;
	(pc) =	sbr.rel @p0 .LBB2_1-.Ltmp1, $4  }
0x42: {  	[hbm4b:s6+s3] =	stream.linear.scatter [tilespmem:s11], [sflag:$0x3], $0x800, $0x38;
	[tilespmem:$0x5000] =	vst v63  }
0x43: {  	_ =	swait.ge [sflag:s8], $0x800  }
0x44: {  	[sflag:s8] =	ssyncset.done $0x0  }
0x45: {  	[sflag:s8] =	ssyncadd.s32 $0xFFFFF800  }
0x46: {  	_ =	sfence.sel $0x180000  }
0x47: {  	[bflag:$0x0] =	sbarrier.arrive $0xFFFF  }
0x48: {  	p0 =	sne.s32 s1, $0x0;
	_ =	strace $0x90000047  }
0x49: {  	s0 =	sadd.s32 @!p0 $0x100000, s0;
	[bflag:$0x2] =	sbarrier.arrive $0xFFFF  }
0x4a: {  	[sflag:s0] =	ssyncadd.tile.s32 @!p0 $0x1;
	_ =	shalt  }
.Lfunc_end2:
_tile_overlayer_lowered:
.L_overlay_start_2:
0x4b: {  	(tag) =	ssettag $0x2  }
0x4c: {  	s0 =	rddreg [dreg:$0x0];
	s2 =	stileid.u32  }
0x4d: {  	s1 =	rddreg [dreg:$0x1];
	p0 =	sne.s32 s2, $0x0  }
0x4e: {  	s3 =	rddreg [dreg:$0x2];
	[bflag:$0x3] =	sbarrier.arrive $0xFFFF;
	s2 =	simm.s32 @!p0 $0x1C03  }
0x4f: {  	[timem:s3], [sflag:s2] =	dma.local @!p0 [hbm:s0], s1  }
0x50: {  	s0 =	simm.s32 @!p0 $0x3  }
0x51: {  	_ =	swait.ge @!p0 [sflag:s0], s1  }
0x52: {  	s1 =	ssub.s32 @!p0 $0x0, s1;
	[sflag:s0] =	ssyncset.done @!p0 $0x0  }
0x53: {  	[sflag:s0] =	ssyncadd.s32 @!p0 s1  }
0x54: {  	[bflag:$0x3] =	sbarrier.arrive $0xFFFF  }
0x55: {  	_ =	shalt  }

// kernel: kernel.21.cloned.1.call-start
scs
__scs_entry_jumppad:
0x0: {  	(pc) =	sbr.rel $0x88, $3  }
0x1: {  	(tag) =	ssettag $0x0;
	lr =	simm.s32 $0x1  }
0x2: {  	[smem:$0x3F7C] =	sst lr;
	_ =	strace $0xD0000000  }
0x3: {  	_ = 	snop  }
0x4: {  	_ = 	snop  }
0x5: {  	_ = 	snop  }
0x6: {  	_ = 	snop  }
0x7: {  	_ = 	snop  }
__scs_overlays_trampoline_lowered:
0x8: {  	[smem:$0x3F8B] =	sst s0  }
0x9: {  	[smem:$0x3F8C] =	sst s1  }
0xa: {  	[smem:$0x3F8D] =	sst s2  }
0xb: {  	[smem:$0x3F8E] =	sst s3  }
0xc: {  	[smem:$0x3F8F] =	sst s4  }
0xd: {  	[smem:$0x3F90] =	sst s5  }
0xe: {  	[smem:$0x3F91] =	sst s6  }
0xf: {  	[smem:$0x3F92] =	sst s7  }
0x10: {  	[smem:$0x3F93] =	sst s8  }
0x11: {  	[smem:$0x3F94] =	sst s9;
	s0 =	simm.s32 @!p0 $0x0  }
0x12: {  	s1 =	sld [smem:$0x3F7A];
	s0 =	simm.s32 @p0 $0x1  }
0x13: {  	[smem:$0x3F95] =	sst s0;
	s0 =	simm.s32 @!p1 $0x0  }
0x14: {  	s2 =	sld [smem:$0x3F79];
	s0 =	simm.s32 @p1 $0x1  }
0x15: {  	[smem:$0x3F96] =	sst s0;
	s0 =	simm.s32 @!p2 $0x0  }
0x16: {  	s3 =	sld [smem:$0x3FDB];
	s0 =	simm.s32 @p2 $0x1  }
0x17: {  	s4 =	simm.s32 $0x1BF5;
	[smem:$0x3F98] =	sst s0  }
0x18: {  	s0 =	sld [smem:$0x3F7B];
	_ =	swait.ge [sflag:s4], $0x0  }
0x19: {  	s7 =	sld [smem:$0x3F7C]  }
0x1a: {  	s8 =	sadd.s32 $0xFFFFE003, lr  }
0x1b: {  	s9 =	sadd.s32 $0xFFFFFEF7, lr;
	s5 =	simm.s32 $0xFFFFFFFF;
	p2 =	slt.u32 s8, $0xFFFFF086  }
0x1c: {  	p1 =	slt.u32 s9, $0xF7A;
	s5 =	simm.s32 @!p2 $0x0  }
0x1d: {  	s5 =	simm.s32 @p1 $0x1;
	p0 =	seq.s32 s7, s2  }
0x1e: {  	s7 =	smul.u32 @!p0 $0xF7A, s2;
	p2 =	seq.s32 @!p0 s5, $0x0  }
0x1f: {  	s9 =	smul.u32 $0xF7A, s1;
	s8 =	simm.s32 @!p0 $0x1BF5;
	p2 =	por !p2, p0  }
0x20: {  	[sflag:s8] =	ssyncset.s32 @!p0 $0xFFFFF086;
	s6 =	sadd.s32 @!p0 s3, s7;
	s7 =	simm.s32 @!p0 $0x108  }
0x21: {  	s3 =	sadd.s32 s3, s9;
	s6 =	sadd.s32 @!p0 $0x88, s6;
	s7 =	simm.s32 @p2 $0x1082  }
0x22: {  	[simem:s7], [sflag:s8] =	dma.local @!p0 [hbm:s6], $0xF7A  }
0x23: {  	s9 =	sor.u32 $0xD0000000, s2;
	s6 =	simm.s32 $0x108;
	_ =	swait.ge @!p0 [sflag:s8], $0x0  }
0x24: {  	s3 =	sadd.s32 $0x88, s3;
	s6 =	simm.s32 @!p1 $0x1082;
	[sflag:s4] =	ssyncset.s32 $0xFFFFF086  }
0x25: {  	[simem:s6], [sflag:s4] =	dma.local [hbm:s3], $0xF7A  }
0x26: {  	[smem:$0x3F7C] =	sst s1;
	(tag) =	ssettag s2;
	_ =	strace s9  }
0x27: {  	s1 =	sld [smem:$0x3F8C]  }
0x28: {  	s2 =	sld [smem:$0x3F8D]  }
0x29: {  	s4 =	sld [smem:$0x3F8F]  }
0x2a: {  	p0 =	seq.s32 s5, $0x0;
	s5 =	sld [smem:$0x3F90]  }
0x2b: {  	s6 =	sld [smem:$0x3F91]  }
0x2c: {  	s7 =	sld [smem:$0x3F92]  }
0x2d: {  	s3 =	simm.s32 $0x108;
	s8 =	sld [smem:$0x3F93]  }
0x2e: {  	s3 =	simm.s32 @!p0 $0x1082;
	s9 =	sld [smem:$0x3F94]  }
0x2f: {  	lr =	sadd.s32 s0, s3;
	s0 =	sld [smem:$0x3F8B]  }
0x30: {  	s3 =	sld [smem:$0x3F8E]  }
0x31: {  	[smem:$0x3F97] =	sst s10  }
0x32: {  	s10 =	sld [smem:$0x3F95];
	_ =	sdelay $0x3  }
0x33: {  	p0 =	seq.s32 s10, $0x1;
	s10 =	sld [smem:$0x3F97];
	_ =	sdelay $0x3  }
0x34: {  	[smem:$0x3F97] =	sst s10  }
0x35: {  	s10 =	sld [smem:$0x3F96];
	_ =	sdelay $0x3  }
0x36: {  	p1 =	seq.s32 s10, $0x1;
	s10 =	sld [smem:$0x3F97];
	_ =	sdelay $0x3  }
0x37: {  	[smem:$0x3F97] =	sst s10  }
0x38: {  	s10 =	sld [smem:$0x3F98]  }
0x39: {  	_ = 	snop;
	(pc) =	sbr.ind lr, $3  }
0x3a: {  	_ = 	snop  }
0x3b: {  	_ = 	snop  }
0x3c: {  	p2 =	seq.s32 s10, $0x1;
	s10 =	sld [smem:$0x3F97]  }
0x3d: {  	_ =	shalt  }
0x3e: {  	_ =	shalt  }
0x3f: {  	_ =	shalt  }
0x40: {  	_ =	shalt  }
0x41: {  	_ =	shalt  }
0x42: {  	_ =	shalt  }
0x43: {  	_ =	shalt  }
0x44: {  	_ =	shalt  }
0x45: {  	_ =	shalt  }
0x46: {  	_ =	shalt  }
0x47: {  	_ =	shalt  }
0x48: {  	_ =	shalt  }
0x49: {  	_ =	shalt  }
0x4a: {  	_ =	shalt  }
0x4b: {  	_ =	shalt  }
0x4c: {  	_ =	shalt  }
0x4d: {  	_ =	shalt  }
0x4e: {  	_ =	shalt  }
0x4f: {  	_ =	shalt  }
0x50: {  	_ =	shalt  }
0x51: {  	_ =	shalt  }
0x52: {  	_ =	shalt  }
0x53: {  	_ =	shalt  }
0x54: {  	_ =	shalt  }
0x55: {  	_ =	shalt  }
0x56: {  	_ =	shalt  }
0x57: {  	_ =	shalt  }
0x58: {  	_ =	shalt  }
0x59: {  	_ =	shalt  }
0x5a: {  	_ =	shalt  }
0x5b: {  	_ =	shalt  }
0x5c: {  	_ =	shalt  }
0x5d: {  	_ =	shalt  }
0x5e: {  	_ =	shalt  }
0x5f: {  	_ =	shalt  }
0x60: {  	_ =	shalt  }
0x61: {  	_ =	shalt  }
0x62: {  	_ =	shalt  }
0x63: {  	_ =	shalt  }
0x64: {  	_ =	shalt  }
0x65: {  	_ =	shalt  }
0x66: {  	_ =	shalt  }
0x67: {  	_ =	shalt  }
0x68: {  	_ =	shalt  }
0x69: {  	_ =	shalt  }
0x6a: {  	_ =	shalt  }
0x6b: {  	_ =	shalt  }
0x6c: {  	_ =	shalt  }
0x6d: {  	_ =	shalt  }
0x6e: {  	_ =	shalt  }
0x6f: {  	_ =	shalt  }
0x70: {  	_ =	shalt  }
0x71: {  	_ =	shalt  }
0x72: {  	_ =	shalt  }
0x73: {  	_ =	shalt  }
0x74: {  	_ =	shalt  }
0x75: {  	_ =	shalt  }
0x76: {  	_ =	shalt  }
0x77: {  	_ =	shalt  }
0x78: {  	_ =	shalt  }
0x79: {  	_ =	shalt  }
0x7a: {  	_ =	shalt  }
0x7b: {  	_ =	shalt  }
0x7c: {  	_ =	shalt  }
0x7d: {  	_ =	shalt  }
0x7e: {  	_ =	shalt  }
0x7f: {  	_ =	shalt  }
0x80: {  	_ =	shalt  }
0x81: {  	_ =	shalt  }
0x82: {  	_ =	shalt  }
0x83: {  	_ =	shalt  }
0x84: {  	_ =	shalt  }
0x85: {  	_ =	shalt  }
0x86: {  	_ =	shalt  }
0x87: {  	_ =	shalt  }
.Lfunc_end0:
.L_simem_size_0:
called_computation.1_lowered:
.L_overlay_start_0:
0x88: {  	s2 =	sld [smem:$0x3FD9]  }
0x89: {  	s3 =	sld [smem:$0x3FFE];
	_ =	sdelay $0x1  }
0x8a: {  	s1 =	srdreg.scid  }
0x8b: {  	s0 =	sand.u32 $0x1, s1  }
0x8c: {  	s16 =	sshll.u32 s0, $0xA;
	s2 =	sadd.s32 s3, s2  }
0x8d: {  	s2 =	sadd.s32 s2, s16  }
0x8e: {  	[smem:$0x3FA3] =	sst s2  }
0x8f: {  	_ = 	snop  }
0x90: {  	(tm) =	ssettm $0x1  }
0x91: {  	s17 =	sld [smem:$0x3FFB];
	_ =	sdelay $0x3  }
0x92: {  	_ =	strace s17  }
0x93: {  	s2 =	sld [smem:$0x3FFC];
	_ =	sdelay $0x3  }
0x94: {  	_ =	strace s2  }
0x95: {  	s2 =	sld [smem:$0x3FFD];
	_ =	sdelay $0x3  }
0x96: {  	_ =	strace s2  }
0x97: {  	_ =	strace $0x8FFFFFFF  }
0x98: {  	s18 =	sld [smem:$0x3FDB];
	_ =	sdelay $0x1  }
0x99: {  	s19 =	simm.s32 $_scs_section_size  }
0x9a: {  	s4 =	simm.s32 $_size__tile_overlayer_lowered;
	s5 =	simm.s32 $_tile_overlayer_lowered  }
0x9b: {  	s22 =	simm.s32 $0x1BFF;
	s21 =	sshll.u32 s5, $0x1;
	s2 =	sadd.s32 s19, s18  }
0x9c: {  	s6 =	simm.s32 $0x0;
	s20 =	sshll.u32 s4, $0x1;
	s4 =	sadd.s32 s21, s2  }
0x9d: {  	[timem:s6], [sflag:s22] =	dma.local [hbm:s4], s20  }
0x9e: {  	_ =	swait.ge [sflag:s22], s20  }
0x9f: {  	s3 =	ssub.s32 $0x0, s20;
	[sflag:s22] =	ssyncset.done $0x0  }
0xa0: {  	[sflag:s22] =	ssyncadd.s32 s3;
	_ =	sdelay $0x1  }
0xa1: {  	s23 =	simm.s32 $0x1B8B  }
0xa2: {  	_ =	swait.ge [sflag:s23], $0x1  }
0xa3: {  	[sflag:s23] =	ssyncset.done $0x0  }
0xa4: {  	s25 =	simm.s32 $0x1B8E;
	s24 =	sld [smem:$0x3FFE];
	[sflag:s23] =	ssyncadd.s32 $0xFFFFFFFF  }
0xa5: {  	s26 =	simm.s32 $execute0_lowered;
	[smem:$0x3FD2] =	sst s25  }
0xa6: {  	s4 =	sshll.u32 s26, $0x1;
	_ =	strace $0x80000049;
	[dreg:$0x1] =	wrdreg $0xFFFFFFFF  }
0xa7: {  	s28 =	simm.s32 $_size_execute0_lowered;
	s2 =	sadd.s32 s2, s4;
	[dreg:$0x0] =	wrdreg $0x0  }
0xa8: {  	s4 =	sshll.u32 s28, $0x1;
	[dreg:$0x2] =	wrdreg s2  }
0xa9: {  	[dreg:$0x3] =	wrdreg s4  }
0xaa: {  	[dreg:$0x4] =	wrdreg $0xC0  }
0xab: {  	_ =	task [dreg:s6], $0x5FFFF  }
0xac: {  	[dreg:$0x1] =	wrdreg $0xFFFFFFFF  }
0xad: {  	[dreg:$0x0] =	wrdreg $0x60  }
0xae: {  	[dreg:$0x2] =	wrdreg s24  }
0xaf: {  	[dreg:$0x3] =	wrdreg $0x9  }
0xb0: {  	_ =	task.clear_ibuf [dreg:s6], $0x4FFFF;
	_ =	strace $0x90000049  }
0xb1: {  	s29 =	simm.s32 $0x9;
	_ =	strace $0x8000004B  }
0xb2: {  	_ =	swait.ge [sflag:s29], $0x1  }
0xb3: {  	[sflag:s29] =	ssyncadd.s32 $0xFFFFFFFF  }
0xb4: {  	_ =	strace $0x9000004B  }
0xb5: {  	_ =	sfence  }
0xb6: {  	s30 =	sld [smem:$0x0];
	_ =	sdelay $0x2  }
0xb7: {  	s31 =	sshll.u32 s1, $0xD;
	s1 =	sshrl.u32 s1, $0x2  }
0xb8: {  	s3 =	sand.u32 $0x4000, s31;
	s1 =	sadd.s32 s1, s30  }
0xb9: {  	s0 =	sor.u32 s3, s0;
	s1 =	sshll.u32 s1, $0x11  }
0xba: {  	s0 =	sor.u32 s1, s0  }
0xbb: {  	s0 =	sadd.s32 $0x8F2B, s0  }
0xbc: {  	[sflag:s0] =	ssyncadd.remote.s32 $0x1  }
0xbd: {  	_ =	sfence.sel $0xFFFF  }
0xbe: {  	[dreg:$0x0] =	wrdreg $0xFFFFFFFF;
	(pc) =	sbr.abs _section_cstart, $3  }
0xbf: {  	[dreg:$0x1] =	wrdreg $0xFFFFFFFF  }
0xc0: {  	_ =	task.clear_ibuf [dreg:s6], $0x2FFFF;
	_ =	strace $0x9FFFFFFF  }
0xc1: {  	(tm) =	ssettm $0x7FFFFFFF  }
tec
execute0_lowered:
.L_overlay_start_1:
0x0: {  	(tag) =	ssettag $0x1  }
0x1: {  	s4 =	rddreg [dreg:$0x0]  }
0x2: {  	s0 =	rddreg [dreg:$0x1]  }
0x3: {  	s3 =	srdreg.scid;
	s2 =	simm.s32 $0x0;
	s1 =	stileid.u32  }
0x4: {  	s11 =	simm.s32 $0x9800;
	s12 =	simm.s32 $0x0;
	s5 =	sand.u32 $0x1, s3  }
0x5: {  	[smem:$0x7FF] =	sst s2;
	s28 =	sshll.u32 s1, $0x6;
	s3 =	sadd.s32 $0xECC00, s4  }
0x6: {  	s10 =	sadd.s32 $0x130C00, s4;
	s29 =	smul.u32 $0x44000, s1;
	s6 =	sshll.u32 s5, $0x5  }
0x7: {  	_ =	strace $0x8000004A;
	s8 =	ssub.s32 $0x2, s5;
	s30 =	smul.u32 $0x22000, s5  }
0x8: {  	s6 =	sor.u32 s6, s28;
	s9 =	sshrl.u32 s8, $0x1;
	s31 =	sadd.s32 s29, s10  }
0x9: {  	s7 =	sshll.u32 s6, $0x4;
	s6 =	smul.u32 $0x1100, s6;
	s8 =	ssub.s32 s8, s9  }
0xa: {  	s9 =	simm.s32 $0x1000;
	s7 =	sadd.s32 s7, s4;
	s5 =	smax.u32 s8, $0x1  }
0xb: {  	s8 =	simm.s32 $0x3;
	s4 =	sadd.s32 $0x2D000, s7;
	s6 =	sadd.s32 s10, s6  }
0xc: {  	s7 =	sadd.s32 s30, s31;
	s10 =	simm.s32 $0x2;
	s6 =	sadd.s32 $0x20F00, s6  }
.LBB2_1:
0xd: {  	[tilespmem:s2], [sflag:$0x3] =	stream.linear.gather [hbm4b:s4+s2], $0x1000, $0x38;
	[tilespmem:$0x12000] =	vst v63  }
0xe: {  	_ =	swait.ge [sflag:s8], $0x1000  }
0xf: {  	s14 =	sand.u32 $0x1, s2;
	[sflag:s8] =	ssyncset.done $0x0  }
0x10: {  	s13 =	simm.s32 $0x80;
	p0 =	seq.s32 s14, $0x1;
	[sflag:s8] =	ssyncadd.s32 $0xFFFFF000  }
0x11: {  	[tilespmem:s9], [sflag:$0x1] =	stream.indirect.gather [hbm4b:s3+s13], $0x110, s2, s13, $0xb8;
	[tilespmem:$0x12000] =	vst v63  }
0x12: {  	s14 =	simm.s32 @p0 $0x80;
	s15 =	simm.s32 @p0 $0x1000;
	s16 =	simm.s32 @p0 $0x2  }
0x13: {  	[tilespmem:s15], [sflag:$0x1] =	stream.indirect.gather @p0 [hbm4b:s3+s14], $0x110, s13, s14, $0xb8;
	[tilespmem:$0x12000] =	vst v63  }
0x14: {  	_ =	swait.ge @p0 [sflag:s16], $0x8800  }
0x15: {  	[sflag:s16] =	ssyncset.done @p0 $0x0  }
0x16: {  	s14 =	simm.s32 @p0 $0x0;
	s15 =	simm.s32 @p0 $0x9800;
	[sflag:s16] =	ssyncadd.s32 @p0 $0xFFFF7800  }
0x17: {  	[hbm4b:s7+s14] =	stream.linear.scatter @p0 [tilespmem:s15], [sflag:$0x3], $0x8800, $0x38;
	[tilespmem:$0x12000] =	vst v63  }
0x18: {  	s17 =	simm.s32 @!p0 $0x1;
	s14 =	simm.s32 @!p0 $0x80;
	s15 =	simm.s32 @!p0 $0x9800  }
0x19: {  	[tilespmem:s15], [sflag:$0x2] =	stream.indirect.gather @!p0 [hbm4b:s3+s14], $0x110, s13, s14, $0xb8;
	[tilespmem:$0x12000] =	vst v63  }
0x1a: {  	s16 =	simm.s32 @!p0 $0x4;
	_ =	swait.ge @!p0 [sflag:s17], $0x8800  }
0x1b: {  	s31 =	simm.s32 $0x1;
	s16 =	simm.s32 @p0 $0x3;
	[sflag:s17] =	ssyncset.done @!p0 $0x0  }
0x1c: {  	s13 =	simm.s32 @!p0 $0x1000;
	[sflag:s17] =	ssyncadd.s32 @!p0 $0xFFFF7800;
	s17 =	simm.s32 @!p0 $0x0  }
0x1d: {  	[hbm4b:s7+s17] =	stream.linear.scatter @!p0 [tilespmem:s13], [sflag:$0x4], $0x8800, $0x38;
	[tilespmem:$0x12000] =	vst v63  }
0x1e: {  	s15 =	simm.s32 $0x2;
	s14 =	sand.u32 $0x1, s31;
	s13 =	sadd.s32 $0x1100, s7  }
0x1f: {  	p0 =	seq.s32 s14, $0x1;
	s14 =	simm.s32 $0x100;
	_ =	swait.ge [sflag:s16], $0x8800  }
.LBB2_2:
0x20: {  	s17 =	simm.s32 @p0 $0x80;
	s18 =	simm.s32 @p0 $0x1000  }
0x21: {  	[sflag:s16] =	ssyncset.done $0x0;
	s19 =	smov.u32 s15;
	s20 =	smov.u32 s13  }
0x22: {  	s15 =	sadd.s32 $0x1, s15;
	s21 =	simm.s32 @p0 $0x2;
	[sflag:s16] =	ssyncadd.s32 $0xFFFF7800  }
0x23: {  	[tilespmem:s18], [sflag:$0x1] =	stream.indirect.gather @p0 [hbm4b:s3+s17], $0x110, s14, s17, $0xb8;
	[tilespmem:$0x12000] =	vst v63  }
0x24: {  	p1 =	sne.s32 s15, $0x1F;
	_ =	swait.ge @p0 [sflag:s21], $0x8800  }
0x25: {  	s13 =	sadd.s32 $0x1100, s13;
	[sflag:s21] =	ssyncset.done @p0 $0x0  }
0x26: {  	s16 =	simm.s32 @p0 $0x0;
	s17 =	simm.s32 @p0 $0x9800;
	[sflag:s21] =	ssyncadd.s32 @p0 $0xFFFF7800  }
0x27: {  	[hbm4b:s20+s16] =	stream.linear.scatter @p0 [tilespmem:s17], [sflag:$0x3], $0x8800, $0x38;
	[tilespmem:$0x12000] =	vst v63  }
0x28: {  	s18 =	simm.s32 @!p0 $0x1;
	s16 =	simm.s32 @!p0 $0x80;
	s17 =	simm.s32 @!p0 $0x9800  }
0x29: {  	[tilespmem:s17], [sflag:$0x2] =	stream.indirect.gather @!p0 [hbm4b:s3+s16], $0x110, s14, s16, $0xb8;
	[tilespmem:$0x12000] =	vst v63  }
.Ltmp0:
0x2a: {  	s17 =	sand.u32 $0x1, s19;
	_ =	swait.ge @!p0 [sflag:s18], $0x8800;
	(pc) =	sbr.rel @p1 .LBB2_2-.Ltmp0, $4  }
0x2b: {  	s19 =	simm.s32 @!p0 $0x1000;
	s16 =	simm.s32 @!p0 $0x4;
	[sflag:s18] =	ssyncset.done @!p0 $0x0  }
0x2c: {  	s16 =	simm.s32 @p0 $0x3;
	[sflag:s18] =	ssyncadd.s32 @!p0 $0xFFFF7800;
	s18 =	simm.s32 @!p0 $0x0  }
0x2d: {  	[hbm4b:s20+s18] =	stream.linear.scatter @!p0 [tilespmem:s19], [sflag:$0x4], $0x8800, $0x38;
	[tilespmem:$0x12000] =	vst v63  }
0x2e: {  	s14 =	sadd.s32 $0x80, s14;
	p0 =	seq.s32 s17, $0x1;
	_ =	swait.ge [sflag:s16], $0x8800  }
0x2f: {  	s15 =	simm.s32 @p0 $0x80;
	[sflag:s16] =	ssyncset.done $0x0  }
0x30: {  	s17 =	simm.s32 @p0 $0x1000;
	s18 =	simm.s32 @p0 $0x2;
	[sflag:s16] =	ssyncadd.s32 $0xFFFF7800  }
0x31: {  	[tilespmem:s17], [sflag:$0x1] =	stream.indirect.gather @p0 [hbm4b:s3+s15], $0x110, s14, s15, $0xb8;
	[tilespmem:$0x12000] =	vst v63  }
0x32: {  	_ =	swait.ge @p0 [sflag:s18], $0x8800  }
0x33: {  	[sflag:s18] =	ssyncset.done @p0 $0x0  }
0x34: {  	s16 =	simm.s32 @p0 $0x9800;
	s15 =	simm.s32 @p0 $0x0;
	[sflag:s18] =	ssyncadd.s32 @p0 $0xFFFF7800  }
0x35: {  	[hbm4b:s13+s15] =	stream.linear.scatter @p0 [tilespmem:s16], [sflag:$0x3], $0x8800, $0x38;
	[tilespmem:$0x12000] =	vst v63  }
0x36: {  	s17 =	simm.s32 @!p0 $0x1;
	s15 =	simm.s32 @!p0 $0x80;
	s16 =	simm.s32 @!p0 $0x9800  }
0x37: {  	[tilespmem:s16], [sflag:$0x2] =	stream.indirect.gather @!p0 [hbm4b:s3+s15], $0x110, s14, s15, $0xb8;
	[tilespmem:$0x12000] =	vst v63  }
0x38: {  	_ =	swait.ge @!p0 [sflag:s17], $0x8800  }
0x39: {  	s14 =	simm.s32 @!p0 $0x1000;
	s15 =	simm.s32 @!p0 $0x4;
	[sflag:s17] =	ssyncset.done @!p0 $0x0  }
0x3a: {  	s16 =	simm.s32 @!p0 $0x0;
	s15 =	simm.s32 @p0 $0x3;
	[sflag:s17] =	ssyncadd.s32 @!p0 $0xFFFF7800  }
0x3b: {  	[hbm4b:s13+s16] =	stream.linear.scatter @!p0 [tilespmem:s14], [sflag:$0x4], $0x8800, $0x38;
	[tilespmem:$0x12000] =	vst v63  }
0x3c: {  	_ =	swait.ge [sflag:s15], $0x8800  }
0x3d: {  	[sflag:s15] =	ssyncset.done $0x0  }
0x3e: {  	[sflag:s15] =	ssyncadd.s32 $0xFFFF7800  }
0x3f: {  	s12 =	sadd.s32 $0x1, s12;
	_ =	swait.ge [sflag:s10], $0x8800  }
0x40: {  	p0 =	sne.s32 s12, s5;
	[sflag:s10] =	ssyncset.done $0x0  }
.Ltmp1:
0x41: {  	[sflag:s10] =	ssyncadd.s32 $0xFFFF7800;
	(pc) =	sbr.rel @p0 .LBB2_1-.Ltmp1, $4  }
0x42: {  	[hbm4b:s6+s2] =	stream.linear.scatter [tilespmem:s11], [sflag:$0x3], $0x8800, $0x38;
	[tilespmem:$0x12000] =	vst v63  }
0x43: {  	_ =	swait.ge [sflag:s8], $0x8800  }
0x44: {  	[sflag:s8] =	ssyncset.done $0x0  }
0x45: {  	[sflag:s8] =	ssyncadd.s32 $0xFFFF7800  }
0x46: {  	_ =	sfence.sel $0x180000  }
0x47: {  	[bflag:$0x0] =	sbarrier.arrive $0xFFFF  }
0x48: {  	p0 =	sne.s32 s1, $0x0;
	_ =	strace $0x9000004A  }
0x49: {  	s0 =	sadd.s32 @!p0 $0x100000, s0;
	[bflag:$0x2] =	sbarrier.arrive $0xFFFF  }
0x4a: {  	[sflag:s0] =	ssyncadd.tile.s32 @!p0 $0x1;
	_ =	shalt  }
.Lfunc_end2:
_tile_overlayer_lowered:
.L_overlay_start_2:
0x4b: {  	(tag) =	ssettag $0x2  }
0x4c: {  	s0 =	rddreg [dreg:$0x0];
	s2 =	stileid.u32  }
0x4d: {  	s1 =	rddreg [dreg:$0x1];
	p0 =	sne.s32 s2, $0x0  }
0x4e: {  	s3 =	rddreg [dreg:$0x2];
	[bflag:$0x3] =	sbarrier.arrive $0xFFFF;
	s2 =	simm.s32 @!p0 $0x1C03  }
0x4f: {  	[timem:s3], [sflag:s2] =	dma.local @!p0 [hbm:s0], s1  }
0x50: {  	s0 =	simm.s32 @!p0 $0x3  }
0x51: {  	_ =	swait.ge @!p0 [sflag:s0], s1  }
0x52: {  	s1 =	ssub.s32 @!p0 $0x0, s1;
	[sflag:s0] =	ssyncset.done @!p0 $0x0  }
0x53: {  	[sflag:s0] =	ssyncadd.s32 @!p0 s1  }
0x54: {  	[bflag:$0x3] =	sbarrier.arrive $0xFFFF  }
0x55: {  	_ =	shalt  }

// kernel: kernel.24.cloned.1.call-start
scs
__scs_entry_jumppad:
0x0: {  	(pc) =	sbr.rel $0x88, $3  }
0x1: {  	(tag) =	ssettag $0x0;
	lr =	simm.s32 $0x1  }
0x2: {  	[smem:$0x3F7C] =	sst lr;
	_ =	strace $0xD0000000  }
0x3: {  	_ = 	snop  }
0x4: {  	_ = 	snop  }
0x5: {  	_ = 	snop  }
0x6: {  	_ = 	snop  }
0x7: {  	_ = 	snop  }
__scs_overlays_trampoline_lowered:
0x8: {  	[smem:$0x3F8B] =	sst s0  }
0x9: {  	[smem:$0x3F8C] =	sst s1  }
0xa: {  	[smem:$0x3F8D] =	sst s2  }
0xb: {  	[smem:$0x3F8E] =	sst s3  }
0xc: {  	[smem:$0x3F8F] =	sst s4  }
0xd: {  	[smem:$0x3F90] =	sst s5  }
0xe: {  	[smem:$0x3F91] =	sst s6  }
0xf: {  	[smem:$0x3F92] =	sst s7  }
0x10: {  	[smem:$0x3F93] =	sst s8  }
0x11: {  	[smem:$0x3F94] =	sst s9;
	s0 =	simm.s32 @!p0 $0x0  }
0x12: {  	s1 =	sld [smem:$0x3F7A];
	s0 =	simm.s32 @p0 $0x1  }
0x13: {  	[smem:$0x3F95] =	sst s0;
	s0 =	simm.s32 @!p1 $0x0  }
0x14: {  	s2 =	sld [smem:$0x3F79];
	s0 =	simm.s32 @p1 $0x1  }
0x15: {  	[smem:$0x3F96] =	sst s0;
	s0 =	simm.s32 @!p2 $0x0  }
0x16: {  	s3 =	sld [smem:$0x3FDB];
	s0 =	simm.s32 @p2 $0x1  }
0x17: {  	s4 =	simm.s32 $0x1BF5;
	[smem:$0x3F98] =	sst s0  }
0x18: {  	s0 =	sld [smem:$0x3F7B];
	_ =	swait.ge [sflag:s4], $0x0  }
0x19: {  	s7 =	sld [smem:$0x3F7C]  }
0x1a: {  	s8 =	sadd.s32 $0xFFFFE003, lr  }
0x1b: {  	s9 =	sadd.s32 $0xFFFFFEF7, lr;
	s5 =	simm.s32 $0xFFFFFFFF;
	p2 =	slt.u32 s8, $0xFFFFF086  }
0x1c: {  	p1 =	slt.u32 s9, $0xF7A;
	s5 =	simm.s32 @!p2 $0x0  }
0x1d: {  	s5 =	simm.s32 @p1 $0x1;
	p0 =	seq.s32 s7, s2  }
0x1e: {  	s7 =	smul.u32 @!p0 $0xF7A, s2;
	p2 =	seq.s32 @!p0 s5, $0x0  }
0x1f: {  	s9 =	smul.u32 $0xF7A, s1;
	s8 =	simm.s32 @!p0 $0x1BF5;
	p2 =	por !p2, p0  }
0x20: {  	[sflag:s8] =	ssyncset.s32 @!p0 $0xFFFFF086;
	s6 =	sadd.s32 @!p0 s3, s7;
	s7 =	simm.s32 @!p0 $0x108  }
0x21: {  	s3 =	sadd.s32 s3, s9;
	s6 =	sadd.s32 @!p0 $0x88, s6;
	s7 =	simm.s32 @p2 $0x1082  }
0x22: {  	[simem:s7], [sflag:s8] =	dma.local @!p0 [hbm:s6], $0xF7A  }
0x23: {  	s9 =	sor.u32 $0xD0000000, s2;
	s6 =	simm.s32 $0x108;
	_ =	swait.ge @!p0 [sflag:s8], $0x0  }
0x24: {  	s3 =	sadd.s32 $0x88, s3;
	s6 =	simm.s32 @!p1 $0x1082;
	[sflag:s4] =	ssyncset.s32 $0xFFFFF086  }
0x25: {  	[simem:s6], [sflag:s4] =	dma.local [hbm:s3], $0xF7A  }
0x26: {  	[smem:$0x3F7C] =	sst s1;
	(tag) =	ssettag s2;
	_ =	strace s9  }
0x27: {  	s1 =	sld [smem:$0x3F8C]  }
0x28: {  	s2 =	sld [smem:$0x3F8D]  }
0x29: {  	s4 =	sld [smem:$0x3F8F]  }
0x2a: {  	p0 =	seq.s32 s5, $0x0;
	s5 =	sld [smem:$0x3F90]  }
0x2b: {  	s6 =	sld [smem:$0x3F91]  }
0x2c: {  	s7 =	sld [smem:$0x3F92]  }
0x2d: {  	s3 =	simm.s32 $0x108;
	s8 =	sld [smem:$0x3F93]  }
0x2e: {  	s3 =	simm.s32 @!p0 $0x1082;
	s9 =	sld [smem:$0x3F94]  }
0x2f: {  	lr =	sadd.s32 s0, s3;
	s0 =	sld [smem:$0x3F8B]  }
0x30: {  	s3 =	sld [smem:$0x3F8E]  }
0x31: {  	[smem:$0x3F97] =	sst s10  }
0x32: {  	s10 =	sld [smem:$0x3F95];
	_ =	sdelay $0x3  }
0x33: {  	p0 =	seq.s32 s10, $0x1;
	s10 =	sld [smem:$0x3F97];
	_ =	sdelay $0x3  }
0x34: {  	[smem:$0x3F97] =	sst s10  }
0x35: {  	s10 =	sld [smem:$0x3F96];
	_ =	sdelay $0x3  }
0x36: {  	p1 =	seq.s32 s10, $0x1;
	s10 =	sld [smem:$0x3F97];
	_ =	sdelay $0x3  }
0x37: {  	[smem:$0x3F97] =	sst s10  }
0x38: {  	s10 =	sld [smem:$0x3F98]  }
0x39: {  	_ = 	snop;
	(pc) =	sbr.ind lr, $3  }
0x3a: {  	_ = 	snop  }
0x3b: {  	_ = 	snop  }
0x3c: {  	p2 =	seq.s32 s10, $0x1;
	s10 =	sld [smem:$0x3F97]  }
0x3d: {  	_ =	shalt  }
0x3e: {  	_ =	shalt  }
0x3f: {  	_ =	shalt  }
0x40: {  	_ =	shalt  }
0x41: {  	_ =	shalt  }
0x42: {  	_ =	shalt  }
0x43: {  	_ =	shalt  }
0x44: {  	_ =	shalt  }
0x45: {  	_ =	shalt  }
0x46: {  	_ =	shalt  }
0x47: {  	_ =	shalt  }
0x48: {  	_ =	shalt  }
0x49: {  	_ =	shalt  }
0x4a: {  	_ =	shalt  }
0x4b: {  	_ =	shalt  }
0x4c: {  	_ =	shalt  }
0x4d: {  	_ =	shalt  }
0x4e: {  	_ =	shalt  }
0x4f: {  	_ =	shalt  }
0x50: {  	_ =	shalt  }
0x51: {  	_ =	shalt  }
0x52: {  	_ =	shalt  }
0x53: {  	_ =	shalt  }
0x54: {  	_ =	shalt  }
0x55: {  	_ =	shalt  }
0x56: {  	_ =	shalt  }
0x57: {  	_ =	shalt  }
0x58: {  	_ =	shalt  }
0x59: {  	_ =	shalt  }
0x5a: {  	_ =	shalt  }
0x5b: {  	_ =	shalt  }
0x5c: {  	_ =	shalt  }
0x5d: {  	_ =	shalt  }
0x5e: {  	_ =	shalt  }
0x5f: {  	_ =	shalt  }
0x60: {  	_ =	shalt  }
0x61: {  	_ =	shalt  }
0x62: {  	_ =	shalt  }
0x63: {  	_ =	shalt  }
0x64: {  	_ =	shalt  }
0x65: {  	_ =	shalt  }
0x66: {  	_ =	shalt  }
0x67: {  	_ =	shalt  }
0x68: {  	_ =	shalt  }
0x69: {  	_ =	shalt  }
0x6a: {  	_ =	shalt  }
0x6b: {  	_ =	shalt  }
0x6c: {  	_ =	shalt  }
0x6d: {  	_ =	shalt  }
0x6e: {  	_ =	shalt  }
0x6f: {  	_ =	shalt  }
0x70: {  	_ =	shalt  }
0x71: {  	_ =	shalt  }
0x72: {  	_ =	shalt  }
0x73: {  	_ =	shalt  }
0x74: {  	_ =	shalt  }
0x75: {  	_ =	shalt  }
0x76: {  	_ =	shalt  }
0x77: {  	_ =	shalt  }
0x78: {  	_ =	shalt  }
0x79: {  	_ =	shalt  }
0x7a: {  	_ =	shalt  }
0x7b: {  	_ =	shalt  }
0x7c: {  	_ =	shalt  }
0x7d: {  	_ =	shalt  }
0x7e: {  	_ =	shalt  }
0x7f: {  	_ =	shalt  }
0x80: {  	_ =	shalt  }
0x81: {  	_ =	shalt  }
0x82: {  	_ =	shalt  }
0x83: {  	_ =	shalt  }
0x84: {  	_ =	shalt  }
0x85: {  	_ =	shalt  }
0x86: {  	_ =	shalt  }
0x87: {  	_ =	shalt  }
.Lfunc_end0:
.L_simem_size_0:
called_computation.2_lowered:
.L_overlay_start_0:
0x88: {  	s2 =	sld [smem:$0x3FD9]  }
0x89: {  	s3 =	sld [smem:$0x3FFE];
	_ =	sdelay $0x1  }
0x8a: {  	s1 =	srdreg.scid  }
0x8b: {  	s0 =	sand.u32 $0x1, s1  }
0x8c: {  	s16 =	sshll.u32 s0, $0xA;
	s2 =	sadd.s32 s3, s2  }
0x8d: {  	s2 =	sadd.s32 s2, s16  }
0x8e: {  	[smem:$0x3FA3] =	sst s2  }
0x8f: {  	_ = 	snop  }
0x90: {  	(tm) =	ssettm $0x1  }
0x91: {  	s17 =	sld [smem:$0x3FFB];
	_ =	sdelay $0x3  }
0x92: {  	_ =	strace s17  }
0x93: {  	s2 =	sld [smem:$0x3FFC];
	_ =	sdelay $0x3  }
0x94: {  	_ =	strace s2  }
0x95: {  	s2 =	sld [smem:$0x3FFD];
	_ =	sdelay $0x3  }
0x96: {  	_ =	strace s2  }
0x97: {  	_ =	strace $0x8FFFFFFF  }
0x98: {  	s18 =	sld [smem:$0x3FDB];
	_ =	sdelay $0x1  }
0x99: {  	s19 =	simm.s32 $_scs_section_size  }
0x9a: {  	s4 =	simm.s32 $_size__tile_overlayer_lowered;
	s5 =	simm.s32 $_tile_overlayer_lowered  }
0x9b: {  	s22 =	simm.s32 $0x1BFF;
	s21 =	sshll.u32 s5, $0x1;
	s2 =	sadd.s32 s19, s18  }
0x9c: {  	s6 =	simm.s32 $0x0;
	s20 =	sshll.u32 s4, $0x1;
	s4 =	sadd.s32 s21, s2  }
0x9d: {  	[timem:s6], [sflag:s22] =	dma.local [hbm:s4], s20  }
0x9e: {  	_ =	swait.ge [sflag:s22], s20  }
0x9f: {  	s3 =	ssub.s32 $0x0, s20;
	[sflag:s22] =	ssyncset.done $0x0  }
0xa0: {  	[sflag:s22] =	ssyncadd.s32 s3;
	_ =	sdelay $0x1  }
0xa1: {  	s23 =	simm.s32 $0x1B8B  }
0xa2: {  	_ =	swait.ge [sflag:s23], $0x1  }
0xa3: {  	[sflag:s23] =	ssyncset.done $0x0  }
0xa4: {  	s25 =	simm.s32 $0x1B8E;
	s24 =	sld [smem:$0x3FFE];
	[sflag:s23] =	ssyncadd.s32 $0xFFFFFFFF  }
0xa5: {  	s26 =	simm.s32 $execute0_lowered;
	[smem:$0x3FD2] =	sst s25  }
0xa6: {  	s4 =	sshll.u32 s26, $0x1;
	_ =	strace $0x8000004C;
	[dreg:$0x1] =	wrdreg $0xFFFFFFFF  }
0xa7: {  	s28 =	simm.s32 $_size_execute0_lowered;
	s2 =	sadd.s32 s2, s4;
	[dreg:$0x0] =	wrdreg $0x0  }
0xa8: {  	s4 =	sshll.u32 s28, $0x1;
	[dreg:$0x2] =	wrdreg s2  }
0xa9: {  	[dreg:$0x3] =	wrdreg s4  }
0xaa: {  	[dreg:$0x4] =	wrdreg $0xC0  }
0xab: {  	_ =	task [dreg:s6], $0x5FFFF  }
0xac: {  	[dreg:$0x1] =	wrdreg $0xFFFFFFFF  }
0xad: {  	[dreg:$0x0] =	wrdreg $0x60  }
0xae: {  	[dreg:$0x2] =	wrdreg s24  }
0xaf: {  	[dreg:$0x3] =	wrdreg $0x9  }
0xb0: {  	_ =	task.clear_ibuf [dreg:s6], $0x4FFFF;
	_ =	strace $0x9000004C  }
0xb1: {  	s29 =	simm.s32 $0x9;
	_ =	strace $0x8000004E  }
0xb2: {  	_ =	swait.ge [sflag:s29], $0x1  }
0xb3: {  	[sflag:s29] =	ssyncadd.s32 $0xFFFFFFFF  }
0xb4: {  	_ =	strace $0x9000004E  }
0xb5: {  	_ =	sfence  }
0xb6: {  	s30 =	sld [smem:$0x0];
	_ =	sdelay $0x2  }
0xb7: {  	s31 =	sshll.u32 s1, $0xD;
	s1 =	sshrl.u32 s1, $0x2  }
0xb8: {  	s3 =	sand.u32 $0x4000, s31;
	s1 =	sadd.s32 s1, s30  }
0xb9: {  	s0 =	sor.u32 s3, s0;
	s1 =	sshll.u32 s1, $0x11  }
0xba: {  	s0 =	sor.u32 s1, s0  }
0xbb: {  	s0 =	sadd.s32 $0x8F2B, s0  }
0xbc: {  	[sflag:s0] =	ssyncadd.remote.s32 $0x1  }
0xbd: {  	_ =	sfence.sel $0xFFFF  }
0xbe: {  	[dreg:$0x0] =	wrdreg $0xFFFFFFFF;
	(pc) =	sbr.abs _section_cstart, $3  }
0xbf: {  	[dreg:$0x1] =	wrdreg $0xFFFFFFFF  }
0xc0: {  	_ =	task.clear_ibuf [dreg:s6], $0x2FFFF;
	_ =	strace $0x9FFFFFFF  }
0xc1: {  	(tm) =	ssettm $0x7FFFFFFF  }
tec
execute0_lowered:
.L_overlay_start_1:
0x0: {  	(tag) =	ssettag $0x1  }
0x1: {  	s4 =	rddreg [dreg:$0x0]  }
0x2: {  	s0 =	rddreg [dreg:$0x1]  }
0x3: {  	s3 =	srdreg.scid;
	s2 =	simm.s32 $0x0;
	s1 =	stileid.u32  }
0x4: {  	s11 =	simm.s32 $0x5800;
	s12 =	simm.s32 $0x0;
	s5 =	sand.u32 $0x1, s3  }
0x5: {  	[smem:$0x7FF] =	sst s2;
	s28 =	sshll.u32 s1, $0x6;
	s3 =	sadd.s32 $0x2C400, s4  }
0x6: {  	s10 =	sadd.s32 $0xECC00, s4;
	s29 =	smul.u32 $0x24000, s1;
	s6 =	sshll.u32 s5, $0x5  }
0x7: {  	_ =	strace $0x8000004D;
	s8 =	ssub.s32 $0x2, s5;
	s30 =	smul.u32 $0x12000, s5  }
0x8: {  	s6 =	sor.u32 s6, s28;
	s9 =	sshrl.u32 s8, $0x1;
	s31 =	sadd.s32 s29, s10  }
0x9: {  	s7 =	sshll.u32 s6, $0x4;
	s6 =	smul.u32 $0x900, s6;
	s8 =	ssub.s32 s8, s9  }
0xa: {  	s9 =	simm.s32 $0x1000;
	s7 =	sadd.s32 s7, s4;
	s5 =	smax.u32 s8, $0x1  }
0xb: {  	s8 =	simm.s32 $0x3;
	s4 =	sadd.s32 $0x81000, s7;
	s6 =	sadd.s32 s10, s6  }
0xc: {  	s7 =	sadd.s32 s30, s31;
	s10 =	simm.s32 $0x2;
	s6 =	sadd.s32 $0x11700, s6  }
.LBB2_1:
0xd: {  	[tilespmem:s2], [sflag:$0x3] =	stream.linear.gather [hbm4b:s4+s2], $0x1000, $0x38;
	[tilespmem:$0xA000] =	vst v63  }
0xe: {  	_ =	swait.ge [sflag:s8], $0x1000  }
0xf: {  	s14 =	sand.u32 $0x1, s2;
	[sflag:s8] =	ssyncset.done $0x0  }
0x10: {  	s13 =	simm.s32 $0x80;
	p0 =	seq.s32 s14, $0x1;
	[sflag:s8] =	ssyncadd.s32 $0xFFFFF000  }
0x11: {  	[tilespmem:s9], [sflag:$0x1] =	stream.indirect.gather [hbm4b:s3+s13], $0x90, s2, s13, $0xb8;
	[tilespmem:$0xA000] =	vst v63  }
0x12: {  	s14 =	simm.s32 @p0 $0x80;
	s15 =	simm.s32 @p0 $0x1000;
	s16 =	simm.s32 @p0 $0x2  }
0x13: {  	[tilespmem:s15], [sflag:$0x1] =	stream.indirect.gather @p0 [hbm4b:s3+s14], $0x90, s13, s14, $0xb8;
	[tilespmem:$0xA000] =	vst v63  }
0x14: {  	_ =	swait.ge @p0 [sflag:s16], $0x4800  }
0x15: {  	[sflag:s16] =	ssyncset.done @p0 $0x0  }
0x16: {  	s14 =	simm.s32 @p0 $0x0;
	s15 =	simm.s32 @p0 $0x5800;
	[sflag:s16] =	ssyncadd.s32 @p0 $0xFFFFB800  }
0x17: {  	[hbm4b:s7+s14] =	stream.linear.scatter @p0 [tilespmem:s15], [sflag:$0x3], $0x4800, $0x38;
	[tilespmem:$0xA000] =	vst v63  }
0x18: {  	s17 =	simm.s32 @!p0 $0x1;
	s14 =	simm.s32 @!p0 $0x80;
	s15 =	simm.s32 @!p0 $0x5800  }
0x19: {  	[tilespmem:s15], [sflag:$0x2] =	stream.indirect.gather @!p0 [hbm4b:s3+s14], $0x90, s13, s14, $0xb8;
	[tilespmem:$0xA000] =	vst v63  }
0x1a: {  	s16 =	simm.s32 @!p0 $0x4;
	_ =	swait.ge @!p0 [sflag:s17], $0x4800  }
0x1b: {  	s31 =	simm.s32 $0x1;
	s16 =	simm.s32 @p0 $0x3;
	[sflag:s17] =	ssyncset.done @!p0 $0x0  }
0x1c: {  	s13 =	simm.s32 @!p0 $0x1000;
	[sflag:s17] =	ssyncadd.s32 @!p0 $0xFFFFB800;
	s17 =	simm.s32 @!p0 $0x0  }
0x1d: {  	[hbm4b:s7+s17] =	stream.linear.scatter @!p0 [tilespmem:s13], [sflag:$0x4], $0x4800, $0x38;
	[tilespmem:$0xA000] =	vst v63  }
0x1e: {  	s15 =	simm.s32 $0x2;
	s14 =	sand.u32 $0x1, s31;
	s13 =	sadd.s32 $0x900, s7  }
0x1f: {  	p0 =	seq.s32 s14, $0x1;
	s14 =	simm.s32 $0x100;
	_ =	swait.ge [sflag:s16], $0x4800  }
.LBB2_2:
0x20: {  	s17 =	simm.s32 @p0 $0x80;
	s18 =	simm.s32 @p0 $0x1000  }
0x21: {  	[sflag:s16] =	ssyncset.done $0x0;
	s19 =	smov.u32 s15;
	s20 =	smov.u32 s13  }
0x22: {  	s15 =	sadd.s32 $0x1, s15;
	s21 =	simm.s32 @p0 $0x2;
	[sflag:s16] =	ssyncadd.s32 $0xFFFFB800  }
0x23: {  	[tilespmem:s18], [sflag:$0x1] =	stream.indirect.gather @p0 [hbm4b:s3+s17], $0x90, s14, s17, $0xb8;
	[tilespmem:$0xA000] =	vst v63  }
0x24: {  	p1 =	sne.s32 s15, $0x1F;
	_ =	swait.ge @p0 [sflag:s21], $0x4800  }
0x25: {  	s13 =	sadd.s32 $0x900, s13;
	[sflag:s21] =	ssyncset.done @p0 $0x0  }
0x26: {  	s16 =	simm.s32 @p0 $0x0;
	s17 =	simm.s32 @p0 $0x5800;
	[sflag:s21] =	ssyncadd.s32 @p0 $0xFFFFB800  }
0x27: {  	[hbm4b:s20+s16] =	stream.linear.scatter @p0 [tilespmem:s17], [sflag:$0x3], $0x4800, $0x38;
	[tilespmem:$0xA000] =	vst v63  }
0x28: {  	s18 =	simm.s32 @!p0 $0x1;
	s16 =	simm.s32 @!p0 $0x80;
	s17 =	simm.s32 @!p0 $0x5800  }
0x29: {  	[tilespmem:s17], [sflag:$0x2] =	stream.indirect.gather @!p0 [hbm4b:s3+s16], $0x90, s14, s16, $0xb8;
	[tilespmem:$0xA000] =	vst v63  }
.Ltmp0:
0x2a: {  	s17 =	sand.u32 $0x1, s19;
	_ =	swait.ge @!p0 [sflag:s18], $0x4800;
	(pc) =	sbr.rel @p1 .LBB2_2-.Ltmp0, $4  }
0x2b: {  	s19 =	simm.s32 @!p0 $0x1000;
	s16 =	simm.s32 @!p0 $0x4;
	[sflag:s18] =	ssyncset.done @!p0 $0x0  }
0x2c: {  	s16 =	simm.s32 @p0 $0x3;
	[sflag:s18] =	ssyncadd.s32 @!p0 $0xFFFFB800;
	s18 =	simm.s32 @!p0 $0x0  }
0x2d: {  	[hbm4b:s20+s18] =	stream.linear.scatter @!p0 [tilespmem:s19], [sflag:$0x4], $0x4800, $0x38;
	[tilespmem:$0xA000] =	vst v63  }
0x2e: {  	s14 =	sadd.s32 $0x80, s14;
	p0 =	seq.s32 s17, $0x1;
	_ =	swait.ge [sflag:s16], $0x4800  }
0x2f: {  	s15 =	simm.s32 @p0 $0x80;
	[sflag:s16] =	ssyncset.done $0x0  }
0x30: {  	s17 =	simm.s32 @p0 $0x1000;
	s18 =	simm.s32 @p0 $0x2;
	[sflag:s16] =	ssyncadd.s32 $0xFFFFB800  }
0x31: {  	[tilespmem:s17], [sflag:$0x1] =	stream.indirect.gather @p0 [hbm4b:s3+s15], $0x90, s14, s15, $0xb8;
	[tilespmem:$0xA000] =	vst v63  }
0x32: {  	_ =	swait.ge @p0 [sflag:s18], $0x4800  }
0x33: {  	[sflag:s18] =	ssyncset.done @p0 $0x0  }
0x34: {  	s16 =	simm.s32 @p0 $0x5800;
	s15 =	simm.s32 @p0 $0x0;
	[sflag:s18] =	ssyncadd.s32 @p0 $0xFFFFB800  }
0x35: {  	[hbm4b:s13+s15] =	stream.linear.scatter @p0 [tilespmem:s16], [sflag:$0x3], $0x4800, $0x38;
	[tilespmem:$0xA000] =	vst v63  }
0x36: {  	s17 =	simm.s32 @!p0 $0x1;
	s15 =	simm.s32 @!p0 $0x80;
	s16 =	simm.s32 @!p0 $0x5800  }
0x37: {  	[tilespmem:s16], [sflag:$0x2] =	stream.indirect.gather @!p0 [hbm4b:s3+s15], $0x90, s14, s15, $0xb8;
	[tilespmem:$0xA000] =	vst v63  }
0x38: {  	_ =	swait.ge @!p0 [sflag:s17], $0x4800  }
0x39: {  	s14 =	simm.s32 @!p0 $0x1000;
	s15 =	simm.s32 @!p0 $0x4;
	[sflag:s17] =	ssyncset.done @!p0 $0x0  }
0x3a: {  	s16 =	simm.s32 @!p0 $0x0;
	s15 =	simm.s32 @p0 $0x3;
	[sflag:s17] =	ssyncadd.s32 @!p0 $0xFFFFB800  }
0x3b: {  	[hbm4b:s13+s16] =	stream.linear.scatter @!p0 [tilespmem:s14], [sflag:$0x4], $0x4800, $0x38;
	[tilespmem:$0xA000] =	vst v63  }
0x3c: {  	_ =	swait.ge [sflag:s15], $0x4800  }
0x3d: {  	[sflag:s15] =	ssyncset.done $0x0  }
0x3e: {  	[sflag:s15] =	ssyncadd.s32 $0xFFFFB800  }
0x3f: {  	s12 =	sadd.s32 $0x1, s12;
	_ =	swait.ge [sflag:s10], $0x4800  }
0x40: {  	p0 =	sne.s32 s12, s5;
	[sflag:s10] =	ssyncset.done $0x0  }
.Ltmp1:
0x41: {  	[sflag:s10] =	ssyncadd.s32 $0xFFFFB800;
	(pc) =	sbr.rel @p0 .LBB2_1-.Ltmp1, $4  }
0x42: {  	[hbm4b:s6+s2] =	stream.linear.scatter [tilespmem:s11], [sflag:$0x3], $0x4800, $0x38;
	[tilespmem:$0xA000] =	vst v63  }
0x43: {  	_ =	swait.ge [sflag:s8], $0x4800  }
0x44: {  	[sflag:s8] =	ssyncset.done $0x0  }
0x45: {  	[sflag:s8] =	ssyncadd.s32 $0xFFFFB800  }
0x46: {  	_ =	sfence.sel $0x180000  }
0x47: {  	[bflag:$0x0] =	sbarrier.arrive $0xFFFF  }
0x48: {  	p0 =	sne.s32 s1, $0x0;
	_ =	strace $0x9000004D  }
0x49: {  	s0 =	sadd.s32 @!p0 $0x100000, s0;
	[bflag:$0x2] =	sbarrier.arrive $0xFFFF  }
0x4a: {  	[sflag:s0] =	ssyncadd.tile.s32 @!p0 $0x1;
	_ =	shalt  }
.Lfunc_end2:
_tile_overlayer_lowered:
.L_overlay_start_2:
0x4b: {  	(tag) =	ssettag $0x2  }
0x4c: {  	s0 =	rddreg [dreg:$0x0];
	s2 =	stileid.u32  }
0x4d: {  	s1 =	rddreg [dreg:$0x1];
	p0 =	sne.s32 s2, $0x0  }
0x4e: {  	s3 =	rddreg [dreg:$0x2];
	[bflag:$0x3] =	sbarrier.arrive $0xFFFF;
	s2 =	simm.s32 @!p0 $0x1C03  }
0x4f: {  	[timem:s3], [sflag:s2] =	dma.local @!p0 [hbm:s0], s1  }
0x50: {  	s0 =	simm.s32 @!p0 $0x3  }
0x51: {  	_ =	swait.ge @!p0 [sflag:s0], s1  }
0x52: {  	s1 =	ssub.s32 @!p0 $0x0, s1;
	[sflag:s0] =	ssyncset.done @!p0 $0x0  }
0x53: {  	[sflag:s0] =	ssyncadd.s32 @!p0 s1  }
0x54: {  	[bflag:$0x3] =	sbarrier.arrive $0xFFFF  }
0x55: {  	_ =	shalt  }

// kernel: kernel.27.cloned.1.call-start
scs
__scs_entry_jumppad:
0x0: {  	(pc) =	sbr.rel $0x88, $3  }
0x1: {  	(tag) =	ssettag $0x0;
	lr =	simm.s32 $0x1  }
0x2: {  	[smem:$0x3F7C] =	sst lr;
	_ =	strace $0xD0000000  }
0x3: {  	_ = 	snop  }
0x4: {  	_ = 	snop  }
0x5: {  	_ = 	snop  }
0x6: {  	_ = 	snop  }
0x7: {  	_ = 	snop  }
__scs_overlays_trampoline_lowered:
0x8: {  	[smem:$0x3F8B] =	sst s0  }
0x9: {  	[smem:$0x3F8C] =	sst s1  }
0xa: {  	[smem:$0x3F8D] =	sst s2  }
0xb: {  	[smem:$0x3F8E] =	sst s3  }
0xc: {  	[smem:$0x3F8F] =	sst s4  }
0xd: {  	[smem:$0x3F90] =	sst s5  }
0xe: {  	[smem:$0x3F91] =	sst s6  }
0xf: {  	[smem:$0x3F92] =	sst s7  }
0x10: {  	[smem:$0x3F93] =	sst s8  }
0x11: {  	[smem:$0x3F94] =	sst s9;
	s0 =	simm.s32 @!p0 $0x0  }
0x12: {  	s1 =	sld [smem:$0x3F7A];
	s0 =	simm.s32 @p0 $0x1  }
0x13: {  	[smem:$0x3F95] =	sst s0;
	s0 =	simm.s32 @!p1 $0x0  }
0x14: {  	s2 =	sld [smem:$0x3F79];
	s0 =	simm.s32 @p1 $0x1  }
0x15: {  	[smem:$0x3F96] =	sst s0;
	s0 =	simm.s32 @!p2 $0x0  }
0x16: {  	s3 =	sld [smem:$0x3FDB];
	s0 =	simm.s32 @p2 $0x1  }
0x17: {  	s4 =	simm.s32 $0x1BF5;
	[smem:$0x3F98] =	sst s0  }
0x18: {  	s0 =	sld [smem:$0x3F7B];
	_ =	swait.ge [sflag:s4], $0x0  }
0x19: {  	s7 =	sld [smem:$0x3F7C]  }
0x1a: {  	s8 =	sadd.s32 $0xFFFFE003, lr  }
0x1b: {  	s9 =	sadd.s32 $0xFFFFFEF7, lr;
	s5 =	simm.s32 $0xFFFFFFFF;
	p2 =	slt.u32 s8, $0xFFFFF086  }
0x1c: {  	p1 =	slt.u32 s9, $0xF7A;
	s5 =	simm.s32 @!p2 $0x0  }
0x1d: {  	s5 =	simm.s32 @p1 $0x1;
	p0 =	seq.s32 s7, s2  }
0x1e: {  	s7 =	smul.u32 @!p0 $0xF7A, s2;
	p2 =	seq.s32 @!p0 s5, $0x0  }
0x1f: {  	s9 =	smul.u32 $0xF7A, s1;
	s8 =	simm.s32 @!p0 $0x1BF5;
	p2 =	por !p2, p0  }
0x20: {  	[sflag:s8] =	ssyncset.s32 @!p0 $0xFFFFF086;
	s6 =	sadd.s32 @!p0 s3, s7;
	s7 =	simm.s32 @!p0 $0x108  }
0x21: {  	s3 =	sadd.s32 s3, s9;
	s6 =	sadd.s32 @!p0 $0x88, s6;
	s7 =	simm.s32 @p2 $0x1082  }
0x22: {  	[simem:s7], [sflag:s8] =	dma.local @!p0 [hbm:s6], $0xF7A  }
0x23: {  	s9 =	sor.u32 $0xD0000000, s2;
	s6 =	simm.s32 $0x108;
	_ =	swait.ge @!p0 [sflag:s8], $0x0  }
0x24: {  	s3 =	sadd.s32 $0x88, s3;
	s6 =	simm.s32 @!p1 $0x1082;
	[sflag:s4] =	ssyncset.s32 $0xFFFFF086  }
0x25: {  	[simem:s6], [sflag:s4] =	dma.local [hbm:s3], $0xF7A  }
0x26: {  	[smem:$0x3F7C] =	sst s1;
	(tag) =	ssettag s2;
	_ =	strace s9  }
0x27: {  	s1 =	sld [smem:$0x3F8C]  }
0x28: {  	s2 =	sld [smem:$0x3F8D]  }
0x29: {  	s4 =	sld [smem:$0x3F8F]  }
0x2a: {  	p0 =	seq.s32 s5, $0x0;
	s5 =	sld [smem:$0x3F90]  }
0x2b: {  	s6 =	sld [smem:$0x3F91]  }
0x2c: {  	s7 =	sld [smem:$0x3F92]  }
0x2d: {  	s3 =	simm.s32 $0x108;
	s8 =	sld [smem:$0x3F93]  }
0x2e: {  	s3 =	simm.s32 @!p0 $0x1082;
	s9 =	sld [smem:$0x3F94]  }
0x2f: {  	lr =	sadd.s32 s0, s3;
	s0 =	sld [smem:$0x3F8B]  }
0x30: {  	s3 =	sld [smem:$0x3F8E]  }
0x31: {  	[smem:$0x3F97] =	sst s10  }
0x32: {  	s10 =	sld [smem:$0x3F95];
	_ =	sdelay $0x3  }
0x33: {  	p0 =	seq.s32 s10, $0x1;
	s10 =	sld [smem:$0x3F97];
	_ =	sdelay $0x3  }
0x34: {  	[smem:$0x3F97] =	sst s10  }
0x35: {  	s10 =	sld [smem:$0x3F96];
	_ =	sdelay $0x3  }
0x36: {  	p1 =	seq.s32 s10, $0x1;
	s10 =	sld [smem:$0x3F97];
	_ =	sdelay $0x3  }
0x37: {  	[smem:$0x3F97] =	sst s10  }
0x38: {  	s10 =	sld [smem:$0x3F98]  }
0x39: {  	_ = 	snop;
	(pc) =	sbr.ind lr, $3  }
0x3a: {  	_ = 	snop  }
0x3b: {  	_ = 	snop  }
0x3c: {  	p2 =	seq.s32 s10, $0x1;
	s10 =	sld [smem:$0x3F97]  }
0x3d: {  	_ =	shalt  }
0x3e: {  	_ =	shalt  }
0x3f: {  	_ =	shalt  }
0x40: {  	_ =	shalt  }
0x41: {  	_ =	shalt  }
0x42: {  	_ =	shalt  }
0x43: {  	_ =	shalt  }
0x44: {  	_ =	shalt  }
0x45: {  	_ =	shalt  }
0x46: {  	_ =	shalt  }
0x47: {  	_ =	shalt  }
0x48: {  	_ =	shalt  }
0x49: {  	_ =	shalt  }
0x4a: {  	_ =	shalt  }
0x4b: {  	_ =	shalt  }
0x4c: {  	_ =	shalt  }
0x4d: {  	_ =	shalt  }
0x4e: {  	_ =	shalt  }
0x4f: {  	_ =	shalt  }
0x50: {  	_ =	shalt  }
0x51: {  	_ =	shalt  }
0x52: {  	_ =	shalt  }
0x53: {  	_ =	shalt  }
0x54: {  	_ =	shalt  }
0x55: {  	_ =	shalt  }
0x56: {  	_ =	shalt  }
0x57: {  	_ =	shalt  }
0x58: {  	_ =	shalt  }
0x59: {  	_ =	shalt  }
0x5a: {  	_ =	shalt  }
0x5b: {  	_ =	shalt  }
0x5c: {  	_ =	shalt  }
0x5d: {  	_ =	shalt  }
0x5e: {  	_ =	shalt  }
0x5f: {  	_ =	shalt  }
0x60: {  	_ =	shalt  }
0x61: {  	_ =	shalt  }
0x62: {  	_ =	shalt  }
0x63: {  	_ =	shalt  }
0x64: {  	_ =	shalt  }
0x65: {  	_ =	shalt  }
0x66: {  	_ =	shalt  }
0x67: {  	_ =	shalt  }
0x68: {  	_ =	shalt  }
0x69: {  	_ =	shalt  }
0x6a: {  	_ =	shalt  }
0x6b: {  	_ =	shalt  }
0x6c: {  	_ =	shalt  }
0x6d: {  	_ =	shalt  }
0x6e: {  	_ =	shalt  }
0x6f: {  	_ =	shalt  }
0x70: {  	_ =	shalt  }
0x71: {  	_ =	shalt  }
0x72: {  	_ =	shalt  }
0x73: {  	_ =	shalt  }
0x74: {  	_ =	shalt  }
0x75: {  	_ =	shalt  }
0x76: {  	_ =	shalt  }
0x77: {  	_ =	shalt  }
0x78: {  	_ =	shalt  }
0x79: {  	_ =	shalt  }
0x7a: {  	_ =	shalt  }
0x7b: {  	_ =	shalt  }
0x7c: {  	_ =	shalt  }
0x7d: {  	_ =	shalt  }
0x7e: {  	_ =	shalt  }
0x7f: {  	_ =	shalt  }
0x80: {  	_ =	shalt  }
0x81: {  	_ =	shalt  }
0x82: {  	_ =	shalt  }
0x83: {  	_ =	shalt  }
0x84: {  	_ =	shalt  }
0x85: {  	_ =	shalt  }
0x86: {  	_ =	shalt  }
0x87: {  	_ =	shalt  }
.Lfunc_end0:
.L_simem_size_0:
called_computation.3_lowered:
.L_overlay_start_0:
0x88: {  	s2 =	sld [smem:$0x3FD9]  }
0x89: {  	s3 =	sld [smem:$0x3FFE];
	_ =	sdelay $0x1  }
0x8a: {  	s1 =	srdreg.scid  }
0x8b: {  	s0 =	sand.u32 $0x1, s1  }
0x8c: {  	s16 =	sshll.u32 s0, $0xA;
	s2 =	sadd.s32 s3, s2  }
0x8d: {  	s2 =	sadd.s32 s2, s16  }
0x8e: {  	[smem:$0x3FA3] =	sst s2  }
0x8f: {  	_ = 	snop  }
0x90: {  	(tm) =	ssettm $0x1  }
0x91: {  	s17 =	sld [smem:$0x3FFB];
	_ =	sdelay $0x3  }
0x92: {  	_ =	strace s17  }
0x93: {  	s2 =	sld [smem:$0x3FFC];
	_ =	sdelay $0x3  }
0x94: {  	_ =	strace s2  }
0x95: {  	s2 =	sld [smem:$0x3FFD];
	_ =	sdelay $0x3  }
0x96: {  	_ =	strace s2  }
0x97: {  	_ =	strace $0x8FFFFFFF  }
0x98: {  	s18 =	sld [smem:$0x3FDB];
	_ =	sdelay $0x1  }
0x99: {  	s19 =	simm.s32 $_scs_section_size  }
0x9a: {  	s4 =	simm.s32 $_size__tile_overlayer_lowered;
	s5 =	simm.s32 $_tile_overlayer_lowered  }
0x9b: {  	s22 =	simm.s32 $0x1BFF;
	s21 =	sshll.u32 s5, $0x1;
	s2 =	sadd.s32 s19, s18  }
0x9c: {  	s6 =	simm.s32 $0x0;
	s20 =	sshll.u32 s4, $0x1;
	s4 =	sadd.s32 s21, s2  }
0x9d: {  	[timem:s6], [sflag:s22] =	dma.local [hbm:s4], s20  }
0x9e: {  	_ =	swait.ge [sflag:s22], s20  }
0x9f: {  	s3 =	ssub.s32 $0x0, s20;
	[sflag:s22] =	ssyncset.done $0x0  }
0xa0: {  	[sflag:s22] =	ssyncadd.s32 s3;
	_ =	sdelay $0x1  }
0xa1: {  	s23 =	simm.s32 $0x1B8B  }
0xa2: {  	_ =	swait.ge [sflag:s23], $0x1  }
0xa3: {  	[sflag:s23] =	ssyncset.done $0x0  }
0xa4: {  	s25 =	simm.s32 $0x1B8E;
	s24 =	sld [smem:$0x3FFE];
	[sflag:s23] =	ssyncadd.s32 $0xFFFFFFFF  }
0xa5: {  	s26 =	simm.s32 $execute0_lowered;
	[smem:$0x3FD2] =	sst s25  }
0xa6: {  	s4 =	sshll.u32 s26, $0x1;
	_ =	strace $0x8000004F;
	[dreg:$0x1] =	wrdreg $0xFFFFFFFF  }
0xa7: {  	s28 =	simm.s32 $_size_execute0_lowered;
	s2 =	sadd.s32 s2, s4;
	[dreg:$0x0] =	wrdreg $0x0  }
0xa8: {  	s4 =	sshll.u32 s28, $0x1;
	[dreg:$0x2] =	wrdreg s2  }
0xa9: {  	[dreg:$0x3] =	wrdreg s4  }
0xaa: {  	[dreg:$0x4] =	wrdreg $0xC0  }
0xab: {  	_ =	task [dreg:s6], $0x5FFFF  }
0xac: {  	[dreg:$0x1] =	wrdreg $0xFFFFFFFF  }
0xad: {  	[dreg:$0x0] =	wrdreg $0x60  }
0xae: {  	[dreg:$0x2] =	wrdreg s24  }
0xaf: {  	[dreg:$0x3] =	wrdreg $0x9  }
0xb0: {  	_ =	task.clear_ibuf [dreg:s6], $0x4FFFF;
	_ =	strace $0x9000004F  }
0xb1: {  	s29 =	simm.s32 $0x9;
	_ =	strace $0x80000051  }
0xb2: {  	_ =	swait.ge [sflag:s29], $0x1  }
0xb3: {  	[sflag:s29] =	ssyncadd.s32 $0xFFFFFFFF  }
0xb4: {  	_ =	strace $0x90000051  }
0xb5: {  	_ =	sfence  }
0xb6: {  	s30 =	sld [smem:$0x0];
	_ =	sdelay $0x2  }
0xb7: {  	s31 =	sshll.u32 s1, $0xD;
	s1 =	sshrl.u32 s1, $0x2  }
0xb8: {  	s3 =	sand.u32 $0x4000, s31;
	s1 =	sadd.s32 s1, s30  }
0xb9: {  	s0 =	sor.u32 s3, s0;
	s1 =	sshll.u32 s1, $0x11  }
0xba: {  	s0 =	sor.u32 s1, s0  }
0xbb: {  	s0 =	sadd.s32 $0x8F2B, s0  }
0xbc: {  	[sflag:s0] =	ssyncadd.remote.s32 $0x1  }
0xbd: {  	_ =	sfence.sel $0xFFFF  }
0xbe: {  	[dreg:$0x0] =	wrdreg $0xFFFFFFFF;
	(pc) =	sbr.abs _section_cstart, $3  }
0xbf: {  	[dreg:$0x1] =	wrdreg $0xFFFFFFFF  }
0xc0: {  	_ =	task.clear_ibuf [dreg:s6], $0x2FFFF;
	_ =	strace $0x9FFFFFFF  }
0xc1: {  	(tm) =	ssettm $0x7FFFFFFF  }
tec
execute0_lowered:
.L_overlay_start_1:
0x0: {  	(tag) =	ssettag $0x1  }
0x1: {  	s4 =	rddreg [dreg:$0x0]  }
0x2: {  	s0 =	rddreg [dreg:$0x1]  }
0x3: {  	s3 =	srdreg.scid;
	s2 =	simm.s32 $0x0;
	s1 =	stileid.u32  }
0x4: {  	s11 =	simm.s32 $0x8C00;
	s12 =	simm.s32 $0x0;
	s5 =	sand.u32 $0x1, s3  }
0x5: {  	[smem:$0x7FF] =	sst s2;
	s28 =	sshll.u32 s1, $0x6;
	s3 =	sadd.s32 $0x4C400, s4  }
0x6: {  	s10 =	sadd.s32 $0x8E400, s4;
	s29 =	smul.u32 $0x42000, s1;
	s6 =	sshll.u32 s5, $0x5  }
0x7: {  	_ =	strace $0x80000050;
	s8 =	ssub.s32 $0x2, s5;
	s30 =	smul.u32 $0x21000, s5  }
0x8: {  	s6 =	sor.u32 s6, s28;
	s9 =	sshrl.u32 s8, $0x1;
	s31 =	sadd.s32 s29, s10  }
0x9: {  	s7 =	sshll.u32 s6, $0x3;
	s6 =	smul.u32 $0x1080, s6;
	s8 =	ssub.s32 s8, s9  }
0xa: {  	s9 =	simm.s32 $0x800;
	s7 =	sadd.s32 s7, s4;
	s5 =	smax.u32 s8, $0x1  }
0xb: {  	s8 =	simm.s32 $0x3;
	s4 =	sadd.s32 $0x1C000, s7;
	s6 =	sadd.s32 s10, s6  }
0xc: {  	s7 =	sadd.s32 s30, s31;
	s10 =	simm.s32 $0x2;
	s6 =	sadd.s32 $0x1FF80, s6  }
.LBB2_1:
0xd: {  	[tilespmem:s2], [sflag:$0x3] =	stream.linear.gather [hbm4b:s4+s2], $0x800, $0x38;
	[tilespmem:$0x11000] =	vst v63  }
0xe: {  	_ =	swait.ge [sflag:s8], $0x800  }
0xf: {  	s14 =	sand.u32 $0x1, s2;
	[sflag:s8] =	ssyncset.done $0x0  }
0x10: {  	s13 =	simm.s32 $0x40;
	p0 =	seq.s32 s14, $0x1;
	[sflag:s8] =	ssyncadd.s32 $0xFFFFF800  }
0x11: {  	[tilespmem:s9], [sflag:$0x1] =	stream.indirect.gather [hbm4b:s3+s13], $0x210, s2, s13, $0xb8;
	[tilespmem:$0x11000] =	vst v63  }
0x12: {  	s14 =	simm.s32 @p0 $0x40;
	s15 =	simm.s32 @p0 $0x800;
	s16 =	simm.s32 @p0 $0x2  }
0x13: {  	[tilespmem:s15], [sflag:$0x1] =	stream.indirect.gather @p0 [hbm4b:s3+s14], $0x210, s13, s14, $0xb8;
	[tilespmem:$0x11000] =	vst v63  }
0x14: {  	_ =	swait.ge @p0 [sflag:s16], $0x8400  }
0x15: {  	[sflag:s16] =	ssyncset.done @p0 $0x0  }
0x16: {  	s14 =	simm.s32 @p0 $0x0;
	s15 =	simm.s32 @p0 $0x8C00;
	[sflag:s16] =	ssyncadd.s32 @p0 $0xFFFF7C00  }
0x17: {  	[hbm4b:s7+s14] =	stream.linear.scatter @p0 [tilespmem:s15], [sflag:$0x3], $0x8400, $0x38;
	[tilespmem:$0x11000] =	vst v63  }
0x18: {  	s17 =	simm.s32 @!p0 $0x1;
	s14 =	simm.s32 @!p0 $0x40;
	s15 =	simm.s32 @!p0 $0x8C00  }
0x19: {  	[tilespmem:s15], [sflag:$0x2] =	stream.indirect.gather @!p0 [hbm4b:s3+s14], $0x210, s13, s14, $0xb8;
	[tilespmem:$0x11000] =	vst v63  }
0x1a: {  	s16 =	simm.s32 @!p0 $0x4;
	_ =	swait.ge @!p0 [sflag:s17], $0x8400  }
0x1b: {  	s31 =	simm.s32 $0x1;
	s16 =	simm.s32 @p0 $0x3;
	[sflag:s17] =	ssyncset.done @!p0 $0x0  }
0x1c: {  	s13 =	simm.s32 @!p0 $0x800;
	[sflag:s17] =	ssyncadd.s32 @!p0 $0xFFFF7C00;
	s17 =	simm.s32 @!p0 $0x0  }
0x1d: {  	[hbm4b:s7+s17] =	stream.linear.scatter @!p0 [tilespmem:s13], [sflag:$0x4], $0x8400, $0x38;
	[tilespmem:$0x11000] =	vst v63  }
0x1e: {  	s15 =	simm.s32 $0x2;
	s14 =	sand.u32 $0x1, s31;
	s13 =	sadd.s32 $0x1080, s7  }
0x1f: {  	p0 =	seq.s32 s14, $0x1;
	s14 =	simm.s32 $0x80;
	_ =	swait.ge [sflag:s16], $0x8400  }
.LBB2_2:
0x20: {  	s17 =	simm.s32 @p0 $0x40;
	s18 =	simm.s32 @p0 $0x800  }
0x21: {  	[sflag:s16] =	ssyncset.done $0x0;
	s19 =	smov.u32 s15;
	s20 =	smov.u32 s13  }
0x22: {  	s15 =	sadd.s32 $0x1, s15;
	s21 =	simm.s32 @p0 $0x2;
	[sflag:s16] =	ssyncadd.s32 $0xFFFF7C00  }
0x23: {  	[tilespmem:s18], [sflag:$0x1] =	stream.indirect.gather @p0 [hbm4b:s3+s17], $0x210, s14, s17, $0xb8;
	[tilespmem:$0x11000] =	vst v63  }
0x24: {  	p1 =	sne.s32 s15, $0x1F;
	_ =	swait.ge @p0 [sflag:s21], $0x8400  }
0x25: {  	s13 =	sadd.s32 $0x1080, s13;
	[sflag:s21] =	ssyncset.done @p0 $0x0  }
0x26: {  	s16 =	simm.s32 @p0 $0x0;
	s17 =	simm.s32 @p0 $0x8C00;
	[sflag:s21] =	ssyncadd.s32 @p0 $0xFFFF7C00  }
0x27: {  	[hbm4b:s20+s16] =	stream.linear.scatter @p0 [tilespmem:s17], [sflag:$0x3], $0x8400, $0x38;
	[tilespmem:$0x11000] =	vst v63  }
0x28: {  	s18 =	simm.s32 @!p0 $0x1;
	s16 =	simm.s32 @!p0 $0x40;
	s17 =	simm.s32 @!p0 $0x8C00  }
0x29: {  	[tilespmem:s17], [sflag:$0x2] =	stream.indirect.gather @!p0 [hbm4b:s3+s16], $0x210, s14, s16, $0xb8;
	[tilespmem:$0x11000] =	vst v63  }
.Ltmp0:
0x2a: {  	s17 =	sand.u32 $0x1, s19;
	_ =	swait.ge @!p0 [sflag:s18], $0x8400;
	(pc) =	sbr.rel @p1 .LBB2_2-.Ltmp0, $4  }
0x2b: {  	s19 =	simm.s32 @!p0 $0x800;
	s16 =	simm.s32 @!p0 $0x4;
	[sflag:s18] =	ssyncset.done @!p0 $0x0  }
0x2c: {  	s16 =	simm.s32 @p0 $0x3;
	[sflag:s18] =	ssyncadd.s32 @!p0 $0xFFFF7C00;
	s18 =	simm.s32 @!p0 $0x0  }
0x2d: {  	[hbm4b:s20+s18] =	stream.linear.scatter @!p0 [tilespmem:s19], [sflag:$0x4], $0x8400, $0x38;
	[tilespmem:$0x11000] =	vst v63  }
0x2e: {  	s14 =	sadd.s32 $0x40, s14;
	p0 =	seq.s32 s17, $0x1;
	_ =	swait.ge [sflag:s16], $0x8400  }
0x2f: {  	s15 =	simm.s32 @p0 $0x40;
	[sflag:s16] =	ssyncset.done $0x0  }
0x30: {  	s17 =	simm.s32 @p0 $0x800;
	s18 =	simm.s32 @p0 $0x2;
	[sflag:s16] =	ssyncadd.s32 $0xFFFF7C00  }
0x31: {  	[tilespmem:s17], [sflag:$0x1] =	stream.indirect.gather @p0 [hbm4b:s3+s15], $0x210, s14, s15, $0xb8;
	[tilespmem:$0x11000] =	vst v63  }
0x32: {  	_ =	swait.ge @p0 [sflag:s18], $0x8400  }
0x33: {  	[sflag:s18] =	ssyncset.done @p0 $0x0  }
0x34: {  	s16 =	simm.s32 @p0 $0x8C00;
	s15 =	simm.s32 @p0 $0x0;
	[sflag:s18] =	ssyncadd.s32 @p0 $0xFFFF7C00  }
0x35: {  	[hbm4b:s13+s15] =	stream.linear.scatter @p0 [tilespmem:s16], [sflag:$0x3], $0x8400, $0x38;
	[tilespmem:$0x11000] =	vst v63  }
0x36: {  	s17 =	simm.s32 @!p0 $0x1;
	s15 =	simm.s32 @!p0 $0x40;
	s16 =	simm.s32 @!p0 $0x8C00  }
0x37: {  	[tilespmem:s16], [sflag:$0x2] =	stream.indirect.gather @!p0 [hbm4b:s3+s15], $0x210, s14, s15, $0xb8;
	[tilespmem:$0x11000] =	vst v63  }
0x38: {  	_ =	swait.ge @!p0 [sflag:s17], $0x8400  }
0x39: {  	s14 =	simm.s32 @!p0 $0x800;
	s15 =	simm.s32 @!p0 $0x4;
	[sflag:s17] =	ssyncset.done @!p0 $0x0  }
0x3a: {  	s16 =	simm.s32 @!p0 $0x0;
	s15 =	simm.s32 @p0 $0x3;
	[sflag:s17] =	ssyncadd.s32 @!p0 $0xFFFF7C00  }
0x3b: {  	[hbm4b:s13+s16] =	stream.linear.scatter @!p0 [tilespmem:s14], [sflag:$0x4], $0x8400, $0x38;
	[tilespmem:$0x11000] =	vst v63  }
0x3c: {  	_ =	swait.ge [sflag:s15], $0x8400  }
0x3d: {  	[sflag:s15] =	ssyncset.done $0x0  }
0x3e: {  	[sflag:s15] =	ssyncadd.s32 $0xFFFF7C00  }
0x3f: {  	s12 =	sadd.s32 $0x1, s12;
	_ =	swait.ge [sflag:s10], $0x8400  }
0x40: {  	p0 =	sne.s32 s12, s5;
	[sflag:s10] =	ssyncset.done $0x0  }
.Ltmp1:
0x41: {  	[sflag:s10] =	ssyncadd.s32 $0xFFFF7C00;
	(pc) =	sbr.rel @p0 .LBB2_1-.Ltmp1, $4  }
0x42: {  	[hbm4b:s6+s2] =	stream.linear.scatter [tilespmem:s11], [sflag:$0x3], $0x8400, $0x38;
	[tilespmem:$0x11000] =	vst v63  }
0x43: {  	_ =	swait.ge [sflag:s8], $0x8400  }
0x44: {  	[sflag:s8] =	ssyncset.done $0x0  }
0x45: {  	[sflag:s8] =	ssyncadd.s32 $0xFFFF7C00  }
0x46: {  	_ =	sfence.sel $0x180000  }
0x47: {  	[bflag:$0x0] =	sbarrier.arrive $0xFFFF  }
0x48: {  	p0 =	sne.s32 s1, $0x0;
	_ =	strace $0x90000050  }
0x49: {  	s0 =	sadd.s32 @!p0 $0x100000, s0;
	[bflag:$0x2] =	sbarrier.arrive $0xFFFF  }
0x4a: {  	[sflag:s0] =	ssyncadd.tile.s32 @!p0 $0x1;
	_ =	shalt  }
.Lfunc_end2:
_tile_overlayer_lowered:
.L_overlay_start_2:
0x4b: {  	(tag) =	ssettag $0x2  }
0x4c: {  	s0 =	rddreg [dreg:$0x0];
	s2 =	stileid.u32  }
0x4d: {  	s1 =	rddreg [dreg:$0x1];
	p0 =	sne.s32 s2, $0x0  }
0x4e: {  	s3 =	rddreg [dreg:$0x2];
	[bflag:$0x3] =	sbarrier.arrive $0xFFFF;
	s2 =	simm.s32 @!p0 $0x1C03  }
0x4f: {  	[timem:s3], [sflag:s2] =	dma.local @!p0 [hbm:s0], s1  }
0x50: {  	s0 =	simm.s32 @!p0 $0x3  }
0x51: {  	_ =	swait.ge @!p0 [sflag:s0], s1  }
0x52: {  	s1 =	ssub.s32 @!p0 $0x0, s1;
	[sflag:s0] =	ssyncset.done @!p0 $0x0  }
0x53: {  	[sflag:s0] =	ssyncadd.s32 @!p0 s1  }
0x54: {  	[bflag:$0x3] =	sbarrier.arrive $0xFFFF  }
0x55: {  	_ =	shalt  }

</sc_bundles>
